<compile_context>
chip_gen: v7x
topology: tpu7x:2x2x1
jax: 0.10.2.dev20260603
libtpu: 0.0.44.dev20260713+nightly
codegen_flags: <defaults>
</compile_context>

<pallas_src>
import jax
import jax.numpy as jnp
from jax import lax
from jax.experimental import pallas as pl
from jax.experimental.pallas import tpu as pltpu
from jax.experimental.pallas import tpu_sc as plsc

G = 2048
N_TOTAL = 1000000
NC = 2
NS = 16
NW = NC * NS

CHUNK = 1488
GROUPS = CHUNK // 16
NCHUNKS = 21
PER_W = CHUNK * NCHUNKS
TAIL = N_TOTAL - PER_W * NW
TAIL_GROUPS = TAIL // 16


def _cr_weights(t):
    t2 = t * t
    t3 = t2 * t
    w0 = 0.5 * (-t3 + 2.0 * t2 - t)
    w1 = 0.5 * (3.0 * t3 - 5.0 * t2 + 2.0)
    w2 = 0.5 * (-3.0 * t3 + 4.0 * t2 + t)
    w3 = 0.5 * (t3 - t2)
    return w0, w1, w2, w3


def _body(c1a_hbm, c1b_hbm, x_hbm, y_hbm, r_hbm, c_hbm, tab_hbm, out_hbm,
          pts_v, rci_v, idx_v, rows_v, out_v, sem):
    cid = lax.axis_index("c")
    sid = lax.axis_index("s")
    wid = sid * NC + cid

    def process_chunk(base, ngroups, acc):
        npts = ngroups * 16
        for f, src in enumerate((c1a_hbm, c1b_hbm, x_hbm, y_hbm)):
            pltpu.sync_copy(src.at[pl.ds(base, npts)],
                            pts_v.at[pl.ds(f * CHUNK, npts)])
        for f, src in enumerate((r_hbm, c_hbm)):
            pltpu.sync_copy(src.at[pl.ds(base, npts)],
                            rci_v.at[pl.ds(f * CHUNK, npts)])

        def build_one(g, carry):
            r = rci_v[pl.ds(g * 16, 16)]
            cc = rci_v[pl.ds(CHUNK + g * 16, 16)]
            f2 = 2 * (r * G + cc)
            for i in range(4):
                for j in range(4):
                    off = 2 * ((i - 1) * G + (j - 1))
                    s = g * 512 + (i * 4 + j) * 32
                    idx_v[pl.ds(s, 16)] = f2 + off
                    idx_v[pl.ds(s + 16, 16)] = f2 + (off + 1)
            return carry

        lax.fori_loop(0, ngroups, build_one, 0, unroll=False)

        nidx = ngroups * 512
        pltpu.make_async_copy(
            tab_hbm.at[idx_v.at[pl.ds(0, nidx)]],
            rows_v.at[pl.ds(0, nidx)], sem).start()
        pltpu.make_async_copy(
            tab_hbm.at[idx_v.at[pl.ds(0, nidx)]],
            rows_v.at[pl.ds(0, nidx)], sem).wait()

        def comp_one(g, a):
            x = lax.rem(pts_v[pl.ds(2 * CHUNK + g * 16, 16)],
                        jnp.float32(1.0))
            y = lax.rem(pts_v[pl.ds(3 * CHUNK + g * 16, 16)],
                        jnp.float32(1.0))
            wx = _cr_weights(x)
            wy = _cr_weights(y)
            ma = jnp.zeros((16,), jnp.float32)
            mb = jnp.zeros((16,), jnp.float32)
            for i in range(4):
                ra = jnp.zeros((16,), jnp.float32)
                rb = jnp.zeros((16,), jnp.float32)
                for j in range(4):
                    w = g * 512 + (i * 4 + j) * 32
                    ra = ra + wy[j] * rows_v[pl.ds(w, 16)]
                    rb = rb + wy[j] * rows_v[pl.ds(w + 16, 16)]
                ma = ma + wx[i] * ra
                mb = mb + wx[i] * rb
            ea = pts_v[pl.ds(g * 16, 16)] - ma
            eb = pts_v[pl.ds(CHUNK + g * 16, 16)] - mb
            return a + ea * ea + eb * eb

        return lax.fori_loop(0, ngroups, comp_one, acc, unroll=False)

    def chunk_body(k, acc):
        return process_chunk(wid * PER_W + k * CHUNK, GROUPS, acc)

    acc = lax.fori_loop(0, NCHUNKS, chunk_body,
                        jnp.zeros((16,), jnp.float32), unroll=False)
    ntail = jnp.where(wid == NW - 1, 1, 0)
    acc = lax.fori_loop(
        0, ntail,
        lambda k, a: process_chunk(NW * PER_W, TAIL_GROUPS, a),
        acc, unroll=False)
    out_v[...] = acc
    pltpu.sync_copy(out_v, out_hbm.at[wid])


@jax.jit
def _run(c1a, c1b, x, y, r, c, tab):
    mesh = plsc.VectorSubcoreMesh(core_axis_name="c", subcore_axis_name="s")
    f = pl.kernel(
        _body,
        out_type=jax.ShapeDtypeStruct((NW, 16), jnp.float32),
        mesh=mesh,
        scratch_types=[
            pltpu.VMEM((4 * CHUNK,), jnp.float32),
            pltpu.VMEM((2 * CHUNK,), jnp.int32),
            pltpu.VMEM((CHUNK * 32,), jnp.int32),
            pltpu.VMEM((CHUNK * 32,), jnp.float32),
            pltpu.VMEM((16,), jnp.float32),
            pltpu.SemaphoreType.DMA,
        ],
    )
    partials = f(c1a, c1b, x, y, r, c, tab)
    return jnp.sum(partials)


def kernel(ch1, ch2, CP_locs, CP_idx):
    return _run(ch1[:, 0], ch1[:, 1], ch2[:, 0], ch2[:, 1],
                CP_idx[:, 0].astype(jnp.int32), CP_idx[:, 1].astype(jnp.int32),
                CP_locs.reshape(-1))

# --- scband reference (transcript-rebuilt; emitter-appended) ---
"""Pipeline reference for scband-catmull-rom-splines-14894946583250 (READ-ONLY COPY).

The authoritative reference and input builder live on the scoring server;
editing this copy changes nothing except your own understanding.
"""

import jax, jax.numpy as jnp
import numpy as np

N = 1000000
G = 2048


def setup_inputs(seed: int = 0) -> dict:
    key = jax.random.key(seed)
    k1, k2, k3, k4 = jax.random.split(key, 4)
    ch1 = jax.random.uniform(k1, (N, 2), dtype=jnp.float32)
    ch2 = jax.random.uniform(k2, (N, 2), dtype=jnp.float32)
    CP_locs = jax.random.normal(k3, (G, G, 2), dtype=jnp.float32)
    # stencil offsets are -1..+2, so valid base indices are [1, G-3]
    CP_idx = jax.random.randint(k4, (N, 2), 1, G - 2, dtype=jnp.int32)
    return {"ch1": ch1, "ch2": ch2, "CP_locs": CP_locs, "CP_idx": CP_idx}


def reference(ch1, ch2, CP_locs, CP_idx):
    # self.r = ch2 % 1 (set in __init__); transform_vec takes self.r
    r = jnp.mod(ch2, 1.0)
    x = jnp.mod(r[:, 0], 1.0)
    y = jnp.mod(r[:, 1], 1.0)
    # update_splines: gather 4x4 neighborhood of control points (16 gathers)
    d = jnp.arange(-1, 3)
    ri = CP_idx[:, 0][:, None, None] + d[None, :, None]  # [N,4,1]
    ci = CP_idx[:, 1][:, None, None] + d[None, None, :]  # [N,1,4]
    qs = CP_locs[ri, ci]  # [N,4,4,2] : q_{ij} = CP_locs[idx + (i-1, j-1)]
    A = jnp.array([[-0.5, 1.5, -1.5, 0.5],
                   [1.0, -2.5, 2.0, -0.5],
                   [-0.5, 0.0, 0.5, 0.0],
                   [0.0, 1.0, 0.0, 0.0]], dtype=jnp.float32)
    # Sum_A(a,b) = sum_{i,j} A[a,i] * A[b,j] * q_{ij}
    S = jnp.einsum('ai,bj,nijc->nabc', A, A, qs)  # [N,4,4,2]
    # M = sum_{a,b} x^(3-a) * y^(3-b) * Sum_A(a,b)
    p = jnp.array([3, 2, 1, 0])
    xp = x[:, None] ** p[None, :]  # [N,4]
    yp = y[:, None] ** p[None, :]  # [N,4]
    ch2_mapped = jnp.einsum('na,nb,nabc->nc', xp, yp, S)  # [N,2]
    # Rel_entropy
    return jnp.sum(jnp.square(ch1 - ch2_mapped))

if __name__ == "__main__":
    import jax
    _d = setup_inputs()
    print(jax.jit(kernel)(*tuple(_d.values())))

</pallas_src>

<mosaic_0001>
#map = affine_map<(d0, d1) -> (0)>
#map1 = affine_map<(d0, d1) -> (0, 0)>
module attributes {stable_mosaic.version = 14 : i64} {
  func.func @_body(%arg0: i32, %arg1: i32, %arg2: memref<1000000xf32, #tpu.memory_space<hbm>>, %arg3: memref<1000000xf32, #tpu.memory_space<hbm>>, %arg4: memref<1000000xf32, #tpu.memory_space<hbm>>, %arg5: memref<1000000xf32, #tpu.memory_space<hbm>>, %arg6: memref<1000000xi32, #tpu.memory_space<hbm>>, %arg7: memref<1000000xi32, #tpu.memory_space<hbm>>, %arg8: memref<8388608xf32, #tpu.memory_space<hbm>>, %arg9: memref<32x16xf32, #tpu.memory_space<hbm>>, %arg10: memref<5952xf32, #tpu.memory_space<vmem>>, %arg11: memref<2976xi32, #tpu.memory_space<vmem>>, %arg12: memref<47616xi32, #tpu.memory_space<vmem>>, %arg13: memref<47616xf32, #tpu.memory_space<vmem>>, %arg14: memref<16xf32, #tpu.memory_space<vmem>>, %arg15: memref<!tpu.dma_semaphore, #tpu.memory_space<semaphore_mem>>) attributes {dimension_semantics = [#tpu.dimension_semantics<core_parallel>, #tpu.dimension_semantics<subcore_parallel>], iteration_bounds = array<i64: 2, 16>, scalar_prefetch = 0 : i64, scratch_operands = 6 : i64, tpu.core_type = #tpu.core_type<sc_vector_subcore>, window_params = [{transform_indices = #map}, {transform_indices = #map}, {transform_indices = #map}, {transform_indices = #map}, {transform_indices = #map}, {transform_indices = #map}, {transform_indices = #map}, {transform_indices = #map1}]} {
    %mul3A = arith.constant 2 : i32
    %mul3A_0 = arith.muli %arg1, %mul3A : i32
    %add3A = arith.addi %mul3A_0, %arg0 : i32
    %broadcast_in_dim3A = arith.constant 0.000000e+00 : f32
    %broadcast_in_dim3A_1 = vector.broadcast %broadcast_in_dim3A : f32 to vector<16xf32>
    %scan3A = arith.constant 0 : i32
    %scan3A_2 = arith.constant 21 : i32
    %scan3A_3 = arith.addi %scan3A, %scan3A_2 : i32
    %scan3A_4 = arith.constant 1 : i32
    %scan3A_5 = scf.for %scan3A_22 = %scan3A to %scan3A_3 step %scan3A_4 iter_args(%scan3A_23 = %broadcast_in_dim3A_1) -> (vector<16xf32>)  : i32 {
      %mul3A_24 = arith.constant 31248 : i32
      %mul3A_25 = arith.muli %add3A, %mul3A_24 : i32
      %mul3A_26 = arith.constant 1488 : i32
      %mul3A_27 = arith.muli %scan3A_22, %mul3A_26 : i32
      %add3A_28 = arith.addi %mul3A_25, %mul3A_27 : i32
      "tpu.region"() ({
        %run_scoped3A = tpu.sem_alloc : memref<!tpu.dma_semaphore, #tpu.memory_space<semaphore_mem>>
        %dma_start3A_51 = arith.constant 0 : i32
        %dma_start3A_52 = tpu.memref_slice %arg10[%dma_start3A_51] : memref<5952xf32, #tpu.memory_space<vmem>> -> memref<1488xf32, #tpu.memory_space<vmem>>
        %dma_start3A_53 = tpu.memref_slice %arg2[%add3A_28] : memref<1000000xf32, #tpu.memory_space<hbm>> -> memref<1488xf32, #tpu.memory_space<hbm>>
        %dma_start3A_54 = arith.constant 0 : i32
        %dma_start3A_55 = tpu.memref_slice %arg10[%dma_start3A_54] : memref<5952xf32, #tpu.memory_space<vmem>> -> memref<1488xf32, #tpu.memory_space<vmem>>
        %dma_start3A_56 = tpu.memref_slice %arg2[%add3A_28] : memref<1000000xf32, #tpu.memory_space<hbm>> -> memref<1488xf32, #tpu.memory_space<hbm>>
        tpu.enqueue_dma source(%dma_start3A_56 : memref<1488xf32, #tpu.memory_space<hbm>>) target(%dma_start3A_55 : memref<1488xf32, #tpu.memory_space<vmem>>) target_semaphore(%run_scoped3A : memref<!tpu.dma_semaphore, #tpu.memory_space<semaphore_mem>>)
        %dma_wait3A_57 = arith.constant 0 : i32
        %dma_wait3A_58 = tpu.memref_slice %arg10[%dma_wait3A_57] : memref<5952xf32, #tpu.memory_space<vmem>> -> memref<1488xf32, #tpu.memory_space<vmem>>
        %dma_wait3A_59 = tpu.memref_slice %arg2[%add3A_28] : memref<1000000xf32, #tpu.memory_space<hbm>> -> memref<1488xf32, #tpu.memory_space<hbm>>
        %dma_wait3A_60 = arith.constant 0 : i32
        %dma_wait3A_61 = tpu.memref_slice %arg10[%dma_wait3A_60] : memref<5952xf32, #tpu.memory_space<vmem>> -> memref<1488xf32, #tpu.memory_space<vmem>>
        %dma_wait3A_62 = tpu.memref_slice %arg2[%add3A_28] : memref<1000000xf32, #tpu.memory_space<hbm>> -> memref<1488xf32, #tpu.memory_space<hbm>>
        tpu.wait_dma2 semaphore(%run_scoped3A : memref<!tpu.dma_semaphore, #tpu.memory_space<semaphore_mem>>) src(%dma_wait3A_62 : memref<1488xf32, #tpu.memory_space<hbm>>) dst(%dma_wait3A_61 : memref<1488xf32, #tpu.memory_space<vmem>>)
        tpu.yield
      }) : () -> ()
      "tpu.region"() ({
        %run_scoped3A = tpu.sem_alloc : memref<!tpu.dma_semaphore, #tpu.memory_space<semaphore_mem>>
        %dma_start3A_51 = arith.constant 1488 : i32
        %dma_start3A_52 = tpu.memref_slice %arg10[%dma_start3A_51] : memref<5952xf32, #tpu.memory_space<vmem>> -> memref<1488xf32, #tpu.memory_space<vmem>>
        %dma_start3A_53 = tpu.memref_slice %arg3[%add3A_28] : memref<1000000xf32, #tpu.memory_space<hbm>> -> memref<1488xf32, #tpu.memory_space<hbm>>
        %dma_start3A_54 = arith.constant 1488 : i32
        %dma_start3A_55 = tpu.memref_slice %arg10[%dma_start3A_54] : memref<5952xf32, #tpu.memory_space<vmem>> -> memref<1488xf32, #tpu.memory_space<vmem>>
        %dma_start3A_56 = tpu.memref_slice %arg3[%add3A_28] : memref<1000000xf32, #tpu.memory_space<hbm>> -> memref<1488xf32, #tpu.memory_space<hbm>>
        tpu.enqueue_dma source(%dma_start3A_56 : memref<1488xf32, #tpu.memory_space<hbm>>) target(%dma_start3A_55 : memref<1488xf32, #tpu.memory_space<vmem>>) target_semaphore(%run_scoped3A : memref<!tpu.dma_semaphore, #tpu.memory_space<semaphore_mem>>)
        %dma_wait3A_57 = arith.constant 1488 : i32
        %dma_wait3A_58 = tpu.memref_slice %arg10[%dma_wait3A_57] : memref<5952xf32, #tpu.memory_space<vmem>> -> memref<1488xf32, #tpu.memory_space<vmem>>
        %dma_wait3A_59 = tpu.memref_slice %arg3[%add3A_28] : memref<1000000xf32, #tpu.memory_space<hbm>> -> memref<1488xf32, #tpu.memory_space<hbm>>
        %dma_wait3A_60 = arith.constant 1488 : i32
        %dma_wait3A_61 = tpu.memref_slice %arg10[%dma_wait3A_60] : memref<5952xf32, #tpu.memory_space<vmem>> -> memref<1488xf32, #tpu.memory_space<vmem>>
        %dma_wait3A_62 = tpu.memref_slice %arg3[%add3A_28] : memref<1000000xf32, #tpu.memory_space<hbm>> -> memref<1488xf32, #tpu.memory_space<hbm>>
        tpu.wait_dma2 semaphore(%run_scoped3A : memref<!tpu.dma_semaphore, #tpu.memory_space<semaphore_mem>>) src(%dma_wait3A_62 : memref<1488xf32, #tpu.memory_space<hbm>>) dst(%dma_wait3A_61 : memref<1488xf32, #tpu.memory_space<vmem>>)
        tpu.yield
      }) : () -> ()
      "tpu.region"() ({
        %run_scoped3A = tpu.sem_alloc : memref<!tpu.dma_semaphore, #tpu.memory_space<semaphore_mem>>
        %dma_start3A_51 = arith.constant 2976 : i32
        %dma_start3A_52 = tpu.memref_slice %arg10[%dma_start3A_51] : memref<5952xf32, #tpu.memory_space<vmem>> -> memref<1488xf32, #tpu.memory_space<vmem>>
        %dma_start3A_53 = tpu.memref_slice %arg4[%add3A_28] : memref<1000000xf32, #tpu.memory_space<hbm>> -> memref<1488xf32, #tpu.memory_space<hbm>>
        %dma_start3A_54 = arith.constant 2976 : i32
        %dma_start3A_55 = tpu.memref_slice %arg10[%dma_start3A_54] : memref<5952xf32, #tpu.memory_space<vmem>> -> memref<1488xf32, #tpu.memory_space<vmem>>
        %dma_start3A_56 = tpu.memref_slice %arg4[%add3A_28] : memref<1000000xf32, #tpu.memory_space<hbm>> -> memref<1488xf32, #tpu.memory_space<hbm>>
        tpu.enqueue_dma source(%dma_start3A_56 : memref<1488xf32, #tpu.memory_space<hbm>>) target(%dma_start3A_55 : memref<1488xf32, #tpu.memory_space<vmem>>) target_semaphore(%run_scoped3A : memref<!tpu.dma_semaphore, #tpu.memory_space<semaphore_mem>>)
        %dma_wait3A_57 = arith.constant 2976 : i32
        %dma_wait3A_58 = tpu.memref_slice %arg10[%dma_wait3A_57] : memref<5952xf32, #tpu.memory_space<vmem>> -> memref<1488xf32, #tpu.memory_space<vmem>>
        %dma_wait3A_59 = tpu.memref_slice %arg4[%add3A_28] : memref<1000000xf32, #tpu.memory_space<hbm>> -> memref<1488xf32, #tpu.memory_space<hbm>>
        %dma_wait3A_60 = arith.constant 2976 : i32
        %dma_wait3A_61 = tpu.memref_slice %arg10[%dma_wait3A_60] : memref<5952xf32, #tpu.memory_space<vmem>> -> memref<1488xf32, #tpu.memory_space<vmem>>
        %dma_wait3A_62 = tpu.memref_slice %arg4[%add3A_28] : memref<1000000xf32, #tpu.memory_space<hbm>> -> memref<1488xf32, #tpu.memory_space<hbm>>
        tpu.wait_dma2 semaphore(%run_scoped3A : memref<!tpu.dma_semaphore, #tpu.memory_space<semaphore_mem>>) src(%dma_wait3A_62 : memref<1488xf32, #tpu.memory_space<hbm>>) dst(%dma_wait3A_61 : memref<1488xf32, #tpu.memory_space<vmem>>)
        tpu.yield
      }) : () -> ()
      "tpu.region"() ({
        %run_scoped3A = tpu.sem_alloc : memref<!tpu.dma_semaphore, #tpu.memory_space<semaphore_mem>>
        %dma_start3A_51 = arith.constant 4464 : i32
        %dma_start3A_52 = tpu.memref_slice %arg10[%dma_start3A_51] : memref<5952xf32, #tpu.memory_space<vmem>> -> memref<1488xf32, #tpu.memory_space<vmem>>
        %dma_start3A_53 = tpu.memref_slice %arg5[%add3A_28] : memref<1000000xf32, #tpu.memory_space<hbm>> -> memref<1488xf32, #tpu.memory_space<hbm>>
        %dma_start3A_54 = arith.constant 4464 : i32
        %dma_start3A_55 = tpu.memref_slice %arg10[%dma_start3A_54] : memref<5952xf32, #tpu.memory_space<vmem>> -> memref<1488xf32, #tpu.memory_space<vmem>>
        %dma_start3A_56 = tpu.memref_slice %arg5[%add3A_28] : memref<1000000xf32, #tpu.memory_space<hbm>> -> memref<1488xf32, #tpu.memory_space<hbm>>
        tpu.enqueue_dma source(%dma_start3A_56 : memref<1488xf32, #tpu.memory_space<hbm>>) target(%dma_start3A_55 : memref<1488xf32, #tpu.memory_space<vmem>>) target_semaphore(%run_scoped3A : memref<!tpu.dma_semaphore, #tpu.memory_space<semaphore_mem>>)
        %dma_wait3A_57 = arith.constant 4464 : i32
        %dma_wait3A_58 = tpu.memref_slice %arg10[%dma_wait3A_57] : memref<5952xf32, #tpu.memory_space<vmem>> -> memref<1488xf32, #tpu.memory_space<vmem>>
        %dma_wait3A_59 = tpu.memref_slice %arg5[%add3A_28] : memref<1000000xf32, #tpu.memory_space<hbm>> -> memref<1488xf32, #tpu.memory_space<hbm>>
        %dma_wait3A_60 = arith.constant 4464 : i32
        %dma_wait3A_61 = tpu.memref_slice %arg10[%dma_wait3A_60] : memref<5952xf32, #tpu.memory_space<vmem>> -> memref<1488xf32, #tpu.memory_space<vmem>>
        %dma_wait3A_62 = tpu.memref_slice %arg5[%add3A_28] : memref<1000000xf32, #tpu.memory_space<hbm>> -> memref<1488xf32, #tpu.memory_space<hbm>>
        tpu.wait_dma2 semaphore(%run_scoped3A : memref<!tpu.dma_semaphore, #tpu.memory_space<semaphore_mem>>) src(%dma_wait3A_62 : memref<1488xf32, #tpu.memory_space<hbm>>) dst(%dma_wait3A_61 : memref<1488xf32, #tpu.memory_space<vmem>>)
        tpu.yield
      }) : () -> ()
      "tpu.region"() ({
        %run_scoped3A = tpu.sem_alloc : memref<!tpu.dma_semaphore, #tpu.memory_space<semaphore_mem>>
        %dma_start3A_51 = arith.constant 0 : i32
        %dma_start3A_52 = tpu.memref_slice %arg11[%dma_start3A_51] : memref<2976xi32, #tpu.memory_space<vmem>> -> memref<1488xi32, #tpu.memory_space<vmem>>
        %dma_start3A_53 = tpu.memref_slice %arg6[%add3A_28] : memref<1000000xi32, #tpu.memory_space<hbm>> -> memref<1488xi32, #tpu.memory_space<hbm>>
        %dma_start3A_54 = arith.constant 0 : i32
        %dma_start3A_55 = tpu.memref_slice %arg11[%dma_start3A_54] : memref<2976xi32, #tpu.memory_space<vmem>> -> memref<1488xi32, #tpu.memory_space<vmem>>
        %dma_start3A_56 = tpu.memref_slice %arg6[%add3A_28] : memref<1000000xi32, #tpu.memory_space<hbm>> -> memref<1488xi32, #tpu.memory_space<hbm>>
        tpu.enqueue_dma source(%dma_start3A_56 : memref<1488xi32, #tpu.memory_space<hbm>>) target(%dma_start3A_55 : memref<1488xi32, #tpu.memory_space<vmem>>) target_semaphore(%run_scoped3A : memref<!tpu.dma_semaphore, #tpu.memory_space<semaphore_mem>>)
        %dma_wait3A_57 = arith.constant 0 : i32
        %dma_wait3A_58 = tpu.memref_slice %arg11[%dma_wait3A_57] : memref<2976xi32, #tpu.memory_space<vmem>> -> memref<1488xi32, #tpu.memory_space<vmem>>
        %dma_wait3A_59 = tpu.memref_slice %arg6[%add3A_28] : memref<1000000xi32, #tpu.memory_space<hbm>> -> memref<1488xi32, #tpu.memory_space<hbm>>
        %dma_wait3A_60 = arith.constant 0 : i32
        %dma_wait3A_61 = tpu.memref_slice %arg11[%dma_wait3A_60] : memref<2976xi32, #tpu.memory_space<vmem>> -> memref<1488xi32, #tpu.memory_space<vmem>>
        %dma_wait3A_62 = tpu.memref_slice %arg6[%add3A_28] : memref<1000000xi32, #tpu.memory_space<hbm>> -> memref<1488xi32, #tpu.memory_space<hbm>>
        tpu.wait_dma2 semaphore(%run_scoped3A : memref<!tpu.dma_semaphore, #tpu.memory_space<semaphore_mem>>) src(%dma_wait3A_62 : memref<1488xi32, #tpu.memory_space<hbm>>) dst(%dma_wait3A_61 : memref<1488xi32, #tpu.memory_space<vmem>>)
        tpu.yield
      }) : () -> ()
      "tpu.region"() ({
        %run_scoped3A = tpu.sem_alloc : memref<!tpu.dma_semaphore, #tpu.memory_space<semaphore_mem>>
        %dma_start3A_51 = arith.constant 1488 : i32
        %dma_start3A_52 = tpu.memref_slice %arg11[%dma_start3A_51] : memref<2976xi32, #tpu.memory_space<vmem>> -> memref<1488xi32, #tpu.memory_space<vmem>>
        %dma_start3A_53 = tpu.memref_slice %arg7[%add3A_28] : memref<1000000xi32, #tpu.memory_space<hbm>> -> memref<1488xi32, #tpu.memory_space<hbm>>
        %dma_start3A_54 = arith.constant 1488 : i32
        %dma_start3A_55 = tpu.memref_slice %arg11[%dma_start3A_54] : memref<2976xi32, #tpu.memory_space<vmem>> -> memref<1488xi32, #tpu.memory_space<vmem>>
        %dma_start3A_56 = tpu.memref_slice %arg7[%add3A_28] : memref<1000000xi32, #tpu.memory_space<hbm>> -> memref<1488xi32, #tpu.memory_space<hbm>>
        tpu.enqueue_dma source(%dma_start3A_56 : memref<1488xi32, #tpu.memory_space<hbm>>) target(%dma_start3A_55 : memref<1488xi32, #tpu.memory_space<vmem>>) target_semaphore(%run_scoped3A : memref<!tpu.dma_semaphore, #tpu.memory_space<semaphore_mem>>)
        %dma_wait3A_57 = arith.constant 1488 : i32
        %dma_wait3A_58 = tpu.memref_slice %arg11[%dma_wait3A_57] : memref<2976xi32, #tpu.memory_space<vmem>> -> memref<1488xi32, #tpu.memory_space<vmem>>
        %dma_wait3A_59 = tpu.memref_slice %arg7[%add3A_28] : memref<1000000xi32, #tpu.memory_space<hbm>> -> memref<1488xi32, #tpu.memory_space<hbm>>
        %dma_wait3A_60 = arith.constant 1488 : i32
        %dma_wait3A_61 = tpu.memref_slice %arg11[%dma_wait3A_60] : memref<2976xi32, #tpu.memory_space<vmem>> -> memref<1488xi32, #tpu.memory_space<vmem>>
        %dma_wait3A_62 = tpu.memref_slice %arg7[%add3A_28] : memref<1000000xi32, #tpu.memory_space<hbm>> -> memref<1488xi32, #tpu.memory_space<hbm>>
        tpu.wait_dma2 semaphore(%run_scoped3A : memref<!tpu.dma_semaphore, #tpu.memory_space<semaphore_mem>>) src(%dma_wait3A_62 : memref<1488xi32, #tpu.memory_space<hbm>>) dst(%dma_wait3A_61 : memref<1488xi32, #tpu.memory_space<vmem>>)
        tpu.yield
      }) : () -> ()
      %scan3A_29 = arith.constant 0 : i32
      %scan3A_30 = arith.constant 0 : i32
      %scan3A_31 = arith.constant 93 : i32
      %scan3A_32 = arith.addi %scan3A_30, %scan3A_31 : i32
      %scan3A_33 = arith.constant 1 : i32
      scf.for %scan3A_51 = %scan3A_30 to %scan3A_32 step %scan3A_33  : i32 {
        %mul3A_52 = arith.constant 16 : i32
        %mul3A_53 = arith.muli %scan3A_51, %mul3A_52 : i32
        %get3A = arith.index_cast %mul3A_53 : i32 to index
        %get3A_54 = tpu.vector_load %arg11[%get3A] {strides = array<i32>} : memref<2976xi32, #tpu.memory_space<vmem>>, vector<16xi32>,
        %get3A_55 = vector.shape_cast %get3A_54 : vector<16xi32> to vector<16xi32>
        %mul3A_56 = arith.constant 16 : i32
        %mul3A_57 = arith.muli %scan3A_51, %mul3A_56 : i32
        %add3A_58 = arith.constant 1488 : i32
        %add3A_59 = arith.addi %add3A_58, %mul3A_57 : i32
        %get3A_60 = arith.index_cast %add3A_59 : i32 to index
        %get3A_61 = tpu.vector_load %arg11[%get3A_60] {strides = array<i32>} : memref<2976xi32, #tpu.memory_space<vmem>>, vector<16xi32>,
        %get3A_62 = vector.shape_cast %get3A_61 : vector<16xi32> to vector<16xi32>
        %mul3A_63 = arith.constant 2048 : i32
        %mul3A_64 = vector.broadcast %mul3A_63 : i32 to vector<16xi32>
        %mul3A_65 = arith.muli %get3A_55, %mul3A_64 : vector<16xi32>
        %add3A_66 = arith.addi %mul3A_65, %get3A_62 : vector<16xi32>
        %mul3A_67 = arith.constant 2 : i32
        %mul3A_68 = vector.broadcast %mul3A_67 : i32 to vector<16xi32>
        %mul3A_69 = arith.muli %mul3A_68, %add3A_66 : vector<16xi32>
        %mul3A_70 = arith.constant 512 : i32
        %mul3A_71 = arith.muli %scan3A_51, %mul3A_70 : i32
        %add3A_72 = arith.constant 0 : i32
        %add3A_73 = arith.addi %mul3A_71, %add3A_72 : i32
        %add3A_74 = arith.constant -4098 : i32
        %add3A_75 = vector.broadcast %add3A_74 : i32 to vector<16xi32>
        %add3A_76 = arith.addi %mul3A_69, %add3A_75 : vector<16xi32>
        %swap3A_77 = arith.index_cast %add3A_73 : i32 to index
        %swap3A_78 = tpu.vector_load %arg12[%swap3A_77] {strides = array<i32>} : memref<47616xi32, #tpu.memory_space<vmem>>, vector<16xi32>,
        %swap3A_79 = vector.shape_cast %swap3A_78 : vector<16xi32> to vector<16xi32>
        %swap3A_80 = vector.shape_cast %add3A_76 : vector<16xi32> to vector<16xi32>
        tpu.vector_store %arg12[%swap3A_77], %swap3A_80 {strides = array<i32>} : memref<47616xi32, #tpu.memory_space<vmem>>, vector<16xi32>,
        %add3A_81 = arith.constant -4097 : i32
        %add3A_82 = vector.broadcast %add3A_81 : i32 to vector<16xi32>
        %add3A_83 = arith.addi %mul3A_69, %add3A_82 : vector<16xi32>
        %add3A_84 = arith.constant 16 : i32
        %add3A_85 = arith.addi %add3A_73, %add3A_84 : i32
        %swap3A_86 = arith.index_cast %add3A_85 : i32 to index
        %swap3A_87 = tpu.vector_load %arg12[%swap3A_86] {strides = array<i32>} : memref<47616xi32, #tpu.memory_space<vmem>>, vector<16xi32>,
        %swap3A_88 = vector.shape_cast %swap3A_87 : vector<16xi32> to vector<16xi32>
        %swap3A_89 = vector.shape_cast %add3A_83 : vector<16xi32> to vector<16xi32>
        tpu.vector_store %arg12[%swap3A_86], %swap3A_89 {strides = array<i32>} : memref<47616xi32, #tpu.memory_space<vmem>>, vector<16xi32>,
        %mul3A_90 = arith.constant 512 : i32
        %mul3A_91 = arith.muli %scan3A_51, %mul3A_90 : i32
        %add3A_92 = arith.constant 32 : i32
        %add3A_93 = arith.addi %mul3A_91, %add3A_92 : i32
        %add3A_94 = arith.constant -4096 : i32
        %add3A_95 = vector.broadcast %add3A_94 : i32 to vector<16xi32>
        %add3A_96 = arith.addi %mul3A_69, %add3A_95 : vector<16xi32>
        %swap3A_97 = arith.index_cast %add3A_93 : i32 to index
        %swap3A_98 = tpu.vector_load %arg12[%swap3A_97] {strides = array<i32>} : memref<47616xi32, #tpu.memory_space<vmem>>, vector<16xi32>,
        %swap3A_99 = vector.shape_cast %swap3A_98 : vector<16xi32> to vector<16xi32>
        %swap3A_100 = vector.shape_cast %add3A_96 : vector<16xi32> to vector<16xi32>
        tpu.vector_store %arg12[%swap3A_97], %swap3A_100 {strides = array<i32>} : memref<47616xi32, #tpu.memory_space<vmem>>, vector<16xi32>,
        %add3A_101 = arith.constant -4095 : i32
        %add3A_102 = vector.broadcast %add3A_101 : i32 to vector<16xi32>
        %add3A_103 = arith.addi %mul3A_69, %add3A_102 : vector<16xi32>
        %add3A_104 = arith.constant 16 : i32
        %add3A_105 = arith.addi %add3A_93, %add3A_104 : i32
        %swap3A_106 = arith.index_cast %add3A_105 : i32 to index
        %swap3A_107 = tpu.vector_load %arg12[%swap3A_106] {strides = array<i32>} : memref<47616xi32, #tpu.memory_space<vmem>>, vector<16xi32>,
        %swap3A_108 = vector.shape_cast %swap3A_107 : vector<16xi32> to vector<16xi32>
        %swap3A_109 = vector.shape_cast %add3A_103 : vector<16xi32> to vector<16xi32>
        tpu.vector_store %arg12[%swap3A_106], %swap3A_109 {strides = array<i32>} : memref<47616xi32, #tpu.memory_space<vmem>>, vector<16xi32>,
        %mul3A_110 = arith.constant 512 : i32
        %mul3A_111 = arith.muli %scan3A_51, %mul3A_110 : i32
        %add3A_112 = arith.constant 64 : i32
        %add3A_113 = arith.addi %mul3A_111, %add3A_112 : i32
        %add3A_114 = arith.constant -4094 : i32
        %add3A_115 = vector.broadcast %add3A_114 : i32 to vector<16xi32>
        %add3A_116 = arith.addi %mul3A_69, %add3A_115 : vector<16xi32>
        %swap3A_117 = arith.index_cast %add3A_113 : i32 to index
        %swap3A_118 = tpu.vector_load %arg12[%swap3A_117] {strides = array<i32>} : memref<47616xi32, #tpu.memory_space<vmem>>, vector<16xi32>,
        %swap3A_119 = vector.shape_cast %swap3A_118 : vector<16xi32> to vector<16xi32>
        %swap3A_120 = vector.shape_cast %add3A_116 : vector<16xi32> to vector<16xi32>
        tpu.vector_store %arg12[%swap3A_117], %swap3A_120 {strides = array<i32>} : memref<47616xi32, #tpu.memory_space<vmem>>, vector<16xi32>,
        %add3A_121 = arith.constant -4093 : i32
        %add3A_122 = vector.broadcast %add3A_121 : i32 to vector<16xi32>
        %add3A_123 = arith.addi %mul3A_69, %add3A_122 : vector<16xi32>
        %add3A_124 = arith.constant 16 : i32
        %add3A_125 = arith.addi %add3A_113, %add3A_124 : i32
        %swap3A_126 = arith.index_cast %add3A_125 : i32 to index
        %swap3A_127 = tpu.vector_load %arg12[%swap3A_126] {strides = array<i32>} : memref<47616xi32, #tpu.memory_space<vmem>>, vector<16xi32>,
        %swap3A_128 = vector.shape_cast %swap3A_127 : vector<16xi32> to vector<16xi32>
        %swap3A_129 = vector.shape_cast %add3A_123 : vector<16xi32> to vector<16xi32>
        tpu.vector_store %arg12[%swap3A_126], %swap3A_129 {strides = array<i32>} : memref<47616xi32, #tpu.memory_space<vmem>>, vector<16xi32>,
        %mul3A_130 = arith.constant 512 : i32
        %mul3A_131 = arith.muli %scan3A_51, %mul3A_130 : i32
        %add3A_132 = arith.constant 96 : i32
        %add3A_133 = arith.addi %mul3A_131, %add3A_132 : i32
        %add3A_134 = arith.constant -4092 : i32
        %add3A_135 = vector.broadcast %add3A_134 : i32 to vector<16xi32>
        %add3A_136 = arith.addi %mul3A_69, %add3A_135 : vector<16xi32>
        %swap3A_137 = arith.index_cast %add3A_133 : i32 to index
        %swap3A_138 = tpu.vector_load %arg12[%swap3A_137] {strides = array<i32>} : memref<47616xi32, #tpu.memory_space<vmem>>, vector<16xi32>,
        %swap3A_139 = vector.shape_cast %swap3A_138 : vector<16xi32> to vector<16xi32>
        %swap3A_140 = vector.shape_cast %add3A_136 : vector<16xi32> to vector<16xi32>
        tpu.vector_store %arg12[%swap3A_137], %swap3A_140 {strides = array<i32>} : memref<47616xi32, #tpu.memory_space<vmem>>, vector<16xi32>,
        %add3A_141 = arith.constant -4091 : i32
        %add3A_142 = vector.broadcast %add3A_141 : i32 to vector<16xi32>
        %add3A_143 = arith.addi %mul3A_69, %add3A_142 : vector<16xi32>
        %add3A_144 = arith.constant 16 : i32
        %add3A_145 = arith.addi %add3A_133, %add3A_144 : i32
        %swap3A_146 = arith.index_cast %add3A_145 : i32 to index
        %swap3A_147 = tpu.vector_load %arg12[%swap3A_146] {strides = array<i32>} : memref<47616xi32, #tpu.memory_space<vmem>>, vector<16xi32>,
        %swap3A_148 = vector.shape_cast %swap3A_147 : vector<16xi32> to vector<16xi32>
        %swap3A_149 = vector.shape_cast %add3A_143 : vector<16xi32> to vector<16xi32>
        tpu.vector_store %arg12[%swap3A_146], %swap3A_149 {strides = array<i32>} : memref<47616xi32, #tpu.memory_space<vmem>>, vector<16xi32>,
        %mul3A_150 = arith.constant 512 : i32
        %mul3A_151 = arith.muli %scan3A_51, %mul3A_150 : i32
        %add3A_152 = arith.constant 128 : i32
        %add3A_153 = arith.addi %mul3A_151, %add3A_152 : i32
        %add3A_154 = arith.constant -2 : i32
        %add3A_155 = vector.broadcast %add3A_154 : i32 to vector<16xi32>
        %add3A_156 = arith.addi %mul3A_69, %add3A_155 : vector<16xi32>
        %swap3A_157 = arith.index_cast %add3A_153 : i32 to index
        %swap3A_158 = tpu.vector_load %arg12[%swap3A_157] {strides = array<i32>} : memref<47616xi32, #tpu.memory_space<vmem>>, vector<16xi32>,
        %swap3A_159 = vector.shape_cast %swap3A_158 : vector<16xi32> to vector<16xi32>
        %swap3A_160 = vector.shape_cast %add3A_156 : vector<16xi32> to vector<16xi32>
        tpu.vector_store %arg12[%swap3A_157], %swap3A_160 {strides = array<i32>} : memref<47616xi32, #tpu.memory_space<vmem>>, vector<16xi32>,
        %add3A_161 = arith.constant -1 : i32
        %add3A_162 = vector.broadcast %add3A_161 : i32 to vector<16xi32>
        %add3A_163 = arith.addi %mul3A_69, %add3A_162 : vector<16xi32>
        %add3A_164 = arith.constant 16 : i32
        %add3A_165 = arith.addi %add3A_153, %add3A_164 : i32
        %swap3A_166 = arith.index_cast %add3A_165 : i32 to index
        %swap3A_167 = tpu.vector_load %arg12[%swap3A_166] {strides = array<i32>} : memref<47616xi32, #tpu.memory_space<vmem>>, vector<16xi32>,
        %swap3A_168 = vector.shape_cast %swap3A_167 : vector<16xi32> to vector<16xi32>
        %swap3A_169 = vector.shape_cast %add3A_163 : vector<16xi32> to vector<16xi32>
        tpu.vector_store %arg12[%swap3A_166], %swap3A_169 {strides = array<i32>} : memref<47616xi32, #tpu.memory_space<vmem>>, vector<16xi32>,
        %mul3A_170 = arith.constant 512 : i32
        %mul3A_171 = arith.muli %scan3A_51, %mul3A_170 : i32
        %add3A_172 = arith.constant 160 : i32
        %add3A_173 = arith.addi %mul3A_171, %add3A_172 : i32
        %add3A_174 = arith.constant 0 : i32
        %add3A_175 = vector.broadcast %add3A_174 : i32 to vector<16xi32>
        %add3A_176 = arith.addi %mul3A_69, %add3A_175 : vector<16xi32>
        %swap3A_177 = arith.index_cast %add3A_173 : i32 to index
        %swap3A_178 = tpu.vector_load %arg12[%swap3A_177] {strides = array<i32>} : memref<47616xi32, #tpu.memory_space<vmem>>, vector<16xi32>,
        %swap3A_179 = vector.shape_cast %swap3A_178 : vector<16xi32> to vector<16xi32>
        %swap3A_180 = vector.shape_cast %add3A_176 : vector<16xi32> to vector<16xi32>
        tpu.vector_store %arg12[%swap3A_177], %swap3A_180 {strides = array<i32>} : memref<47616xi32, #tpu.memory_space<vmem>>, vector<16xi32>,
        %add3A_181 = arith.constant 1 : i32
        %add3A_182 = vector.broadcast %add3A_181 : i32 to vector<16xi32>
        %add3A_183 = arith.addi %mul3A_69, %add3A_182 : vector<16xi32>
        %add3A_184 = arith.constant 16 : i32
        %add3A_185 = arith.addi %add3A_173, %add3A_184 : i32
        %swap3A_186 = arith.index_cast %add3A_185 : i32 to index
        %swap3A_187 = tpu.vector_load %arg12[%swap3A_186] {strides = array<i32>} : memref<47616xi32, #tpu.memory_space<vmem>>, vector<16xi32>,
        %swap3A_188 = vector.shape_cast %swap3A_187 : vector<16xi32> to vector<16xi32>
        %swap3A_189 = vector.shape_cast %add3A_183 : vector<16xi32> to vector<16xi32>
        tpu.vector_store %arg12[%swap3A_186], %swap3A_189 {strides = array<i32>} : memref<47616xi32, #tpu.memory_space<vmem>>, vector<16xi32>,
        %mul3A_190 = arith.constant 512 : i32
        %mul3A_191 = arith.muli %scan3A_51, %mul3A_190 : i32
        %add3A_192 = arith.constant 192 : i32
        %add3A_193 = arith.addi %mul3A_191, %add3A_192 : i32
        %add3A_194 = arith.constant 2 : i32
        %add3A_195 = vector.broadcast %add3A_194 : i32 to vector<16xi32>
        %add3A_196 = arith.addi %mul3A_69, %add3A_195 : vector<16xi32>
        %swap3A_197 = arith.index_cast %add3A_193 : i32 to index
        %swap3A_198 = tpu.vector_load %arg12[%swap3A_197] {strides = array<i32>} : memref<47616xi32, #tpu.memory_space<vmem>>, vector<16xi32>,
        %swap3A_199 = vector.shape_cast %swap3A_198 : vector<16xi32> to vector<16xi32>
        %swap3A_200 = vector.shape_cast %add3A_196 : vector<16xi32> to vector<16xi32>
        tpu.vector_store %arg12[%swap3A_197], %swap3A_200 {strides = array<i32>} : memref<47616xi32, #tpu.memory_space<vmem>>, vector<16xi32>,
        %add3A_201 = arith.constant 3 : i32
        %add3A_202 = vector.broadcast %add3A_201 : i32 to vector<16xi32>
        %add3A_203 = arith.addi %mul3A_69, %add3A_202 : vector<16xi32>
        %add3A_204 = arith.constant 16 : i32
        %add3A_205 = arith.addi %add3A_193, %add3A_204 : i32
        %swap3A_206 = arith.index_cast %add3A_205 : i32 to index
        %swap3A_207 = tpu.vector_load %arg12[%swap3A_206] {strides = array<i32>} : memref<47616xi32, #tpu.memory_space<vmem>>, vector<16xi32>,
        %swap3A_208 = vector.shape_cast %swap3A_207 : vector<16xi32> to vector<16xi32>
        %swap3A_209 = vector.shape_cast %add3A_203 : vector<16xi32> to vector<16xi32>
        tpu.vector_store %arg12[%swap3A_206], %swap3A_209 {strides = array<i32>} : memref<47616xi32, #tpu.memory_space<vmem>>, vector<16xi32>,
        %mul3A_210 = arith.constant 512 : i32
        %mul3A_211 = arith.muli %scan3A_51, %mul3A_210 : i32
        %add3A_212 = arith.constant 224 : i32
        %add3A_213 = arith.addi %mul3A_211, %add3A_212 : i32
        %add3A_214 = arith.constant 4 : i32
        %add3A_215 = vector.broadcast %add3A_214 : i32 to vector<16xi32>
        %add3A_216 = arith.addi %mul3A_69, %add3A_215 : vector<16xi32>
        %swap3A_217 = arith.index_cast %add3A_213 : i32 to index
        %swap3A_218 = tpu.vector_load %arg12[%swap3A_217] {strides = array<i32>} : memref<47616xi32, #tpu.memory_space<vmem>>, vector<16xi32>,
        %swap3A_219 = vector.shape_cast %swap3A_218 : vector<16xi32> to vector<16xi32>
        %swap3A_220 = vector.shape_cast %add3A_216 : vector<16xi32> to vector<16xi32>
        tpu.vector_store %arg12[%swap3A_217], %swap3A_220 {strides = array<i32>} : memref<47616xi32, #tpu.memory_space<vmem>>, vector<16xi32>,
        %add3A_221 = arith.constant 5 : i32
        %add3A_222 = vector.broadcast %add3A_221 : i32 to vector<16xi32>
        %add3A_223 = arith.addi %mul3A_69, %add3A_222 : vector<16xi32>
        %add3A_224 = arith.constant 16 : i32
        %add3A_225 = arith.addi %add3A_213, %add3A_224 : i32
        %swap3A_226 = arith.index_cast %add3A_225 : i32 to index
        %swap3A_227 = tpu.vector_load %arg12[%swap3A_226] {strides = array<i32>} : memref<47616xi32, #tpu.memory_space<vmem>>, vector<16xi32>,
        %swap3A_228 = vector.shape_cast %swap3A_227 : vector<16xi32> to vector<16xi32>
        %swap3A_229 = vector.shape_cast %add3A_223 : vector<16xi32> to vector<16xi32>
        tpu.vector_store %arg12[%swap3A_226], %swap3A_229 {strides = array<i32>} : memref<47616xi32, #tpu.memory_space<vmem>>, vector<16xi32>,
        %mul3A_230 = arith.constant 512 : i32
        %mul3A_231 = arith.muli %scan3A_51, %mul3A_230 : i32
        %add3A_232 = arith.constant 256 : i32
        %add3A_233 = arith.addi %mul3A_231, %add3A_232 : i32
        %add3A_234 = arith.constant 4094 : i32
        %add3A_235 = vector.broadcast %add3A_234 : i32 to vector<16xi32>
        %add3A_236 = arith.addi %mul3A_69, %add3A_235 : vector<16xi32>
        %swap3A_237 = arith.index_cast %add3A_233 : i32 to index
        %swap3A_238 = tpu.vector_load %arg12[%swap3A_237] {strides = array<i32>} : memref<47616xi32, #tpu.memory_space<vmem>>, vector<16xi32>,
        %swap3A_239 = vector.shape_cast %swap3A_238 : vector<16xi32> to vector<16xi32>
        %swap3A_240 = vector.shape_cast %add3A_236 : vector<16xi32> to vector<16xi32>
        tpu.vector_store %arg12[%swap3A_237], %swap3A_240 {strides = array<i32>} : memref<47616xi32, #tpu.memory_space<vmem>>, vector<16xi32>,
        %add3A_241 = arith.constant 4095 : i32
        %add3A_242 = vector.broadcast %add3A_241 : i32 to vector<16xi32>
        %add3A_243 = arith.addi %mul3A_69, %add3A_242 : vector<16xi32>
        %add3A_244 = arith.constant 16 : i32
        %add3A_245 = arith.addi %add3A_233, %add3A_244 : i32
        %swap3A_246 = arith.index_cast %add3A_245 : i32 to index
        %swap3A_247 = tpu.vector_load %arg12[%swap3A_246] {strides = array<i32>} : memref<47616xi32, #tpu.memory_space<vmem>>, vector<16xi32>,
        %swap3A_248 = vector.shape_cast %swap3A_247 : vector<16xi32> to vector<16xi32>
        %swap3A_249 = vector.shape_cast %add3A_243 : vector<16xi32> to vector<16xi32>
        tpu.vector_store %arg12[%swap3A_246], %swap3A_249 {strides = array<i32>} : memref<47616xi32, #tpu.memory_space<vmem>>, vector<16xi32>,
        %mul3A_250 = arith.constant 512 : i32
        %mul3A_251 = arith.muli %scan3A_51, %mul3A_250 : i32
        %add3A_252 = arith.constant 288 : i32
        %add3A_253 = arith.addi %mul3A_251, %add3A_252 : i32
        %add3A_254 = arith.constant 4096 : i32
        %add3A_255 = vector.broadcast %add3A_254 : i32 to vector<16xi32>
        %add3A_256 = arith.addi %mul3A_69, %add3A_255 : vector<16xi32>
        %swap3A_257 = arith.index_cast %add3A_253 : i32 to index
        %swap3A_258 = tpu.vector_load %arg12[%swap3A_257] {strides = array<i32>} : memref<47616xi32, #tpu.memory_space<vmem>>, vector<16xi32>,
        %swap3A_259 = vector.shape_cast %swap3A_258 : vector<16xi32> to vector<16xi32>
        %swap3A_260 = vector.shape_cast %add3A_256 : vector<16xi32> to vector<16xi32>
        tpu.vector_store %arg12[%swap3A_257], %swap3A_260 {strides = array<i32>} : memref<47616xi32, #tpu.memory_space<vmem>>, vector<16xi32>,
        %add3A_261 = arith.constant 4097 : i32
        %add3A_262 = vector.broadcast %add3A_261 : i32 to vector<16xi32>
        %add3A_263 = arith.addi %mul3A_69, %add3A_262 : vector<16xi32>
        %add3A_264 = arith.constant 16 : i32
        %add3A_265 = arith.addi %add3A_253, %add3A_264 : i32
        %swap3A_266 = arith.index_cast %add3A_265 : i32 to index
        %swap3A_267 = tpu.vector_load %arg12[%swap3A_266] {strides = array<i32>} : memref<47616xi32, #tpu.memory_space<vmem>>, vector<16xi32>,
        %swap3A_268 = vector.shape_cast %swap3A_267 : vector<16xi32> to vector<16xi32>
        %swap3A_269 = vector.shape_cast %add3A_263 : vector<16xi32> to vector<16xi32>
        tpu.vector_store %arg12[%swap3A_266], %swap3A_269 {strides = array<i32>} : memref<47616xi32, #tpu.memory_space<vmem>>, vector<16xi32>,
        %mul3A_270 = arith.constant 512 : i32
        %mul3A_271 = arith.muli %scan3A_51, %mul3A_270 : i32
        %add3A_272 = arith.constant 320 : i32
        %add3A_273 = arith.addi %mul3A_271, %add3A_272 : i32
        %add3A_274 = arith.constant 4098 : i32
        %add3A_275 = vector.broadcast %add3A_274 : i32 to vector<16xi32>
        %add3A_276 = arith.addi %mul3A_69, %add3A_275 : vector<16xi32>
        %swap3A_277 = arith.index_cast %add3A_273 : i32 to index
        %swap3A_278 = tpu.vector_load %arg12[%swap3A_277] {strides = array<i32>} : memref<47616xi32, #tpu.memory_space<vmem>>, vector<16xi32>,
        %swap3A_279 = vector.shape_cast %swap3A_278 : vector<16xi32> to vector<16xi32>
        %swap3A_280 = vector.shape_cast %add3A_276 : vector<16xi32> to vector<16xi32>
        tpu.vector_store %arg12[%swap3A_277], %swap3A_280 {strides = array<i32>} : memref<47616xi32, #tpu.memory_space<vmem>>, vector<16xi32>,
        %add3A_281 = arith.constant 4099 : i32
        %add3A_282 = vector.broadcast %add3A_281 : i32 to vector<16xi32>
        %add3A_283 = arith.addi %mul3A_69, %add3A_282 : vector<16xi32>
        %add3A_284 = arith.constant 16 : i32
        %add3A_285 = arith.addi %add3A_273, %add3A_284 : i32
        %swap3A_286 = arith.index_cast %add3A_285 : i32 to index
        %swap3A_287 = tpu.vector_load %arg12[%swap3A_286] {strides = array<i32>} : memref<47616xi32, #tpu.memory_space<vmem>>, vector<16xi32>,
        %swap3A_288 = vector.shape_cast %swap3A_287 : vector<16xi32> to vector<16xi32>
        %swap3A_289 = vector.shape_cast %add3A_283 : vector<16xi32> to vector<16xi32>
        tpu.vector_store %arg12[%swap3A_286], %swap3A_289 {strides = array<i32>} : memref<47616xi32, #tpu.memory_space<vmem>>, vector<16xi32>,
        %mul3A_290 = arith.constant 512 : i32
        %mul3A_291 = arith.muli %scan3A_51, %mul3A_290 : i32
        %add3A_292 = arith.constant 352 : i32
        %add3A_293 = arith.addi %mul3A_291, %add3A_292 : i32
        %add3A_294 = arith.constant 4100 : i32
        %add3A_295 = vector.broadcast %add3A_294 : i32 to vector<16xi32>
        %add3A_296 = arith.addi %mul3A_69, %add3A_295 : vector<16xi32>
        %swap3A_297 = arith.index_cast %add3A_293 : i32 to index
        %swap3A_298 = tpu.vector_load %arg12[%swap3A_297] {strides = array<i32>} : memref<47616xi32, #tpu.memory_space<vmem>>, vector<16xi32>,
        %swap3A_299 = vector.shape_cast %swap3A_298 : vector<16xi32> to vector<16xi32>
        %swap3A_300 = vector.shape_cast %add3A_296 : vector<16xi32> to vector<16xi32>
        tpu.vector_store %arg12[%swap3A_297], %swap3A_300 {strides = array<i32>} : memref<47616xi32, #tpu.memory_space<vmem>>, vector<16xi32>,
        %add3A_301 = arith.constant 4101 : i32
        %add3A_302 = vector.broadcast %add3A_301 : i32 to vector<16xi32>
        %add3A_303 = arith.addi %mul3A_69, %add3A_302 : vector<16xi32>
        %add3A_304 = arith.constant 16 : i32
        %add3A_305 = arith.addi %add3A_293, %add3A_304 : i32
        %swap3A_306 = arith.index_cast %add3A_305 : i32 to index
        %swap3A_307 = tpu.vector_load %arg12[%swap3A_306] {strides = array<i32>} : memref<47616xi32, #tpu.memory_space<vmem>>, vector<16xi32>,
        %swap3A_308 = vector.shape_cast %swap3A_307 : vector<16xi32> to vector<16xi32>
        %swap3A_309 = vector.shape_cast %add3A_303 : vector<16xi32> to vector<16xi32>
        tpu.vector_store %arg12[%swap3A_306], %swap3A_309 {strides = array<i32>} : memref<47616xi32, #tpu.memory_space<vmem>>, vector<16xi32>,
        %mul3A_310 = arith.constant 512 : i32
        %mul3A_311 = arith.muli %scan3A_51, %mul3A_310 : i32
        %add3A_312 = arith.constant 384 : i32
        %add3A_313 = arith.addi %mul3A_311, %add3A_312 : i32
        %add3A_314 = arith.constant 8190 : i32
        %add3A_315 = vector.broadcast %add3A_314 : i32 to vector<16xi32>
        %add3A_316 = arith.addi %mul3A_69, %add3A_315 : vector<16xi32>
        %swap3A_317 = arith.index_cast %add3A_313 : i32 to index
        %swap3A_318 = tpu.vector_load %arg12[%swap3A_317] {strides = array<i32>} : memref<47616xi32, #tpu.memory_space<vmem>>, vector<16xi32>,
        %swap3A_319 = vector.shape_cast %swap3A_318 : vector<16xi32> to vector<16xi32>
        %swap3A_320 = vector.shape_cast %add3A_316 : vector<16xi32> to vector<16xi32>
        tpu.vector_store %arg12[%swap3A_317], %swap3A_320 {strides = array<i32>} : memref<47616xi32, #tpu.memory_space<vmem>>, vector<16xi32>,
        %add3A_321 = arith.constant 8191 : i32
        %add3A_322 = vector.broadcast %add3A_321 : i32 to vector<16xi32>
        %add3A_323 = arith.addi %mul3A_69, %add3A_322 : vector<16xi32>
        %add3A_324 = arith.constant 16 : i32
        %add3A_325 = arith.addi %add3A_313, %add3A_324 : i32
        %swap3A_326 = arith.index_cast %add3A_325 : i32 to index
        %swap3A_327 = tpu.vector_load %arg12[%swap3A_326] {strides = array<i32>} : memref<47616xi32, #tpu.memory_space<vmem>>, vector<16xi32>,
        %swap3A_328 = vector.shape_cast %swap3A_327 : vector<16xi32> to vector<16xi32>
        %swap3A_329 = vector.shape_cast %add3A_323 : vector<16xi32> to vector<16xi32>
        tpu.vector_store %arg12[%swap3A_326], %swap3A_329 {strides = array<i32>} : memref<47616xi32, #tpu.memory_space<vmem>>, vector<16xi32>,
        %mul3A_330 = arith.constant 512 : i32
        %mul3A_331 = arith.muli %scan3A_51, %mul3A_330 : i32
        %add3A_332 = arith.constant 416 : i32
        %add3A_333 = arith.addi %mul3A_331, %add3A_332 : i32
        %add3A_334 = arith.constant 8192 : i32
        %add3A_335 = vector.broadcast %add3A_334 : i32 to vector<16xi32>
        %add3A_336 = arith.addi %mul3A_69, %add3A_335 : vector<16xi32>
        %swap3A_337 = arith.index_cast %add3A_333 : i32 to index
        %swap3A_338 = tpu.vector_load %arg12[%swap3A_337] {strides = array<i32>} : memref<47616xi32, #tpu.memory_space<vmem>>, vector<16xi32>,
        %swap3A_339 = vector.shape_cast %swap3A_338 : vector<16xi32> to vector<16xi32>
        %swap3A_340 = vector.shape_cast %add3A_336 : vector<16xi32> to vector<16xi32>
        tpu.vector_store %arg12[%swap3A_337], %swap3A_340 {strides = array<i32>} : memref<47616xi32, #tpu.memory_space<vmem>>, vector<16xi32>,
        %add3A_341 = arith.constant 8193 : i32
        %add3A_342 = vector.broadcast %add3A_341 : i32 to vector<16xi32>
        %add3A_343 = arith.addi %mul3A_69, %add3A_342 : vector<16xi32>
        %add3A_344 = arith.constant 16 : i32
        %add3A_345 = arith.addi %add3A_333, %add3A_344 : i32
        %swap3A_346 = arith.index_cast %add3A_345 : i32 to index
        %swap3A_347 = tpu.vector_load %arg12[%swap3A_346] {strides = array<i32>} : memref<47616xi32, #tpu.memory_space<vmem>>, vector<16xi32>,
        %swap3A_348 = vector.shape_cast %swap3A_347 : vector<16xi32> to vector<16xi32>
        %swap3A_349 = vector.shape_cast %add3A_343 : vector<16xi32> to vector<16xi32>
        tpu.vector_store %arg12[%swap3A_346], %swap3A_349 {strides = array<i32>} : memref<47616xi32, #tpu.memory_space<vmem>>, vector<16xi32>,
        %mul3A_350 = arith.constant 512 : i32
        %mul3A_351 = arith.muli %scan3A_51, %mul3A_350 : i32
        %add3A_352 = arith.constant 448 : i32
        %add3A_353 = arith.addi %mul3A_351, %add3A_352 : i32
        %add3A_354 = arith.constant 8194 : i32
        %add3A_355 = vector.broadcast %add3A_354 : i32 to vector<16xi32>
        %add3A_356 = arith.addi %mul3A_69, %add3A_355 : vector<16xi32>
        %swap3A_357 = arith.index_cast %add3A_353 : i32 to index
        %swap3A_358 = tpu.vector_load %arg12[%swap3A_357] {strides = array<i32>} : memref<47616xi32, #tpu.memory_space<vmem>>, vector<16xi32>,
        %swap3A_359 = vector.shape_cast %swap3A_358 : vector<16xi32> to vector<16xi32>
        %swap3A_360 = vector.shape_cast %add3A_356 : vector<16xi32> to vector<16xi32>
        tpu.vector_store %arg12[%swap3A_357], %swap3A_360 {strides = array<i32>} : memref<47616xi32, #tpu.memory_space<vmem>>, vector<16xi32>,
        %add3A_361 = arith.constant 8195 : i32
        %add3A_362 = vector.broadcast %add3A_361 : i32 to vector<16xi32>
        %add3A_363 = arith.addi %mul3A_69, %add3A_362 : vector<16xi32>
        %add3A_364 = arith.constant 16 : i32
        %add3A_365 = arith.addi %add3A_353, %add3A_364 : i32
        %swap3A_366 = arith.index_cast %add3A_365 : i32 to index
        %swap3A_367 = tpu.vector_load %arg12[%swap3A_366] {strides = array<i32>} : memref<47616xi32, #tpu.memory_space<vmem>>, vector<16xi32>,
        %swap3A_368 = vector.shape_cast %swap3A_367 : vector<16xi32> to vector<16xi32>
        %swap3A_369 = vector.shape_cast %add3A_363 : vector<16xi32> to vector<16xi32>
        tpu.vector_store %arg12[%swap3A_366], %swap3A_369 {strides = array<i32>} : memref<47616xi32, #tpu.memory_space<vmem>>, vector<16xi32>,
        %mul3A_370 = arith.constant 512 : i32
        %mul3A_371 = arith.muli %scan3A_51, %mul3A_370 : i32
        %add3A_372 = arith.constant 480 : i32
        %add3A_373 = arith.addi %mul3A_371, %add3A_372 : i32
        %add3A_374 = arith.constant 8196 : i32
        %add3A_375 = vector.broadcast %add3A_374 : i32 to vector<16xi32>
        %add3A_376 = arith.addi %mul3A_69, %add3A_375 : vector<16xi32>
        %swap3A_377 = arith.index_cast %add3A_373 : i32 to index
        %swap3A_378 = tpu.vector_load %arg12[%swap3A_377] {strides = array<i32>} : memref<47616xi32, #tpu.memory_space<vmem>>, vector<16xi32>,
        %swap3A_379 = vector.shape_cast %swap3A_378 : vector<16xi32> to vector<16xi32>
        %swap3A_380 = vector.shape_cast %add3A_376 : vector<16xi32> to vector<16xi32>
        tpu.vector_store %arg12[%swap3A_377], %swap3A_380 {strides = array<i32>} : memref<47616xi32, #tpu.memory_space<vmem>>, vector<16xi32>,
        %add3A_381 = arith.constant 8197 : i32
        %add3A_382 = vector.broadcast %add3A_381 : i32 to vector<16xi32>
        %add3A_383 = arith.addi %mul3A_69, %add3A_382 : vector<16xi32>
        %add3A_384 = arith.constant 16 : i32
        %add3A_385 = arith.addi %add3A_373, %add3A_384 : i32
        %swap3A_386 = arith.index_cast %add3A_385 : i32 to index
        %swap3A_387 = tpu.vector_load %arg12[%swap3A_386] {strides = array<i32>} : memref<47616xi32, #tpu.memory_space<vmem>>, vector<16xi32>,
        %swap3A_388 = vector.shape_cast %swap3A_387 : vector<16xi32> to vector<16xi32>
        %swap3A_389 = vector.shape_cast %add3A_383 : vector<16xi32> to vector<16xi32>
        tpu.vector_store %arg12[%swap3A_386], %swap3A_389 {strides = array<i32>} : memref<47616xi32, #tpu.memory_space<vmem>>, vector<16xi32>,
      }
      %scan3A_34 = arith.constant 93 : i32
      %dma_start3A = arith.constant 0 : i32
      %dma_start3A_35 = tpu.memref_slice %arg13[%dma_start3A] : memref<47616xf32, #tpu.memory_space<vmem>> -> memref<47616xf32, #tpu.memory_space<vmem>>
      %dma_start3A_36 = arith.constant 0 : i32
      %dma_start3A_37 = tpu.memref_slice %arg12[%dma_start3A_36] : memref<47616xi32, #tpu.memory_space<vmem>> -> memref<47616xi32, #tpu.memory_space<vmem>>
      %dma_start3A_38 = arith.constant 0 : i32
      %dma_start3A_39 = tpu.memref_slice %arg8[%dma_start3A_38] : memref<8388608xf32, #tpu.memory_space<hbm>> -> memref<8388608xf32, #tpu.memory_space<hbm>>
      tpu.enqueue_indirect_dma source(%dma_start3A_39 : memref<8388608xf32, #tpu.memory_space<hbm>>) target(%dma_start3A_35 : memref<47616xf32, #tpu.memory_space<vmem>>) offsets(%dma_start3A_37 : memref<47616xi32, #tpu.memory_space<vmem>>) semaphore(%arg15 : memref<!tpu.dma_semaphore, #tpu.memory_space<semaphore_mem>>)
      %dma_wait3A = arith.constant 0 : i32
      %dma_wait3A_40 = tpu.memref_slice %arg13[%dma_wait3A] : memref<47616xf32, #tpu.memory_space<vmem>> -> memref<47616xf32, #tpu.memory_space<vmem>>
      %dma_wait3A_41 = arith.constant 0 : i32
      %dma_wait3A_42 = tpu.memref_slice %arg12[%dma_wait3A_41] : memref<47616xi32, #tpu.memory_space<vmem>> -> memref<47616xi32, #tpu.memory_space<vmem>>
      %dma_wait3A_43 = arith.constant 0 : i32
      %dma_wait3A_44 = tpu.memref_slice %arg8[%dma_wait3A_43] : memref<8388608xf32, #tpu.memory_space<hbm>> -> memref<8388608xf32, #tpu.memory_space<hbm>>
      tpu.wait_indirect_dma semaphore(%arg15 : memref<!tpu.dma_semaphore, #tpu.memory_space<semaphore_mem>>) src(%dma_wait3A_44 : memref<8388608xf32, #tpu.memory_space<hbm>>) dst(%dma_wait3A_40 : memref<47616xf32, #tpu.memory_space<vmem>>)
      %scan3A_45 = arith.constant 0 : i32
      %scan3A_46 = arith.constant 93 : i32
      %scan3A_47 = arith.addi %scan3A_45, %scan3A_46 : i32
      %scan3A_48 = arith.constant 1 : i32
      %scan3A_49 = scf.for %scan3A_51 = %scan3A_45 to %scan3A_47 step %scan3A_48 iter_args(%scan3A_52 = %scan3A_23) -> (vector<16xf32>)  : i32 {
        %mul3A_53 = arith.constant 16 : i32
        %mul3A_54 = arith.muli %scan3A_51, %mul3A_53 : i32
        %add3A_55 = arith.constant 2976 : i32
        %add3A_56 = arith.addi %add3A_55, %mul3A_54 : i32
        %get3A = arith.index_cast %add3A_56 : i32 to index
        %get3A_57 = tpu.vector_load %arg10[%get3A] {strides = array<i32>} : memref<5952xf32, #tpu.memory_space<vmem>>, vector<16xf32>,
        %get3A_58 = vector.shape_cast %get3A_57 : vector<16xf32> to vector<16xf32>
        %rem3A = arith.constant 1.000000e+00 : f32
        %rem3A_59 = vector.broadcast %rem3A : f32 to vector<16xf32>
        %rem3A_60 = arith.remf %get3A_58, %rem3A_59 : vector<16xf32>
        %mul3A_61 = arith.constant 16 : i32
        %mul3A_62 = arith.muli %scan3A_51, %mul3A_61 : i32
        %add3A_63 = arith.constant 4464 : i32
        %add3A_64 = arith.addi %add3A_63, %mul3A_62 : i32
        %get3A_65 = arith.index_cast %add3A_64 : i32 to index
        %get3A_66 = tpu.vector_load %arg10[%get3A_65] {strides = array<i32>} : memref<5952xf32, #tpu.memory_space<vmem>>, vector<16xf32>,
        %get3A_67 = vector.shape_cast %get3A_66 : vector<16xf32> to vector<16xf32>
        %rem3A_68 = arith.constant 1.000000e+00 : f32
        %rem3A_69 = vector.broadcast %rem3A_68 : f32 to vector<16xf32>
        %rem3A_70 = arith.remf %get3A_67, %rem3A_69 : vector<16xf32>
        %mul3A_71 = arith.mulf %rem3A_60, %rem3A_60 : vector<16xf32>
        %mul3A_72 = arith.mulf %mul3A_71, %rem3A_60 : vector<16xf32>
        %neg3A = arith.constant 0.000000e+00 : f32
        %neg3A_73 = vector.broadcast %neg3A : f32 to vector<16xf32>
        %neg3A_74 = arith.subf %neg3A_73, %mul3A_72 : vector<16xf32>
        %mul3A_75 = arith.constant 2.000000e+00 : f32
        %mul3A_76 = vector.broadcast %mul3A_75 : f32 to vector<16xf32>
        %mul3A_77 = arith.mulf %mul3A_76, %mul3A_71 : vector<16xf32>
        %add3A_78 = arith.addf %neg3A_74, %mul3A_77 : vector<16xf32>
        %sub3A = arith.subf %add3A_78, %rem3A_60 : vector<16xf32>
        %mul3A_79 = arith.constant 5.000000e-01 : f32
        %mul3A_80 = vector.broadcast %mul3A_79 : f32 to vector<16xf32>
        %mul3A_81 = arith.mulf %mul3A_80, %sub3A : vector<16xf32>
        %mul3A_82 = arith.constant 3.000000e+00 : f32
        %mul3A_83 = vector.broadcast %mul3A_82 : f32 to vector<16xf32>
        %mul3A_84 = arith.mulf %mul3A_83, %mul3A_72 : vector<16xf32>
        %mul3A_85 = arith.constant 5.000000e+00 : f32
        %mul3A_86 = vector.broadcast %mul3A_85 : f32 to vector<16xf32>
        %mul3A_87 = arith.mulf %mul3A_86, %mul3A_71 : vector<16xf32>
        %sub3A_88 = arith.subf %mul3A_84, %mul3A_87 : vector<16xf32>
        %add3A_89 = arith.constant 2.000000e+00 : f32
        %add3A_90 = vector.broadcast %add3A_89 : f32 to vector<16xf32>
        %add3A_91 = arith.addf %sub3A_88, %add3A_90 : vector<16xf32>
        %mul3A_92 = arith.constant 5.000000e-01 : f32
        %mul3A_93 = vector.broadcast %mul3A_92 : f32 to vector<16xf32>
        %mul3A_94 = arith.mulf %mul3A_93, %add3A_91 : vector<16xf32>
        %mul3A_95 = arith.constant -3.000000e+00 : f32
        %mul3A_96 = vector.broadcast %mul3A_95 : f32 to vector<16xf32>
        %mul3A_97 = arith.mulf %mul3A_96, %mul3A_72 : vector<16xf32>
        %mul3A_98 = arith.constant 4.000000e+00 : f32
        %mul3A_99 = vector.broadcast %mul3A_98 : f32 to vector<16xf32>
        %mul3A_100 = arith.mulf %mul3A_99, %mul3A_71 : vector<16xf32>
        %add3A_101 = arith.addf %mul3A_97, %mul3A_100 : vector<16xf32>
        %add3A_102 = arith.addf %add3A_101, %rem3A_60 : vector<16xf32>
        %mul3A_103 = arith.constant 5.000000e-01 : f32
        %mul3A_104 = vector.broadcast %mul3A_103 : f32 to vector<16xf32>
        %mul3A_105 = arith.mulf %mul3A_104, %add3A_102 : vector<16xf32>
        %sub3A_106 = arith.subf %mul3A_72, %mul3A_71 : vector<16xf32>
        %mul3A_107 = arith.constant 5.000000e-01 : f32
        %mul3A_108 = vector.broadcast %mul3A_107 : f32 to vector<16xf32>
        %mul3A_109 = arith.mulf %mul3A_108, %sub3A_106 : vector<16xf32>
        %mul3A_110 = arith.mulf %rem3A_70, %rem3A_70 : vector<16xf32>
        %mul3A_111 = arith.mulf %mul3A_110, %rem3A_70 : vector<16xf32>
        %neg3A_112 = arith.constant 0.000000e+00 : f32
        %neg3A_113 = vector.broadcast %neg3A_112 : f32 to vector<16xf32>
        %neg3A_114 = arith.subf %neg3A_113, %mul3A_111 : vector<16xf32>
        %mul3A_115 = arith.constant 2.000000e+00 : f32
        %mul3A_116 = vector.broadcast %mul3A_115 : f32 to vector<16xf32>
        %mul3A_117 = arith.mulf %mul3A_116, %mul3A_110 : vector<16xf32>
        %add3A_118 = arith.addf %neg3A_114, %mul3A_117 : vector<16xf32>
        %sub3A_119 = arith.subf %add3A_118, %rem3A_70 : vector<16xf32>
        %mul3A_120 = arith.constant 5.000000e-01 : f32
        %mul3A_121 = vector.broadcast %mul3A_120 : f32 to vector<16xf32>
        %mul3A_122 = arith.mulf %mul3A_121, %sub3A_119 : vector<16xf32>
        %mul3A_123 = arith.constant 3.000000e+00 : f32
        %mul3A_124 = vector.broadcast %mul3A_123 : f32 to vector<16xf32>
        %mul3A_125 = arith.mulf %mul3A_124, %mul3A_111 : vector<16xf32>
        %mul3A_126 = arith.constant 5.000000e+00 : f32
        %mul3A_127 = vector.broadcast %mul3A_126 : f32 to vector<16xf32>
        %mul3A_128 = arith.mulf %mul3A_127, %mul3A_110 : vector<16xf32>
        %sub3A_129 = arith.subf %mul3A_125, %mul3A_128 : vector<16xf32>
        %add3A_130 = arith.constant 2.000000e+00 : f32
        %add3A_131 = vector.broadcast %add3A_130 : f32 to vector<16xf32>
        %add3A_132 = arith.addf %sub3A_129, %add3A_131 : vector<16xf32>
        %mul3A_133 = arith.constant 5.000000e-01 : f32
        %mul3A_134 = vector.broadcast %mul3A_133 : f32 to vector<16xf32>
        %mul3A_135 = arith.mulf %mul3A_134, %add3A_132 : vector<16xf32>
        %mul3A_136 = arith.constant -3.000000e+00 : f32
        %mul3A_137 = vector.broadcast %mul3A_136 : f32 to vector<16xf32>
        %mul3A_138 = arith.mulf %mul3A_137, %mul3A_111 : vector<16xf32>
        %mul3A_139 = arith.constant 4.000000e+00 : f32
        %mul3A_140 = vector.broadcast %mul3A_139 : f32 to vector<16xf32>
        %mul3A_141 = arith.mulf %mul3A_140, %mul3A_110 : vector<16xf32>
        %add3A_142 = arith.addf %mul3A_138, %mul3A_141 : vector<16xf32>
        %add3A_143 = arith.addf %add3A_142, %rem3A_70 : vector<16xf32>
        %mul3A_144 = arith.constant 5.000000e-01 : f32
        %mul3A_145 = vector.broadcast %mul3A_144 : f32 to vector<16xf32>
        %mul3A_146 = arith.mulf %mul3A_145, %add3A_143 : vector<16xf32>
        %sub3A_147 = arith.subf %mul3A_111, %mul3A_110 : vector<16xf32>
        %mul3A_148 = arith.constant 5.000000e-01 : f32
        %mul3A_149 = vector.broadcast %mul3A_148 : f32 to vector<16xf32>
        %mul3A_150 = arith.mulf %mul3A_149, %sub3A_147 : vector<16xf32>
        %broadcast_in_dim3A_151 = arith.constant 0.000000e+00 : f32
        %broadcast_in_dim3A_152 = vector.broadcast %broadcast_in_dim3A_151 : f32 to vector<16xf32>
        %broadcast_in_dim3A_153 = arith.constant 0.000000e+00 : f32
        %broadcast_in_dim3A_154 = vector.broadcast %broadcast_in_dim3A_153 : f32 to vector<16xf32>
        %broadcast_in_dim3A_155 = arith.constant 0.000000e+00 : f32
        %broadcast_in_dim3A_156 = vector.broadcast %broadcast_in_dim3A_155 : f32 to vector<16xf32>
        %broadcast_in_dim3A_157 = arith.constant 0.000000e+00 : f32
        %broadcast_in_dim3A_158 = vector.broadcast %broadcast_in_dim3A_157 : f32 to vector<16xf32>
        %mul3A_159 = arith.constant 512 : i32
        %mul3A_160 = arith.muli %scan3A_51, %mul3A_159 : i32
        %add3A_161 = arith.constant 0 : i32
        %add3A_162 = arith.addi %mul3A_160, %add3A_161 : i32
        %get3A_163 = arith.index_cast %add3A_162 : i32 to index
        %get3A_164 = tpu.vector_load %arg13[%get3A_163] {strides = array<i32>} : memref<47616xf32, #tpu.memory_space<vmem>>, vector<16xf32>,
        %get3A_165 = vector.shape_cast %get3A_164 : vector<16xf32> to vector<16xf32>
        %mul3A_166 = arith.mulf %mul3A_122, %get3A_165 : vector<16xf32>
        %add3A_167 = arith.addf %broadcast_in_dim3A_156, %mul3A_166 : vector<16xf32>
        %add3A_168 = arith.constant 16 : i32
        %add3A_169 = arith.addi %add3A_162, %add3A_168 : i32
        %get3A_170 = arith.index_cast %add3A_169 : i32 to index
        %get3A_171 = tpu.vector_load %arg13[%get3A_170] {strides = array<i32>} : memref<47616xf32, #tpu.memory_space<vmem>>, vector<16xf32>,
        %get3A_172 = vector.shape_cast %get3A_171 : vector<16xf32> to vector<16xf32>
        %mul3A_173 = arith.mulf %mul3A_122, %get3A_172 : vector<16xf32>
        %add3A_174 = arith.addf %broadcast_in_dim3A_158, %mul3A_173 : vector<16xf32>
        %mul3A_175 = arith.constant 512 : i32
        %mul3A_176 = arith.muli %scan3A_51, %mul3A_175 : i32
        %add3A_177 = arith.constant 32 : i32
        %add3A_178 = arith.addi %mul3A_176, %add3A_177 : i32
        %get3A_179 = arith.index_cast %add3A_178 : i32 to index
        %get3A_180 = tpu.vector_load %arg13[%get3A_179] {strides = array<i32>} : memref<47616xf32, #tpu.memory_space<vmem>>, vector<16xf32>,
        %get3A_181 = vector.shape_cast %get3A_180 : vector<16xf32> to vector<16xf32>
        %mul3A_182 = arith.mulf %mul3A_135, %get3A_181 : vector<16xf32>
        %add3A_183 = arith.addf %add3A_167, %mul3A_182 : vector<16xf32>
        %add3A_184 = arith.constant 16 : i32
        %add3A_185 = arith.addi %add3A_178, %add3A_184 : i32
        %get3A_186 = arith.index_cast %add3A_185 : i32 to index
        %get3A_187 = tpu.vector_load %arg13[%get3A_186] {strides = array<i32>} : memref<47616xf32, #tpu.memory_space<vmem>>, vector<16xf32>,
        %get3A_188 = vector.shape_cast %get3A_187 : vector<16xf32> to vector<16xf32>
        %mul3A_189 = arith.mulf %mul3A_135, %get3A_188 : vector<16xf32>
        %add3A_190 = arith.addf %add3A_174, %mul3A_189 : vector<16xf32>
        %mul3A_191 = arith.constant 512 : i32
        %mul3A_192 = arith.muli %scan3A_51, %mul3A_191 : i32
        %add3A_193 = arith.constant 64 : i32
        %add3A_194 = arith.addi %mul3A_192, %add3A_193 : i32
        %get3A_195 = arith.index_cast %add3A_194 : i32 to index
        %get3A_196 = tpu.vector_load %arg13[%get3A_195] {strides = array<i32>} : memref<47616xf32, #tpu.memory_space<vmem>>, vector<16xf32>,
        %get3A_197 = vector.shape_cast %get3A_196 : vector<16xf32> to vector<16xf32>
        %mul3A_198 = arith.mulf %mul3A_146, %get3A_197 : vector<16xf32>
        %add3A_199 = arith.addf %add3A_183, %mul3A_198 : vector<16xf32>
        %add3A_200 = arith.constant 16 : i32
        %add3A_201 = arith.addi %add3A_194, %add3A_200 : i32
        %get3A_202 = arith.index_cast %add3A_201 : i32 to index
        %get3A_203 = tpu.vector_load %arg13[%get3A_202] {strides = array<i32>} : memref<47616xf32, #tpu.memory_space<vmem>>, vector<16xf32>,
        %get3A_204 = vector.shape_cast %get3A_203 : vector<16xf32> to vector<16xf32>
        %mul3A_205 = arith.mulf %mul3A_146, %get3A_204 : vector<16xf32>
        %add3A_206 = arith.addf %add3A_190, %mul3A_205 : vector<16xf32>
        %mul3A_207 = arith.constant 512 : i32
        %mul3A_208 = arith.muli %scan3A_51, %mul3A_207 : i32
        %add3A_209 = arith.constant 96 : i32
        %add3A_210 = arith.addi %mul3A_208, %add3A_209 : i32
        %get3A_211 = arith.index_cast %add3A_210 : i32 to index
        %get3A_212 = tpu.vector_load %arg13[%get3A_211] {strides = array<i32>} : memref<47616xf32, #tpu.memory_space<vmem>>, vector<16xf32>,
        %get3A_213 = vector.shape_cast %get3A_212 : vector<16xf32> to vector<16xf32>
        %mul3A_214 = arith.mulf %mul3A_150, %get3A_213 : vector<16xf32>
        %add3A_215 = arith.addf %add3A_199, %mul3A_214 : vector<16xf32>
        %add3A_216 = arith.constant 16 : i32
        %add3A_217 = arith.addi %add3A_210, %add3A_216 : i32
        %get3A_218 = arith.index_cast %add3A_217 : i32 to index
        %get3A_219 = tpu.vector_load %arg13[%get3A_218] {strides = array<i32>} : memref<47616xf32, #tpu.memory_space<vmem>>, vector<16xf32>,
        %get3A_220 = vector.shape_cast %get3A_219 : vector<16xf32> to vector<16xf32>
        %mul3A_221 = arith.mulf %mul3A_150, %get3A_220 : vector<16xf32>
        %add3A_222 = arith.addf %add3A_206, %mul3A_221 : vector<16xf32>
        %mul3A_223 = arith.mulf %mul3A_81, %add3A_215 : vector<16xf32>
        %add3A_224 = arith.addf %broadcast_in_dim3A_152, %mul3A_223 : vector<16xf32>
        %mul3A_225 = arith.mulf %mul3A_81, %add3A_222 : vector<16xf32>
        %add3A_226 = arith.addf %broadcast_in_dim3A_154, %mul3A_225 : vector<16xf32>
        %broadcast_in_dim3A_227 = arith.constant 0.000000e+00 : f32
        %broadcast_in_dim3A_228 = vector.broadcast %broadcast_in_dim3A_227 : f32 to vector<16xf32>
        %broadcast_in_dim3A_229 = arith.constant 0.000000e+00 : f32
        %broadcast_in_dim3A_230 = vector.broadcast %broadcast_in_dim3A_229 : f32 to vector<16xf32>
        %mul3A_231 = arith.constant 512 : i32
        %mul3A_232 = arith.muli %scan3A_51, %mul3A_231 : i32
        %add3A_233 = arith.constant 128 : i32
        %add3A_234 = arith.addi %mul3A_232, %add3A_233 : i32
        %get3A_235 = arith.index_cast %add3A_234 : i32 to index
        %get3A_236 = tpu.vector_load %arg13[%get3A_235] {strides = array<i32>} : memref<47616xf32, #tpu.memory_space<vmem>>, vector<16xf32>,
        %get3A_237 = vector.shape_cast %get3A_236 : vector<16xf32> to vector<16xf32>
        %mul3A_238 = arith.mulf %mul3A_122, %get3A_237 : vector<16xf32>
        %add3A_239 = arith.addf %broadcast_in_dim3A_228, %mul3A_238 : vector<16xf32>
        %add3A_240 = arith.constant 16 : i32
        %add3A_241 = arith.addi %add3A_234, %add3A_240 : i32
        %get3A_242 = arith.index_cast %add3A_241 : i32 to index
        %get3A_243 = tpu.vector_load %arg13[%get3A_242] {strides = array<i32>} : memref<47616xf32, #tpu.memory_space<vmem>>, vector<16xf32>,
        %get3A_244 = vector.shape_cast %get3A_243 : vector<16xf32> to vector<16xf32>
        %mul3A_245 = arith.mulf %mul3A_122, %get3A_244 : vector<16xf32>
        %add3A_246 = arith.addf %broadcast_in_dim3A_230, %mul3A_245 : vector<16xf32>
        %mul3A_247 = arith.constant 512 : i32
        %mul3A_248 = arith.muli %scan3A_51, %mul3A_247 : i32
        %add3A_249 = arith.constant 160 : i32
        %add3A_250 = arith.addi %mul3A_248, %add3A_249 : i32
        %get3A_251 = arith.index_cast %add3A_250 : i32 to index
        %get3A_252 = tpu.vector_load %arg13[%get3A_251] {strides = array<i32>} : memref<47616xf32, #tpu.memory_space<vmem>>, vector<16xf32>,
        %get3A_253 = vector.shape_cast %get3A_252 : vector<16xf32> to vector<16xf32>
        %mul3A_254 = arith.mulf %mul3A_135, %get3A_253 : vector<16xf32>
        %add3A_255 = arith.addf %add3A_239, %mul3A_254 : vector<16xf32>
        %add3A_256 = arith.constant 16 : i32
        %add3A_257 = arith.addi %add3A_250, %add3A_256 : i32
        %get3A_258 = arith.index_cast %add3A_257 : i32 to index
        %get3A_259 = tpu.vector_load %arg13[%get3A_258] {strides = array<i32>} : memref<47616xf32, #tpu.memory_space<vmem>>, vector<16xf32>,
        %get3A_260 = vector.shape_cast %get3A_259 : vector<16xf32> to vector<16xf32>
        %mul3A_261 = arith.mulf %mul3A_135, %get3A_260 : vector<16xf32>
        %add3A_262 = arith.addf %add3A_246, %mul3A_261 : vector<16xf32>
        %mul3A_263 = arith.constant 512 : i32
        %mul3A_264 = arith.muli %scan3A_51, %mul3A_263 : i32
        %add3A_265 = arith.constant 192 : i32
        %add3A_266 = arith.addi %mul3A_264, %add3A_265 : i32
        %get3A_267 = arith.index_cast %add3A_266 : i32 to index
        %get3A_268 = tpu.vector_load %arg13[%get3A_267] {strides = array<i32>} : memref<47616xf32, #tpu.memory_space<vmem>>, vector<16xf32>,
        %get3A_269 = vector.shape_cast %get3A_268 : vector<16xf32> to vector<16xf32>
        %mul3A_270 = arith.mulf %mul3A_146, %get3A_269 : vector<16xf32>
        %add3A_271 = arith.addf %add3A_255, %mul3A_270 : vector<16xf32>
        %add3A_272 = arith.constant 16 : i32
        %add3A_273 = arith.addi %add3A_266, %add3A_272 : i32
        %get3A_274 = arith.index_cast %add3A_273 : i32 to index
        %get3A_275 = tpu.vector_load %arg13[%get3A_274] {strides = array<i32>} : memref<47616xf32, #tpu.memory_space<vmem>>, vector<16xf32>,
        %get3A_276 = vector.shape_cast %get3A_275 : vector<16xf32> to vector<16xf32>
        %mul3A_277 = arith.mulf %mul3A_146, %get3A_276 : vector<16xf32>
        %add3A_278 = arith.addf %add3A_262, %mul3A_277 : vector<16xf32>
        %mul3A_279 = arith.constant 512 : i32
        %mul3A_280 = arith.muli %scan3A_51, %mul3A_279 : i32
        %add3A_281 = arith.constant 224 : i32
        %add3A_282 = arith.addi %mul3A_280, %add3A_281 : i32
        %get3A_283 = arith.index_cast %add3A_282 : i32 to index
        %get3A_284 = tpu.vector_load %arg13[%get3A_283] {strides = array<i32>} : memref<47616xf32, #tpu.memory_space<vmem>>, vector<16xf32>,
        %get3A_285 = vector.shape_cast %get3A_284 : vector<16xf32> to vector<16xf32>
        %mul3A_286 = arith.mulf %mul3A_150, %get3A_285 : vector<16xf32>
        %add3A_287 = arith.addf %add3A_271, %mul3A_286 : vector<16xf32>
        %add3A_288 = arith.constant 16 : i32
        %add3A_289 = arith.addi %add3A_282, %add3A_288 : i32
        %get3A_290 = arith.index_cast %add3A_289 : i32 to index
        %get3A_291 = tpu.vector_load %arg13[%get3A_290] {strides = array<i32>} : memref<47616xf32, #tpu.memory_space<vmem>>, vector<16xf32>,
        %get3A_292 = vector.shape_cast %get3A_291 : vector<16xf32> to vector<16xf32>
        %mul3A_293 = arith.mulf %mul3A_150, %get3A_292 : vector<16xf32>
        %add3A_294 = arith.addf %add3A_278, %mul3A_293 : vector<16xf32>
        %mul3A_295 = arith.mulf %mul3A_94, %add3A_287 : vector<16xf32>
        %add3A_296 = arith.addf %add3A_224, %mul3A_295 : vector<16xf32>
        %mul3A_297 = arith.mulf %mul3A_94, %add3A_294 : vector<16xf32>
        %add3A_298 = arith.addf %add3A_226, %mul3A_297 : vector<16xf32>
        %broadcast_in_dim3A_299 = arith.constant 0.000000e+00 : f32
        %broadcast_in_dim3A_300 = vector.broadcast %broadcast_in_dim3A_299 : f32 to vector<16xf32>
        %broadcast_in_dim3A_301 = arith.constant 0.000000e+00 : f32
        %broadcast_in_dim3A_302 = vector.broadcast %broadcast_in_dim3A_301 : f32 to vector<16xf32>
        %mul3A_303 = arith.constant 512 : i32
        %mul3A_304 = arith.muli %scan3A_51, %mul3A_303 : i32
        %add3A_305 = arith.constant 256 : i32
        %add3A_306 = arith.addi %mul3A_304, %add3A_305 : i32
        %get3A_307 = arith.index_cast %add3A_306 : i32 to index
        %get3A_308 = tpu.vector_load %arg13[%get3A_307] {strides = array<i32>} : memref<47616xf32, #tpu.memory_space<vmem>>, vector<16xf32>,
        %get3A_309 = vector.shape_cast %get3A_308 : vector<16xf32> to vector<16xf32>
        %mul3A_310 = arith.mulf %mul3A_122, %get3A_309 : vector<16xf32>
        %add3A_311 = arith.addf %broadcast_in_dim3A_300, %mul3A_310 : vector<16xf32>
        %add3A_312 = arith.constant 16 : i32
        %add3A_313 = arith.addi %add3A_306, %add3A_312 : i32
        %get3A_314 = arith.index_cast %add3A_313 : i32 to index
        %get3A_315 = tpu.vector_load %arg13[%get3A_314] {strides = array<i32>} : memref<47616xf32, #tpu.memory_space<vmem>>, vector<16xf32>,
        %get3A_316 = vector.shape_cast %get3A_315 : vector<16xf32> to vector<16xf32>
        %mul3A_317 = arith.mulf %mul3A_122, %get3A_316 : vector<16xf32>
        %add3A_318 = arith.addf %broadcast_in_dim3A_302, %mul3A_317 : vector<16xf32>
        %mul3A_319 = arith.constant 512 : i32
        %mul3A_320 = arith.muli %scan3A_51, %mul3A_319 : i32
        %add3A_321 = arith.constant 288 : i32
        %add3A_322 = arith.addi %mul3A_320, %add3A_321 : i32
        %get3A_323 = arith.index_cast %add3A_322 : i32 to index
        %get3A_324 = tpu.vector_load %arg13[%get3A_323] {strides = array<i32>} : memref<47616xf32, #tpu.memory_space<vmem>>, vector<16xf32>,
        %get3A_325 = vector.shape_cast %get3A_324 : vector<16xf32> to vector<16xf32>
        %mul3A_326 = arith.mulf %mul3A_135, %get3A_325 : vector<16xf32>
        %add3A_327 = arith.addf %add3A_311, %mul3A_326 : vector<16xf32>
        %add3A_328 = arith.constant 16 : i32
        %add3A_329 = arith.addi %add3A_322, %add3A_328 : i32
        %get3A_330 = arith.index_cast %add3A_329 : i32 to index
        %get3A_331 = tpu.vector_load %arg13[%get3A_330] {strides = array<i32>} : memref<47616xf32, #tpu.memory_space<vmem>>, vector<16xf32>,
        %get3A_332 = vector.shape_cast %get3A_331 : vector<16xf32> to vector<16xf32>
        %mul3A_333 = arith.mulf %mul3A_135, %get3A_332 : vector<16xf32>
        %add3A_334 = arith.addf %add3A_318, %mul3A_333 : vector<16xf32>
        %mul3A_335 = arith.constant 512 : i32
        %mul3A_336 = arith.muli %scan3A_51, %mul3A_335 : i32
        %add3A_337 = arith.constant 320 : i32
        %add3A_338 = arith.addi %mul3A_336, %add3A_337 : i32
        %get3A_339 = arith.index_cast %add3A_338 : i32 to index
        %get3A_340 = tpu.vector_load %arg13[%get3A_339] {strides = array<i32>} : memref<47616xf32, #tpu.memory_space<vmem>>, vector<16xf32>,
        %get3A_341 = vector.shape_cast %get3A_340 : vector<16xf32> to vector<16xf32>
        %mul3A_342 = arith.mulf %mul3A_146, %get3A_341 : vector<16xf32>
        %add3A_343 = arith.addf %add3A_327, %mul3A_342 : vector<16xf32>
        %add3A_344 = arith.constant 16 : i32
        %add3A_345 = arith.addi %add3A_338, %add3A_344 : i32
        %get3A_346 = arith.index_cast %add3A_345 : i32 to index
        %get3A_347 = tpu.vector_load %arg13[%get3A_346] {strides = array<i32>} : memref<47616xf32, #tpu.memory_space<vmem>>, vector<16xf32>,
        %get3A_348 = vector.shape_cast %get3A_347 : vector<16xf32> to vector<16xf32>
        %mul3A_349 = arith.mulf %mul3A_146, %get3A_348 : vector<16xf32>
        %add3A_350 = arith.addf %add3A_334, %mul3A_349 : vector<16xf32>
        %mul3A_351 = arith.constant 512 : i32
        %mul3A_352 = arith.muli %scan3A_51, %mul3A_351 : i32
        %add3A_353 = arith.constant 352 : i32
        %add3A_354 = arith.addi %mul3A_352, %add3A_353 : i32
        %get3A_355 = arith.index_cast %add3A_354 : i32 to index
        %get3A_356 = tpu.vector_load %arg13[%get3A_355] {strides = array<i32>} : memref<47616xf32, #tpu.memory_space<vmem>>, vector<16xf32>,
        %get3A_357 = vector.shape_cast %get3A_356 : vector<16xf32> to vector<16xf32>
        %mul3A_358 = arith.mulf %mul3A_150, %get3A_357 : vector<16xf32>
        %add3A_359 = arith.addf %add3A_343, %mul3A_358 : vector<16xf32>
        %add3A_360 = arith.constant 16 : i32
        %add3A_361 = arith.addi %add3A_354, %add3A_360 : i32
        %get3A_362 = arith.index_cast %add3A_361 : i32 to index
        %get3A_363 = tpu.vector_load %arg13[%get3A_362] {strides = array<i32>} : memref<47616xf32, #tpu.memory_space<vmem>>, vector<16xf32>,
        %get3A_364 = vector.shape_cast %get3A_363 : vector<16xf32> to vector<16xf32>
        %mul3A_365 = arith.mulf %mul3A_150, %get3A_364 : vector<16xf32>
        %add3A_366 = arith.addf %add3A_350, %mul3A_365 : vector<16xf32>
        %mul3A_367 = arith.mulf %mul3A_105, %add3A_359 : vector<16xf32>
        %add3A_368 = arith.addf %add3A_296, %mul3A_367 : vector<16xf32>
        %mul3A_369 = arith.mulf %mul3A_105, %add3A_366 : vector<16xf32>
        %add3A_370 = arith.addf %add3A_298, %mul3A_369 : vector<16xf32>
        %broadcast_in_dim3A_371 = arith.constant 0.000000e+00 : f32
        %broadcast_in_dim3A_372 = vector.broadcast %broadcast_in_dim3A_371 : f32 to vector<16xf32>
        %broadcast_in_dim3A_373 = arith.constant 0.000000e+00 : f32
        %broadcast_in_dim3A_374 = vector.broadcast %broadcast_in_dim3A_373 : f32 to vector<16xf32>
        %mul3A_375 = arith.constant 512 : i32
        %mul3A_376 = arith.muli %scan3A_51, %mul3A_375 : i32
        %add3A_377 = arith.constant 384 : i32
        %add3A_378 = arith.addi %mul3A_376, %add3A_377 : i32
        %get3A_379 = arith.index_cast %add3A_378 : i32 to index
        %get3A_380 = tpu.vector_load %arg13[%get3A_379] {strides = array<i32>} : memref<47616xf32, #tpu.memory_space<vmem>>, vector<16xf32>,
        %get3A_381 = vector.shape_cast %get3A_380 : vector<16xf32> to vector<16xf32>
        %mul3A_382 = arith.mulf %mul3A_122, %get3A_381 : vector<16xf32>
        %add3A_383 = arith.addf %broadcast_in_dim3A_372, %mul3A_382 : vector<16xf32>
        %add3A_384 = arith.constant 16 : i32
        %add3A_385 = arith.addi %add3A_378, %add3A_384 : i32
        %get3A_386 = arith.index_cast %add3A_385 : i32 to index
        %get3A_387 = tpu.vector_load %arg13[%get3A_386] {strides = array<i32>} : memref<47616xf32, #tpu.memory_space<vmem>>, vector<16xf32>,
        %get3A_388 = vector.shape_cast %get3A_387 : vector<16xf32> to vector<16xf32>
        %mul3A_389 = arith.mulf %mul3A_122, %get3A_388 : vector<16xf32>
        %add3A_390 = arith.addf %broadcast_in_dim3A_374, %mul3A_389 : vector<16xf32>
        %mul3A_391 = arith.constant 512 : i32
        %mul3A_392 = arith.muli %scan3A_51, %mul3A_391 : i32
        %add3A_393 = arith.constant 416 : i32
        %add3A_394 = arith.addi %mul3A_392, %add3A_393 : i32
        %get3A_395 = arith.index_cast %add3A_394 : i32 to index
        %get3A_396 = tpu.vector_load %arg13[%get3A_395] {strides = array<i32>} : memref<47616xf32, #tpu.memory_space<vmem>>, vector<16xf32>,
        %get3A_397 = vector.shape_cast %get3A_396 : vector<16xf32> to vector<16xf32>
        %mul3A_398 = arith.mulf %mul3A_135, %get3A_397 : vector<16xf32>
        %add3A_399 = arith.addf %add3A_383, %mul3A_398 : vector<16xf32>
        %add3A_400 = arith.constant 16 : i32
        %add3A_401 = arith.addi %add3A_394, %add3A_400 : i32
        %get3A_402 = arith.index_cast %add3A_401 : i32 to index
        %get3A_403 = tpu.vector_load %arg13[%get3A_402] {strides = array<i32>} : memref<47616xf32, #tpu.memory_space<vmem>>, vector<16xf32>,
        %get3A_404 = vector.shape_cast %get3A_403 : vector<16xf32> to vector<16xf32>
        %mul3A_405 = arith.mulf %mul3A_135, %get3A_404 : vector<16xf32>
        %add3A_406 = arith.addf %add3A_390, %mul3A_405 : vector<16xf32>
        %mul3A_407 = arith.constant 512 : i32
        %mul3A_408 = arith.muli %scan3A_51, %mul3A_407 : i32
        %add3A_409 = arith.constant 448 : i32
        %add3A_410 = arith.addi %mul3A_408, %add3A_409 : i32
        %get3A_411 = arith.index_cast %add3A_410 : i32 to index
        %get3A_412 = tpu.vector_load %arg13[%get3A_411] {strides = array<i32>} : memref<47616xf32, #tpu.memory_space<vmem>>, vector<16xf32>,
        %get3A_413 = vector.shape_cast %get3A_412 : vector<16xf32> to vector<16xf32>
        %mul3A_414 = arith.mulf %mul3A_146, %get3A_413 : vector<16xf32>
        %add3A_415 = arith.addf %add3A_399, %mul3A_414 : vector<16xf32>
        %add3A_416 = arith.constant 16 : i32
        %add3A_417 = arith.addi %add3A_410, %add3A_416 : i32
        %get3A_418 = arith.index_cast %add3A_417 : i32 to index
        %get3A_419 = tpu.vector_load %arg13[%get3A_418] {strides = array<i32>} : memref<47616xf32, #tpu.memory_space<vmem>>, vector<16xf32>,
        %get3A_420 = vector.shape_cast %get3A_419 : vector<16xf32> to vector<16xf32>
        %mul3A_421 = arith.mulf %mul3A_146, %get3A_420 : vector<16xf32>
        %add3A_422 = arith.addf %add3A_406, %mul3A_421 : vector<16xf32>
        %mul3A_423 = arith.constant 512 : i32
        %mul3A_424 = arith.muli %scan3A_51, %mul3A_423 : i32
        %add3A_425 = arith.constant 480 : i32
        %add3A_426 = arith.addi %mul3A_424, %add3A_425 : i32
        %get3A_427 = arith.index_cast %add3A_426 : i32 to index
        %get3A_428 = tpu.vector_load %arg13[%get3A_427] {strides = array<i32>} : memref<47616xf32, #tpu.memory_space<vmem>>, vector<16xf32>,
        %get3A_429 = vector.shape_cast %get3A_428 : vector<16xf32> to vector<16xf32>
        %mul3A_430 = arith.mulf %mul3A_150, %get3A_429 : vector<16xf32>
        %add3A_431 = arith.addf %add3A_415, %mul3A_430 : vector<16xf32>
        %add3A_432 = arith.constant 16 : i32
        %add3A_433 = arith.addi %add3A_426, %add3A_432 : i32
        %get3A_434 = arith.index_cast %add3A_433 : i32 to index
        %get3A_435 = tpu.vector_load %arg13[%get3A_434] {strides = array<i32>} : memref<47616xf32, #tpu.memory_space<vmem>>, vector<16xf32>,
        %get3A_436 = vector.shape_cast %get3A_435 : vector<16xf32> to vector<16xf32>
        %mul3A_437 = arith.mulf %mul3A_150, %get3A_436 : vector<16xf32>
        %add3A_438 = arith.addf %add3A_422, %mul3A_437 : vector<16xf32>
        %mul3A_439 = arith.mulf %mul3A_109, %add3A_431 : vector<16xf32>
        %add3A_440 = arith.addf %add3A_368, %mul3A_439 : vector<16xf32>
        %mul3A_441 = arith.mulf %mul3A_109, %add3A_438 : vector<16xf32>
        %add3A_442 = arith.addf %add3A_370, %mul3A_441 : vector<16xf32>
        %mul3A_443 = arith.constant 16 : i32
        %mul3A_444 = arith.muli %scan3A_51, %mul3A_443 : i32
        %get3A_445 = arith.index_cast %mul3A_444 : i32 to index
        %get3A_446 = tpu.vector_load %arg10[%get3A_445] {strides = array<i32>} : memref<5952xf32, #tpu.memory_space<vmem>>, vector<16xf32>,
        %get3A_447 = vector.shape_cast %get3A_446 : vector<16xf32> to vector<16xf32>
        %sub3A_448 = arith.subf %get3A_447, %add3A_440 : vector<16xf32>
        %mul3A_449 = arith.constant 16 : i32
        %mul3A_450 = arith.muli %scan3A_51, %mul3A_449 : i32
        %add3A_451 = arith.constant 1488 : i32
        %add3A_452 = arith.addi %add3A_451, %mul3A_450 : i32
        %get3A_453 = arith.index_cast %add3A_452 : i32 to index
        %get3A_454 = tpu.vector_load %arg10[%get3A_453] {strides = array<i32>} : memref<5952xf32, #tpu.memory_space<vmem>>, vector<16xf32>,
        %get3A_455 = vector.shape_cast %get3A_454 : vector<16xf32> to vector<16xf32>
        %sub3A_456 = arith.subf %get3A_455, %add3A_442 : vector<16xf32>
        %mul3A_457 = arith.mulf %sub3A_448, %sub3A_448 : vector<16xf32>
        %add3A_458 = arith.addf %scan3A_52, %mul3A_457 : vector<16xf32>
        %mul3A_459 = arith.mulf %sub3A_456, %sub3A_456 : vector<16xf32>
        %add3A_460 = arith.addf %add3A_458, %mul3A_459 : vector<16xf32>
        scf.yield %add3A_460 : vector<16xf32>
      }
      %scan3A_50 = arith.constant 93 : i32
      scf.yield %scan3A_49 : vector<16xf32>
    }
    %scan3A_6 = arith.constant 21 : i32
    %eq3A = arith.constant 31 : i32
    %eq3A_7 = arith.cmpi eq, %add3A, %eq3A : i32
    %jit3A = arith.constant 1 : i32
    %jit3A_8 = arith.constant 0 : i32
    %select_n3A = arith.select %eq3A_7, %jit3A, %jit3A_8 : i32
    %while3A = arith.constant 0 : i32
    %while3A_9 = arith.subi %select_n3A, %while3A : i32
    %while3A_10 = arith.addi %while3A, %while3A_9 : i32
    %while3A_11 = arith.constant 1 : i32
    %while3A_12 = arith.divsi %while3A_9, %while3A_11 : i32
    %while3A_13 = arith.muli %while3A_12, %while3A_11 : i32
    %while3A_14 = arith.addi %while3A, %while3A_13 : i32
    %while3A_15 = arith.constant 1 : i32
    %while3A_16 = scf.for %while3A_22 = %while3A to %while3A_14 step %while3A_15 iter_args(%while3A_23 = %scan3A_5) -> (vector<16xf32>)  : i32 {
      "tpu.region"() ({
        %run_scoped3A = tpu.sem_alloc : memref<!tpu.dma_semaphore, #tpu.memory_space<semaphore_mem>>
        %dma_start3A_46 = arith.constant 0 : i32
        %dma_start3A_47 = tpu.memref_slice %arg10[%dma_start3A_46] : memref<5952xf32, #tpu.memory_space<vmem>> -> memref<64xf32, #tpu.memory_space<vmem>>
        %dma_start3A_48 = arith.constant 999936 : i32
        %dma_start3A_49 = tpu.memref_slice %arg2[%dma_start3A_48] : memref<1000000xf32, #tpu.memory_space<hbm>> -> memref<64xf32, #tpu.memory_space<hbm>>
        %dma_start3A_50 = arith.constant 0 : i32
        %dma_start3A_51 = tpu.memref_slice %arg10[%dma_start3A_50] : memref<5952xf32, #tpu.memory_space<vmem>> -> memref<64xf32, #tpu.memory_space<vmem>>
        %dma_start3A_52 = arith.constant 999936 : i32
        %dma_start3A_53 = tpu.memref_slice %arg2[%dma_start3A_52] : memref<1000000xf32, #tpu.memory_space<hbm>> -> memref<64xf32, #tpu.memory_space<hbm>>
        tpu.enqueue_dma source(%dma_start3A_53 : memref<64xf32, #tpu.memory_space<hbm>>) target(%dma_start3A_51 : memref<64xf32, #tpu.memory_space<vmem>>) target_semaphore(%run_scoped3A : memref<!tpu.dma_semaphore, #tpu.memory_space<semaphore_mem>>)
        %dma_wait3A_54 = arith.constant 0 : i32
        %dma_wait3A_55 = tpu.memref_slice %arg10[%dma_wait3A_54] : memref<5952xf32, #tpu.memory_space<vmem>> -> memref<64xf32, #tpu.memory_space<vmem>>
        %dma_wait3A_56 = arith.constant 999936 : i32
        %dma_wait3A_57 = tpu.memref_slice %arg2[%dma_wait3A_56] : memref<1000000xf32, #tpu.memory_space<hbm>> -> memref<64xf32, #tpu.memory_space<hbm>>
        %dma_wait3A_58 = arith.constant 0 : i32
        %dma_wait3A_59 = tpu.memref_slice %arg10[%dma_wait3A_58] : memref<5952xf32, #tpu.memory_space<vmem>> -> memref<64xf32, #tpu.memory_space<vmem>>
        %dma_wait3A_60 = arith.constant 999936 : i32
        %dma_wait3A_61 = tpu.memref_slice %arg2[%dma_wait3A_60] : memref<1000000xf32, #tpu.memory_space<hbm>> -> memref<64xf32, #tpu.memory_space<hbm>>
        tpu.wait_dma2 semaphore(%run_scoped3A : memref<!tpu.dma_semaphore, #tpu.memory_space<semaphore_mem>>) src(%dma_wait3A_61 : memref<64xf32, #tpu.memory_space<hbm>>) dst(%dma_wait3A_59 : memref<64xf32, #tpu.memory_space<vmem>>)
        tpu.yield
      }) : () -> ()
      "tpu.region"() ({
        %run_scoped3A = tpu.sem_alloc : memref<!tpu.dma_semaphore, #tpu.memory_space<semaphore_mem>>
        %dma_start3A_46 = arith.constant 1488 : i32
        %dma_start3A_47 = tpu.memref_slice %arg10[%dma_start3A_46] : memref<5952xf32, #tpu.memory_space<vmem>> -> memref<64xf32, #tpu.memory_space<vmem>>
        %dma_start3A_48 = arith.constant 999936 : i32
        %dma_start3A_49 = tpu.memref_slice %arg3[%dma_start3A_48] : memref<1000000xf32, #tpu.memory_space<hbm>> -> memref<64xf32, #tpu.memory_space<hbm>>
        %dma_start3A_50 = arith.constant 1488 : i32
        %dma_start3A_51 = tpu.memref_slice %arg10[%dma_start3A_50] : memref<5952xf32, #tpu.memory_space<vmem>> -> memref<64xf32, #tpu.memory_space<vmem>>
        %dma_start3A_52 = arith.constant 999936 : i32
        %dma_start3A_53 = tpu.memref_slice %arg3[%dma_start3A_52] : memref<1000000xf32, #tpu.memory_space<hbm>> -> memref<64xf32, #tpu.memory_space<hbm>>
        tpu.enqueue_dma source(%dma_start3A_53 : memref<64xf32, #tpu.memory_space<hbm>>) target(%dma_start3A_51 : memref<64xf32, #tpu.memory_space<vmem>>) target_semaphore(%run_scoped3A : memref<!tpu.dma_semaphore, #tpu.memory_space<semaphore_mem>>)
        %dma_wait3A_54 = arith.constant 1488 : i32
        %dma_wait3A_55 = tpu.memref_slice %arg10[%dma_wait3A_54] : memref<5952xf32, #tpu.memory_space<vmem>> -> memref<64xf32, #tpu.memory_space<vmem>>
        %dma_wait3A_56 = arith.constant 999936 : i32
        %dma_wait3A_57 = tpu.memref_slice %arg3[%dma_wait3A_56] : memref<1000000xf32, #tpu.memory_space<hbm>> -> memref<64xf32, #tpu.memory_space<hbm>>
        %dma_wait3A_58 = arith.constant 1488 : i32
        %dma_wait3A_59 = tpu.memref_slice %arg10[%dma_wait3A_58] : memref<5952xf32, #tpu.memory_space<vmem>> -> memref<64xf32, #tpu.memory_space<vmem>>
        %dma_wait3A_60 = arith.constant 999936 : i32
        %dma_wait3A_61 = tpu.memref_slice %arg3[%dma_wait3A_60] : memref<1000000xf32, #tpu.memory_space<hbm>> -> memref<64xf32, #tpu.memory_space<hbm>>
        tpu.wait_dma2 semaphore(%run_scoped3A : memref<!tpu.dma_semaphore, #tpu.memory_space<semaphore_mem>>) src(%dma_wait3A_61 : memref<64xf32, #tpu.memory_space<hbm>>) dst(%dma_wait3A_59 : memref<64xf32, #tpu.memory_space<vmem>>)
        tpu.yield
      }) : () -> ()
      "tpu.region"() ({
        %run_scoped3A = tpu.sem_alloc : memref<!tpu.dma_semaphore, #tpu.memory_space<semaphore_mem>>
        %dma_start3A_46 = arith.constant 2976 : i32
        %dma_start3A_47 = tpu.memref_slice %arg10[%dma_start3A_46] : memref<5952xf32, #tpu.memory_space<vmem>> -> memref<64xf32, #tpu.memory_space<vmem>>
        %dma_start3A_48 = arith.constant 999936 : i32
        %dma_start3A_49 = tpu.memref_slice %arg4[%dma_start3A_48] : memref<1000000xf32, #tpu.memory_space<hbm>> -> memref<64xf32, #tpu.memory_space<hbm>>
        %dma_start3A_50 = arith.constant 2976 : i32
        %dma_start3A_51 = tpu.memref_slice %arg10[%dma_start3A_50] : memref<5952xf32, #tpu.memory_space<vmem>> -> memref<64xf32, #tpu.memory_space<vmem>>
        %dma_start3A_52 = arith.constant 999936 : i32
        %dma_start3A_53 = tpu.memref_slice %arg4[%dma_start3A_52] : memref<1000000xf32, #tpu.memory_space<hbm>> -> memref<64xf32, #tpu.memory_space<hbm>>
        tpu.enqueue_dma source(%dma_start3A_53 : memref<64xf32, #tpu.memory_space<hbm>>) target(%dma_start3A_51 : memref<64xf32, #tpu.memory_space<vmem>>) target_semaphore(%run_scoped3A : memref<!tpu.dma_semaphore, #tpu.memory_space<semaphore_mem>>)
        %dma_wait3A_54 = arith.constant 2976 : i32
        %dma_wait3A_55 = tpu.memref_slice %arg10[%dma_wait3A_54] : memref<5952xf32, #tpu.memory_space<vmem>> -> memref<64xf32, #tpu.memory_space<vmem>>
        %dma_wait3A_56 = arith.constant 999936 : i32
        %dma_wait3A_57 = tpu.memref_slice %arg4[%dma_wait3A_56] : memref<1000000xf32, #tpu.memory_space<hbm>> -> memref<64xf32, #tpu.memory_space<hbm>>
        %dma_wait3A_58 = arith.constant 2976 : i32
        %dma_wait3A_59 = tpu.memref_slice %arg10[%dma_wait3A_58] : memref<5952xf32, #tpu.memory_space<vmem>> -> memref<64xf32, #tpu.memory_space<vmem>>
        %dma_wait3A_60 = arith.constant 999936 : i32
        %dma_wait3A_61 = tpu.memref_slice %arg4[%dma_wait3A_60] : memref<1000000xf32, #tpu.memory_space<hbm>> -> memref<64xf32, #tpu.memory_space<hbm>>
        tpu.wait_dma2 semaphore(%run_scoped3A : memref<!tpu.dma_semaphore, #tpu.memory_space<semaphore_mem>>) src(%dma_wait3A_61 : memref<64xf32, #tpu.memory_space<hbm>>) dst(%dma_wait3A_59 : memref<64xf32, #tpu.memory_space<vmem>>)
        tpu.yield
      }) : () -> ()
      "tpu.region"() ({
        %run_scoped3A = tpu.sem_alloc : memref<!tpu.dma_semaphore, #tpu.memory_space<semaphore_mem>>
        %dma_start3A_46 = arith.constant 4464 : i32
        %dma_start3A_47 = tpu.memref_slice %arg10[%dma_start3A_46] : memref<5952xf32, #tpu.memory_space<vmem>> -> memref<64xf32, #tpu.memory_space<vmem>>
        %dma_start3A_48 = arith.constant 999936 : i32
        %dma_start3A_49 = tpu.memref_slice %arg5[%dma_start3A_48] : memref<1000000xf32, #tpu.memory_space<hbm>> -> memref<64xf32, #tpu.memory_space<hbm>>
        %dma_start3A_50 = arith.constant 4464 : i32
        %dma_start3A_51 = tpu.memref_slice %arg10[%dma_start3A_50] : memref<5952xf32, #tpu.memory_space<vmem>> -> memref<64xf32, #tpu.memory_space<vmem>>
        %dma_start3A_52 = arith.constant 999936 : i32
        %dma_start3A_53 = tpu.memref_slice %arg5[%dma_start3A_52] : memref<1000000xf32, #tpu.memory_space<hbm>> -> memref<64xf32, #tpu.memory_space<hbm>>
        tpu.enqueue_dma source(%dma_start3A_53 : memref<64xf32, #tpu.memory_space<hbm>>) target(%dma_start3A_51 : memref<64xf32, #tpu.memory_space<vmem>>) target_semaphore(%run_scoped3A : memref<!tpu.dma_semaphore, #tpu.memory_space<semaphore_mem>>)
        %dma_wait3A_54 = arith.constant 4464 : i32
        %dma_wait3A_55 = tpu.memref_slice %arg10[%dma_wait3A_54] : memref<5952xf32, #tpu.memory_space<vmem>> -> memref<64xf32, #tpu.memory_space<vmem>>
        %dma_wait3A_56 = arith.constant 999936 : i32
        %dma_wait3A_57 = tpu.memref_slice %arg5[%dma_wait3A_56] : memref<1000000xf32, #tpu.memory_space<hbm>> -> memref<64xf32, #tpu.memory_space<hbm>>
        %dma_wait3A_58 = arith.constant 4464 : i32
        %dma_wait3A_59 = tpu.memref_slice %arg10[%dma_wait3A_58] : memref<5952xf32, #tpu.memory_space<vmem>> -> memref<64xf32, #tpu.memory_space<vmem>>
        %dma_wait3A_60 = arith.constant 999936 : i32
        %dma_wait3A_61 = tpu.memref_slice %arg5[%dma_wait3A_60] : memref<1000000xf32, #tpu.memory_space<hbm>> -> memref<64xf32, #tpu.memory_space<hbm>>
        tpu.wait_dma2 semaphore(%run_scoped3A : memref<!tpu.dma_semaphore, #tpu.memory_space<semaphore_mem>>) src(%dma_wait3A_61 : memref<64xf32, #tpu.memory_space<hbm>>) dst(%dma_wait3A_59 : memref<64xf32, #tpu.memory_space<vmem>>)
        tpu.yield
      }) : () -> ()
      "tpu.region"() ({
        %run_scoped3A = tpu.sem_alloc : memref<!tpu.dma_semaphore, #tpu.memory_space<semaphore_mem>>
        %dma_start3A_46 = arith.constant 0 : i32
        %dma_start3A_47 = tpu.memref_slice %arg11[%dma_start3A_46] : memref<2976xi32, #tpu.memory_space<vmem>> -> memref<64xi32, #tpu.memory_space<vmem>>
        %dma_start3A_48 = arith.constant 999936 : i32
        %dma_start3A_49 = tpu.memref_slice %arg6[%dma_start3A_48] : memref<1000000xi32, #tpu.memory_space<hbm>> -> memref<64xi32, #tpu.memory_space<hbm>>
        %dma_start3A_50 = arith.constant 0 : i32
        %dma_start3A_51 = tpu.memref_slice %arg11[%dma_start3A_50] : memref<2976xi32, #tpu.memory_space<vmem>> -> memref<64xi32, #tpu.memory_space<vmem>>
        %dma_start3A_52 = arith.constant 999936 : i32
        %dma_start3A_53 = tpu.memref_slice %arg6[%dma_start3A_52] : memref<1000000xi32, #tpu.memory_space<hbm>> -> memref<64xi32, #tpu.memory_space<hbm>>
        tpu.enqueue_dma source(%dma_start3A_53 : memref<64xi32, #tpu.memory_space<hbm>>) target(%dma_start3A_51 : memref<64xi32, #tpu.memory_space<vmem>>) target_semaphore(%run_scoped3A : memref<!tpu.dma_semaphore, #tpu.memory_space<semaphore_mem>>)
        %dma_wait3A_54 = arith.constant 0 : i32
        %dma_wait3A_55 = tpu.memref_slice %arg11[%dma_wait3A_54] : memref<2976xi32, #tpu.memory_space<vmem>> -> memref<64xi32, #tpu.memory_space<vmem>>
        %dma_wait3A_56 = arith.constant 999936 : i32
        %dma_wait3A_57 = tpu.memref_slice %arg6[%dma_wait3A_56] : memref<1000000xi32, #tpu.memory_space<hbm>> -> memref<64xi32, #tpu.memory_space<hbm>>
        %dma_wait3A_58 = arith.constant 0 : i32
        %dma_wait3A_59 = tpu.memref_slice %arg11[%dma_wait3A_58] : memref<2976xi32, #tpu.memory_space<vmem>> -> memref<64xi32, #tpu.memory_space<vmem>>
        %dma_wait3A_60 = arith.constant 999936 : i32
        %dma_wait3A_61 = tpu.memref_slice %arg6[%dma_wait3A_60] : memref<1000000xi32, #tpu.memory_space<hbm>> -> memref<64xi32, #tpu.memory_space<hbm>>
        tpu.wait_dma2 semaphore(%run_scoped3A : memref<!tpu.dma_semaphore, #tpu.memory_space<semaphore_mem>>) src(%dma_wait3A_61 : memref<64xi32, #tpu.memory_space<hbm>>) dst(%dma_wait3A_59 : memref<64xi32, #tpu.memory_space<vmem>>)
        tpu.yield
      }) : () -> ()
      "tpu.region"() ({
        %run_scoped3A = tpu.sem_alloc : memref<!tpu.dma_semaphore, #tpu.memory_space<semaphore_mem>>
        %dma_start3A_46 = arith.constant 1488 : i32
        %dma_start3A_47 = tpu.memref_slice %arg11[%dma_start3A_46] : memref<2976xi32, #tpu.memory_space<vmem>> -> memref<64xi32, #tpu.memory_space<vmem>>
        %dma_start3A_48 = arith.constant 999936 : i32
        %dma_start3A_49 = tpu.memref_slice %arg7[%dma_start3A_48] : memref<1000000xi32, #tpu.memory_space<hbm>> -> memref<64xi32, #tpu.memory_space<hbm>>
        %dma_start3A_50 = arith.constant 1488 : i32
        %dma_start3A_51 = tpu.memref_slice %arg11[%dma_start3A_50] : memref<2976xi32, #tpu.memory_space<vmem>> -> memref<64xi32, #tpu.memory_space<vmem>>
        %dma_start3A_52 = arith.constant 999936 : i32
        %dma_start3A_53 = tpu.memref_slice %arg7[%dma_start3A_52] : memref<1000000xi32, #tpu.memory_space<hbm>> -> memref<64xi32, #tpu.memory_space<hbm>>
        tpu.enqueue_dma source(%dma_start3A_53 : memref<64xi32, #tpu.memory_space<hbm>>) target(%dma_start3A_51 : memref<64xi32, #tpu.memory_space<vmem>>) target_semaphore(%run_scoped3A : memref<!tpu.dma_semaphore, #tpu.memory_space<semaphore_mem>>)
        %dma_wait3A_54 = arith.constant 1488 : i32
        %dma_wait3A_55 = tpu.memref_slice %arg11[%dma_wait3A_54] : memref<2976xi32, #tpu.memory_space<vmem>> -> memref<64xi32, #tpu.memory_space<vmem>>
        %dma_wait3A_56 = arith.constant 999936 : i32
        %dma_wait3A_57 = tpu.memref_slice %arg7[%dma_wait3A_56] : memref<1000000xi32, #tpu.memory_space<hbm>> -> memref<64xi32, #tpu.memory_space<hbm>>
        %dma_wait3A_58 = arith.constant 1488 : i32
        %dma_wait3A_59 = tpu.memref_slice %arg11[%dma_wait3A_58] : memref<2976xi32, #tpu.memory_space<vmem>> -> memref<64xi32, #tpu.memory_space<vmem>>
        %dma_wait3A_60 = arith.constant 999936 : i32
        %dma_wait3A_61 = tpu.memref_slice %arg7[%dma_wait3A_60] : memref<1000000xi32, #tpu.memory_space<hbm>> -> memref<64xi32, #tpu.memory_space<hbm>>
        tpu.wait_dma2 semaphore(%run_scoped3A : memref<!tpu.dma_semaphore, #tpu.memory_space<semaphore_mem>>) src(%dma_wait3A_61 : memref<64xi32, #tpu.memory_space<hbm>>) dst(%dma_wait3A_59 : memref<64xi32, #tpu.memory_space<vmem>>)
        tpu.yield
      }) : () -> ()
      %scan3A_24 = arith.constant 0 : i32
      %scan3A_25 = arith.constant 0 : i32
      %scan3A_26 = arith.constant 4 : i32
      %scan3A_27 = arith.addi %scan3A_25, %scan3A_26 : i32
      %scan3A_28 = arith.constant 1 : i32
      scf.for %scan3A_46 = %scan3A_25 to %scan3A_27 step %scan3A_28  : i32 {
        %mul3A_47 = arith.constant 16 : i32
        %mul3A_48 = arith.muli %scan3A_46, %mul3A_47 : i32
        %get3A = arith.index_cast %mul3A_48 : i32 to index
        %get3A_49 = tpu.vector_load %arg11[%get3A] {strides = array<i32>} : memref<2976xi32, #tpu.memory_space<vmem>>, vector<16xi32>,
        %get3A_50 = vector.shape_cast %get3A_49 : vector<16xi32> to vector<16xi32>
        %mul3A_51 = arith.constant 16 : i32
        %mul3A_52 = arith.muli %scan3A_46, %mul3A_51 : i32
        %add3A_53 = arith.constant 1488 : i32
        %add3A_54 = arith.addi %add3A_53, %mul3A_52 : i32
        %get3A_55 = arith.index_cast %add3A_54 : i32 to index
        %get3A_56 = tpu.vector_load %arg11[%get3A_55] {strides = array<i32>} : memref<2976xi32, #tpu.memory_space<vmem>>, vector<16xi32>,
        %get3A_57 = vector.shape_cast %get3A_56 : vector<16xi32> to vector<16xi32>
        %mul3A_58 = arith.constant 2048 : i32
        %mul3A_59 = vector.broadcast %mul3A_58 : i32 to vector<16xi32>
        %mul3A_60 = arith.muli %get3A_50, %mul3A_59 : vector<16xi32>
        %add3A_61 = arith.addi %mul3A_60, %get3A_57 : vector<16xi32>
        %mul3A_62 = arith.constant 2 : i32
        %mul3A_63 = vector.broadcast %mul3A_62 : i32 to vector<16xi32>
        %mul3A_64 = arith.muli %mul3A_63, %add3A_61 : vector<16xi32>
        %mul3A_65 = arith.constant 512 : i32
        %mul3A_66 = arith.muli %scan3A_46, %mul3A_65 : i32
        %add3A_67 = arith.constant 0 : i32
        %add3A_68 = arith.addi %mul3A_66, %add3A_67 : i32
        %add3A_69 = arith.constant -4098 : i32
        %add3A_70 = vector.broadcast %add3A_69 : i32 to vector<16xi32>
        %add3A_71 = arith.addi %mul3A_64, %add3A_70 : vector<16xi32>
        %swap3A_72 = arith.index_cast %add3A_68 : i32 to index
        %swap3A_73 = tpu.vector_load %arg12[%swap3A_72] {strides = array<i32>} : memref<47616xi32, #tpu.memory_space<vmem>>, vector<16xi32>,
        %swap3A_74 = vector.shape_cast %swap3A_73 : vector<16xi32> to vector<16xi32>
        %swap3A_75 = vector.shape_cast %add3A_71 : vector<16xi32> to vector<16xi32>
        tpu.vector_store %arg12[%swap3A_72], %swap3A_75 {strides = array<i32>} : memref<47616xi32, #tpu.memory_space<vmem>>, vector<16xi32>,
        %add3A_76 = arith.constant -4097 : i32
        %add3A_77 = vector.broadcast %add3A_76 : i32 to vector<16xi32>
        %add3A_78 = arith.addi %mul3A_64, %add3A_77 : vector<16xi32>
        %add3A_79 = arith.constant 16 : i32
        %add3A_80 = arith.addi %add3A_68, %add3A_79 : i32
        %swap3A_81 = arith.index_cast %add3A_80 : i32 to index
        %swap3A_82 = tpu.vector_load %arg12[%swap3A_81] {strides = array<i32>} : memref<47616xi32, #tpu.memory_space<vmem>>, vector<16xi32>,
        %swap3A_83 = vector.shape_cast %swap3A_82 : vector<16xi32> to vector<16xi32>
        %swap3A_84 = vector.shape_cast %add3A_78 : vector<16xi32> to vector<16xi32>
        tpu.vector_store %arg12[%swap3A_81], %swap3A_84 {strides = array<i32>} : memref<47616xi32, #tpu.memory_space<vmem>>, vector<16xi32>,
        %mul3A_85 = arith.constant 512 : i32
        %mul3A_86 = arith.muli %scan3A_46, %mul3A_85 : i32
        %add3A_87 = arith.constant 32 : i32
        %add3A_88 = arith.addi %mul3A_86, %add3A_87 : i32
        %add3A_89 = arith.constant -4096 : i32
        %add3A_90 = vector.broadcast %add3A_89 : i32 to vector<16xi32>
        %add3A_91 = arith.addi %mul3A_64, %add3A_90 : vector<16xi32>
        %swap3A_92 = arith.index_cast %add3A_88 : i32 to index
        %swap3A_93 = tpu.vector_load %arg12[%swap3A_92] {strides = array<i32>} : memref<47616xi32, #tpu.memory_space<vmem>>, vector<16xi32>,
        %swap3A_94 = vector.shape_cast %swap3A_93 : vector<16xi32> to vector<16xi32>
        %swap3A_95 = vector.shape_cast %add3A_91 : vector<16xi32> to vector<16xi32>
        tpu.vector_store %arg12[%swap3A_92], %swap3A_95 {strides = array<i32>} : memref<47616xi32, #tpu.memory_space<vmem>>, vector<16xi32>,
        %add3A_96 = arith.constant -4095 : i32
        %add3A_97 = vector.broadcast %add3A_96 : i32 to vector<16xi32>
        %add3A_98 = arith.addi %mul3A_64, %add3A_97 : vector<16xi32>
        %add3A_99 = arith.constant 16 : i32
        %add3A_100 = arith.addi %add3A_88, %add3A_99 : i32
        %swap3A_101 = arith.index_cast %add3A_100 : i32 to index
        %swap3A_102 = tpu.vector_load %arg12[%swap3A_101] {strides = array<i32>} : memref<47616xi32, #tpu.memory_space<vmem>>, vector<16xi32>,
        %swap3A_103 = vector.shape_cast %swap3A_102 : vector<16xi32> to vector<16xi32>
        %swap3A_104 = vector.shape_cast %add3A_98 : vector<16xi32> to vector<16xi32>
        tpu.vector_store %arg12[%swap3A_101], %swap3A_104 {strides = array<i32>} : memref<47616xi32, #tpu.memory_space<vmem>>, vector<16xi32>,
        %mul3A_105 = arith.constant 512 : i32
        %mul3A_106 = arith.muli %scan3A_46, %mul3A_105 : i32
        %add3A_107 = arith.constant 64 : i32
        %add3A_108 = arith.addi %mul3A_106, %add3A_107 : i32
        %add3A_109 = arith.constant -4094 : i32
        %add3A_110 = vector.broadcast %add3A_109 : i32 to vector<16xi32>
        %add3A_111 = arith.addi %mul3A_64, %add3A_110 : vector<16xi32>
        %swap3A_112 = arith.index_cast %add3A_108 : i32 to index
        %swap3A_113 = tpu.vector_load %arg12[%swap3A_112] {strides = array<i32>} : memref<47616xi32, #tpu.memory_space<vmem>>, vector<16xi32>,
        %swap3A_114 = vector.shape_cast %swap3A_113 : vector<16xi32> to vector<16xi32>
        %swap3A_115 = vector.shape_cast %add3A_111 : vector<16xi32> to vector<16xi32>
        tpu.vector_store %arg12[%swap3A_112], %swap3A_115 {strides = array<i32>} : memref<47616xi32, #tpu.memory_space<vmem>>, vector<16xi32>,
        %add3A_116 = arith.constant -4093 : i32
        %add3A_117 = vector.broadcast %add3A_116 : i32 to vector<16xi32>
        %add3A_118 = arith.addi %mul3A_64, %add3A_117 : vector<16xi32>
        %add3A_119 = arith.constant 16 : i32
        %add3A_120 = arith.addi %add3A_108, %add3A_119 : i32
        %swap3A_121 = arith.index_cast %add3A_120 : i32 to index
        %swap3A_122 = tpu.vector_load %arg12[%swap3A_121] {strides = array<i32>} : memref<47616xi32, #tpu.memory_space<vmem>>, vector<16xi32>,
        %swap3A_123 = vector.shape_cast %swap3A_122 : vector<16xi32> to vector<16xi32>
        %swap3A_124 = vector.shape_cast %add3A_118 : vector<16xi32> to vector<16xi32>
        tpu.vector_store %arg12[%swap3A_121], %swap3A_124 {strides = array<i32>} : memref<47616xi32, #tpu.memory_space<vmem>>, vector<16xi32>,
        %mul3A_125 = arith.constant 512 : i32
        %mul3A_126 = arith.muli %scan3A_46, %mul3A_125 : i32
        %add3A_127 = arith.constant 96 : i32
        %add3A_128 = arith.addi %mul3A_126, %add3A_127 : i32
        %add3A_129 = arith.constant -4092 : i32
        %add3A_130 = vector.broadcast %add3A_129 : i32 to vector<16xi32>
        %add3A_131 = arith.addi %mul3A_64, %add3A_130 : vector<16xi32>
        %swap3A_132 = arith.index_cast %add3A_128 : i32 to index
        %swap3A_133 = tpu.vector_load %arg12[%swap3A_132] {strides = array<i32>} : memref<47616xi32, #tpu.memory_space<vmem>>, vector<16xi32>,
        %swap3A_134 = vector.shape_cast %swap3A_133 : vector<16xi32> to vector<16xi32>
        %swap3A_135 = vector.shape_cast %add3A_131 : vector<16xi32> to vector<16xi32>
        tpu.vector_store %arg12[%swap3A_132], %swap3A_135 {strides = array<i32>} : memref<47616xi32, #tpu.memory_space<vmem>>, vector<16xi32>,
        %add3A_136 = arith.constant -4091 : i32
        %add3A_137 = vector.broadcast %add3A_136 : i32 to vector<16xi32>
        %add3A_138 = arith.addi %mul3A_64, %add3A_137 : vector<16xi32>
        %add3A_139 = arith.constant 16 : i32
        %add3A_140 = arith.addi %add3A_128, %add3A_139 : i32
        %swap3A_141 = arith.index_cast %add3A_140 : i32 to index
        %swap3A_142 = tpu.vector_load %arg12[%swap3A_141] {strides = array<i32>} : memref<47616xi32, #tpu.memory_space<vmem>>, vector<16xi32>,
        %swap3A_143 = vector.shape_cast %swap3A_142 : vector<16xi32> to vector<16xi32>
        %swap3A_144 = vector.shape_cast %add3A_138 : vector<16xi32> to vector<16xi32>
        tpu.vector_store %arg12[%swap3A_141], %swap3A_144 {strides = array<i32>} : memref<47616xi32, #tpu.memory_space<vmem>>, vector<16xi32>,
        %mul3A_145 = arith.constant 512 : i32
        %mul3A_146 = arith.muli %scan3A_46, %mul3A_145 : i32
        %add3A_147 = arith.constant 128 : i32
        %add3A_148 = arith.addi %mul3A_146, %add3A_147 : i32
        %add3A_149 = arith.constant -2 : i32
        %add3A_150 = vector.broadcast %add3A_149 : i32 to vector<16xi32>
        %add3A_151 = arith.addi %mul3A_64, %add3A_150 : vector<16xi32>
        %swap3A_152 = arith.index_cast %add3A_148 : i32 to index
        %swap3A_153 = tpu.vector_load %arg12[%swap3A_152] {strides = array<i32>} : memref<47616xi32, #tpu.memory_space<vmem>>, vector<16xi32>,
        %swap3A_154 = vector.shape_cast %swap3A_153 : vector<16xi32> to vector<16xi32>
        %swap3A_155 = vector.shape_cast %add3A_151 : vector<16xi32> to vector<16xi32>
        tpu.vector_store %arg12[%swap3A_152], %swap3A_155 {strides = array<i32>} : memref<47616xi32, #tpu.memory_space<vmem>>, vector<16xi32>,
        %add3A_156 = arith.constant -1 : i32
        %add3A_157 = vector.broadcast %add3A_156 : i32 to vector<16xi32>
        %add3A_158 = arith.addi %mul3A_64, %add3A_157 : vector<16xi32>
        %add3A_159 = arith.constant 16 : i32
        %add3A_160 = arith.addi %add3A_148, %add3A_159 : i32
        %swap3A_161 = arith.index_cast %add3A_160 : i32 to index
        %swap3A_162 = tpu.vector_load %arg12[%swap3A_161] {strides = array<i32>} : memref<47616xi32, #tpu.memory_space<vmem>>, vector<16xi32>,
        %swap3A_163 = vector.shape_cast %swap3A_162 : vector<16xi32> to vector<16xi32>
        %swap3A_164 = vector.shape_cast %add3A_158 : vector<16xi32> to vector<16xi32>
        tpu.vector_store %arg12[%swap3A_161], %swap3A_164 {strides = array<i32>} : memref<47616xi32, #tpu.memory_space<vmem>>, vector<16xi32>,
        %mul3A_165 = arith.constant 512 : i32
        %mul3A_166 = arith.muli %scan3A_46, %mul3A_165 : i32
        %add3A_167 = arith.constant 160 : i32
        %add3A_168 = arith.addi %mul3A_166, %add3A_167 : i32
        %add3A_169 = arith.constant 0 : i32
        %add3A_170 = vector.broadcast %add3A_169 : i32 to vector<16xi32>
        %add3A_171 = arith.addi %mul3A_64, %add3A_170 : vector<16xi32>
        %swap3A_172 = arith.index_cast %add3A_168 : i32 to index
        %swap3A_173 = tpu.vector_load %arg12[%swap3A_172] {strides = array<i32>} : memref<47616xi32, #tpu.memory_space<vmem>>, vector<16xi32>,
        %swap3A_174 = vector.shape_cast %swap3A_173 : vector<16xi32> to vector<16xi32>
        %swap3A_175 = vector.shape_cast %add3A_171 : vector<16xi32> to vector<16xi32>
        tpu.vector_store %arg12[%swap3A_172], %swap3A_175 {strides = array<i32>} : memref<47616xi32, #tpu.memory_space<vmem>>, vector<16xi32>,
        %add3A_176 = arith.constant 1 : i32
        %add3A_177 = vector.broadcast %add3A_176 : i32 to vector<16xi32>
        %add3A_178 = arith.addi %mul3A_64, %add3A_177 : vector<16xi32>
        %add3A_179 = arith.constant 16 : i32
        %add3A_180 = arith.addi %add3A_168, %add3A_179 : i32
        %swap3A_181 = arith.index_cast %add3A_180 : i32 to index
        %swap3A_182 = tpu.vector_load %arg12[%swap3A_181] {strides = array<i32>} : memref<47616xi32, #tpu.memory_space<vmem>>, vector<16xi32>,
        %swap3A_183 = vector.shape_cast %swap3A_182 : vector<16xi32> to vector<16xi32>
        %swap3A_184 = vector.shape_cast %add3A_178 : vector<16xi32> to vector<16xi32>
        tpu.vector_store %arg12[%swap3A_181], %swap3A_184 {strides = array<i32>} : memref<47616xi32, #tpu.memory_space<vmem>>, vector<16xi32>,
        %mul3A_185 = arith.constant 512 : i32
        %mul3A_186 = arith.muli %scan3A_46, %mul3A_185 : i32
        %add3A_187 = arith.constant 192 : i32
        %add3A_188 = arith.addi %mul3A_186, %add3A_187 : i32
        %add3A_189 = arith.constant 2 : i32
        %add3A_190 = vector.broadcast %add3A_189 : i32 to vector<16xi32>
        %add3A_191 = arith.addi %mul3A_64, %add3A_190 : vector<16xi32>
        %swap3A_192 = arith.index_cast %add3A_188 : i32 to index
        %swap3A_193 = tpu.vector_load %arg12[%swap3A_192] {strides = array<i32>} : memref<47616xi32, #tpu.memory_space<vmem>>, vector<16xi32>,
        %swap3A_194 = vector.shape_cast %swap3A_193 : vector<16xi32> to vector<16xi32>
        %swap3A_195 = vector.shape_cast %add3A_191 : vector<16xi32> to vector<16xi32>
        tpu.vector_store %arg12[%swap3A_192], %swap3A_195 {strides = array<i32>} : memref<47616xi32, #tpu.memory_space<vmem>>, vector<16xi32>,
        %add3A_196 = arith.constant 3 : i32
        %add3A_197 = vector.broadcast %add3A_196 : i32 to vector<16xi32>
        %add3A_198 = arith.addi %mul3A_64, %add3A_197 : vector<16xi32>
        %add3A_199 = arith.constant 16 : i32
        %add3A_200 = arith.addi %add3A_188, %add3A_199 : i32
        %swap3A_201 = arith.index_cast %add3A_200 : i32 to index
        %swap3A_202 = tpu.vector_load %arg12[%swap3A_201] {strides = array<i32>} : memref<47616xi32, #tpu.memory_space<vmem>>, vector<16xi32>,
        %swap3A_203 = vector.shape_cast %swap3A_202 : vector<16xi32> to vector<16xi32>
        %swap3A_204 = vector.shape_cast %add3A_198 : vector<16xi32> to vector<16xi32>
        tpu.vector_store %arg12[%swap3A_201], %swap3A_204 {strides = array<i32>} : memref<47616xi32, #tpu.memory_space<vmem>>, vector<16xi32>,
        %mul3A_205 = arith.constant 512 : i32
        %mul3A_206 = arith.muli %scan3A_46, %mul3A_205 : i32
        %add3A_207 = arith.constant 224 : i32
        %add3A_208 = arith.addi %mul3A_206, %add3A_207 : i32
        %add3A_209 = arith.constant 4 : i32
        %add3A_210 = vector.broadcast %add3A_209 : i32 to vector<16xi32>
        %add3A_211 = arith.addi %mul3A_64, %add3A_210 : vector<16xi32>
        %swap3A_212 = arith.index_cast %add3A_208 : i32 to index
        %swap3A_213 = tpu.vector_load %arg12[%swap3A_212] {strides = array<i32>} : memref<47616xi32, #tpu.memory_space<vmem>>, vector<16xi32>,
        %swap3A_214 = vector.shape_cast %swap3A_213 : vector<16xi32> to vector<16xi32>
        %swap3A_215 = vector.shape_cast %add3A_211 : vector<16xi32> to vector<16xi32>
        tpu.vector_store %arg12[%swap3A_212], %swap3A_215 {strides = array<i32>} : memref<47616xi32, #tpu.memory_space<vmem>>, vector<16xi32>,
        %add3A_216 = arith.constant 5 : i32
        %add3A_217 = vector.broadcast %add3A_216 : i32 to vector<16xi32>
        %add3A_218 = arith.addi %mul3A_64, %add3A_217 : vector<16xi32>
        %add3A_219 = arith.constant 16 : i32
        %add3A_220 = arith.addi %add3A_208, %add3A_219 : i32
        %swap3A_221 = arith.index_cast %add3A_220 : i32 to index
        %swap3A_222 = tpu.vector_load %arg12[%swap3A_221] {strides = array<i32>} : memref<47616xi32, #tpu.memory_space<vmem>>, vector<16xi32>,
        %swap3A_223 = vector.shape_cast %swap3A_222 : vector<16xi32> to vector<16xi32>
        %swap3A_224 = vector.shape_cast %add3A_218 : vector<16xi32> to vector<16xi32>
        tpu.vector_store %arg12[%swap3A_221], %swap3A_224 {strides = array<i32>} : memref<47616xi32, #tpu.memory_space<vmem>>, vector<16xi32>,
        %mul3A_225 = arith.constant 512 : i32
        %mul3A_226 = arith.muli %scan3A_46, %mul3A_225 : i32
        %add3A_227 = arith.constant 256 : i32
        %add3A_228 = arith.addi %mul3A_226, %add3A_227 : i32
        %add3A_229 = arith.constant 4094 : i32
        %add3A_230 = vector.broadcast %add3A_229 : i32 to vector<16xi32>
        %add3A_231 = arith.addi %mul3A_64, %add3A_230 : vector<16xi32>
        %swap3A_232 = arith.index_cast %add3A_228 : i32 to index
        %swap3A_233 = tpu.vector_load %arg12[%swap3A_232] {strides = array<i32>} : memref<47616xi32, #tpu.memory_space<vmem>>, vector<16xi32>,
        %swap3A_234 = vector.shape_cast %swap3A_233 : vector<16xi32> to vector<16xi32>
        %swap3A_235 = vector.shape_cast %add3A_231 : vector<16xi32> to vector<16xi32>
        tpu.vector_store %arg12[%swap3A_232], %swap3A_235 {strides = array<i32>} : memref<47616xi32, #tpu.memory_space<vmem>>, vector<16xi32>,
        %add3A_236 = arith.constant 4095 : i32
        %add3A_237 = vector.broadcast %add3A_236 : i32 to vector<16xi32>
        %add3A_238 = arith.addi %mul3A_64, %add3A_237 : vector<16xi32>
        %add3A_239 = arith.constant 16 : i32
        %add3A_240 = arith.addi %add3A_228, %add3A_239 : i32
        %swap3A_241 = arith.index_cast %add3A_240 : i32 to index
        %swap3A_242 = tpu.vector_load %arg12[%swap3A_241] {strides = array<i32>} : memref<47616xi32, #tpu.memory_space<vmem>>, vector<16xi32>,
        %swap3A_243 = vector.shape_cast %swap3A_242 : vector<16xi32> to vector<16xi32>
        %swap3A_244 = vector.shape_cast %add3A_238 : vector<16xi32> to vector<16xi32>
        tpu.vector_store %arg12[%swap3A_241], %swap3A_244 {strides = array<i32>} : memref<47616xi32, #tpu.memory_space<vmem>>, vector<16xi32>,
        %mul3A_245 = arith.constant 512 : i32
        %mul3A_246 = arith.muli %scan3A_46, %mul3A_245 : i32
        %add3A_247 = arith.constant 288 : i32
        %add3A_248 = arith.addi %mul3A_246, %add3A_247 : i32
        %add3A_249 = arith.constant 4096 : i32
        %add3A_250 = vector.broadcast %add3A_249 : i32 to vector<16xi32>
        %add3A_251 = arith.addi %mul3A_64, %add3A_250 : vector<16xi32>
        %swap3A_252 = arith.index_cast %add3A_248 : i32 to index
        %swap3A_253 = tpu.vector_load %arg12[%swap3A_252] {strides = array<i32>} : memref<47616xi32, #tpu.memory_space<vmem>>, vector<16xi32>,
        %swap3A_254 = vector.shape_cast %swap3A_253 : vector<16xi32> to vector<16xi32>
        %swap3A_255 = vector.shape_cast %add3A_251 : vector<16xi32> to vector<16xi32>
        tpu.vector_store %arg12[%swap3A_252], %swap3A_255 {strides = array<i32>} : memref<47616xi32, #tpu.memory_space<vmem>>, vector<16xi32>,
        %add3A_256 = arith.constant 4097 : i32
        %add3A_257 = vector.broadcast %add3A_256 : i32 to vector<16xi32>
        %add3A_258 = arith.addi %mul3A_64, %add3A_257 : vector<16xi32>
        %add3A_259 = arith.constant 16 : i32
        %add3A_260 = arith.addi %add3A_248, %add3A_259 : i32
        %swap3A_261 = arith.index_cast %add3A_260 : i32 to index
        %swap3A_262 = tpu.vector_load %arg12[%swap3A_261] {strides = array<i32>} : memref<47616xi32, #tpu.memory_space<vmem>>, vector<16xi32>,
        %swap3A_263 = vector.shape_cast %swap3A_262 : vector<16xi32> to vector<16xi32>
        %swap3A_264 = vector.shape_cast %add3A_258 : vector<16xi32> to vector<16xi32>
        tpu.vector_store %arg12[%swap3A_261], %swap3A_264 {strides = array<i32>} : memref<47616xi32, #tpu.memory_space<vmem>>, vector<16xi32>,
        %mul3A_265 = arith.constant 512 : i32
        %mul3A_266 = arith.muli %scan3A_46, %mul3A_265 : i32
        %add3A_267 = arith.constant 320 : i32
        %add3A_268 = arith.addi %mul3A_266, %add3A_267 : i32
        %add3A_269 = arith.constant 4098 : i32
        %add3A_270 = vector.broadcast %add3A_269 : i32 to vector<16xi32>
        %add3A_271 = arith.addi %mul3A_64, %add3A_270 : vector<16xi32>
        %swap3A_272 = arith.index_cast %add3A_268 : i32 to index
        %swap3A_273 = tpu.vector_load %arg12[%swap3A_272] {strides = array<i32>} : memref<47616xi32, #tpu.memory_space<vmem>>, vector<16xi32>,
        %swap3A_274 = vector.shape_cast %swap3A_273 : vector<16xi32> to vector<16xi32>
        %swap3A_275 = vector.shape_cast %add3A_271 : vector<16xi32> to vector<16xi32>
        tpu.vector_store %arg12[%swap3A_272], %swap3A_275 {strides = array<i32>} : memref<47616xi32, #tpu.memory_space<vmem>>, vector<16xi32>,
        %add3A_276 = arith.constant 4099 : i32
        %add3A_277 = vector.broadcast %add3A_276 : i32 to vector<16xi32>
        %add3A_278 = arith.addi %mul3A_64, %add3A_277 : vector<16xi32>
        %add3A_279 = arith.constant 16 : i32
        %add3A_280 = arith.addi %add3A_268, %add3A_279 : i32
        %swap3A_281 = arith.index_cast %add3A_280 : i32 to index
        %swap3A_282 = tpu.vector_load %arg12[%swap3A_281] {strides = array<i32>} : memref<47616xi32, #tpu.memory_space<vmem>>, vector<16xi32>,
        %swap3A_283 = vector.shape_cast %swap3A_282 : vector<16xi32> to vector<16xi32>
        %swap3A_284 = vector.shape_cast %add3A_278 : vector<16xi32> to vector<16xi32>
        tpu.vector_store %arg12[%swap3A_281], %swap3A_284 {strides = array<i32>} : memref<47616xi32, #tpu.memory_space<vmem>>, vector<16xi32>,
        %mul3A_285 = arith.constant 512 : i32
        %mul3A_286 = arith.muli %scan3A_46, %mul3A_285 : i32
        %add3A_287 = arith.constant 352 : i32
        %add3A_288 = arith.addi %mul3A_286, %add3A_287 : i32
        %add3A_289 = arith.constant 4100 : i32
        %add3A_290 = vector.broadcast %add3A_289 : i32 to vector<16xi32>
        %add3A_291 = arith.addi %mul3A_64, %add3A_290 : vector<16xi32>
        %swap3A_292 = arith.index_cast %add3A_288 : i32 to index
        %swap3A_293 = tpu.vector_load %arg12[%swap3A_292] {strides = array<i32>} : memref<47616xi32, #tpu.memory_space<vmem>>, vector<16xi32>,
        %swap3A_294 = vector.shape_cast %swap3A_293 : vector<16xi32> to vector<16xi32>
        %swap3A_295 = vector.shape_cast %add3A_291 : vector<16xi32> to vector<16xi32>
        tpu.vector_store %arg12[%swap3A_292], %swap3A_295 {strides = array<i32>} : memref<47616xi32, #tpu.memory_space<vmem>>, vector<16xi32>,
        %add3A_296 = arith.constant 4101 : i32
        %add3A_297 = vector.broadcast %add3A_296 : i32 to vector<16xi32>
        %add3A_298 = arith.addi %mul3A_64, %add3A_297 : vector<16xi32>
        %add3A_299 = arith.constant 16 : i32
        %add3A_300 = arith.addi %add3A_288, %add3A_299 : i32
        %swap3A_301 = arith.index_cast %add3A_300 : i32 to index
        %swap3A_302 = tpu.vector_load %arg12[%swap3A_301] {strides = array<i32>} : memref<47616xi32, #tpu.memory_space<vmem>>, vector<16xi32>,
        %swap3A_303 = vector.shape_cast %swap3A_302 : vector<16xi32> to vector<16xi32>
        %swap3A_304 = vector.shape_cast %add3A_298 : vector<16xi32> to vector<16xi32>
        tpu.vector_store %arg12[%swap3A_301], %swap3A_304 {strides = array<i32>} : memref<47616xi32, #tpu.memory_space<vmem>>, vector<16xi32>,
        %mul3A_305 = arith.constant 512 : i32
        %mul3A_306 = arith.muli %scan3A_46, %mul3A_305 : i32
        %add3A_307 = arith.constant 384 : i32
        %add3A_308 = arith.addi %mul3A_306, %add3A_307 : i32
        %add3A_309 = arith.constant 8190 : i32
        %add3A_310 = vector.broadcast %add3A_309 : i32 to vector<16xi32>
        %add3A_311 = arith.addi %mul3A_64, %add3A_310 : vector<16xi32>
        %swap3A_312 = arith.index_cast %add3A_308 : i32 to index
        %swap3A_313 = tpu.vector_load %arg12[%swap3A_312] {strides = array<i32>} : memref<47616xi32, #tpu.memory_space<vmem>>, vector<16xi32>,
        %swap3A_314 = vector.shape_cast %swap3A_313 : vector<16xi32> to vector<16xi32>
        %swap3A_315 = vector.shape_cast %add3A_311 : vector<16xi32> to vector<16xi32>
        tpu.vector_store %arg12[%swap3A_312], %swap3A_315 {strides = array<i32>} : memref<47616xi32, #tpu.memory_space<vmem>>, vector<16xi32>,
        %add3A_316 = arith.constant 8191 : i32
        %add3A_317 = vector.broadcast %add3A_316 : i32 to vector<16xi32>
        %add3A_318 = arith.addi %mul3A_64, %add3A_317 : vector<16xi32>
        %add3A_319 = arith.constant 16 : i32
        %add3A_320 = arith.addi %add3A_308, %add3A_319 : i32
        %swap3A_321 = arith.index_cast %add3A_320 : i32 to index
        %swap3A_322 = tpu.vector_load %arg12[%swap3A_321] {strides = array<i32>} : memref<47616xi32, #tpu.memory_space<vmem>>, vector<16xi32>,
        %swap3A_323 = vector.shape_cast %swap3A_322 : vector<16xi32> to vector<16xi32>
        %swap3A_324 = vector.shape_cast %add3A_318 : vector<16xi32> to vector<16xi32>
        tpu.vector_store %arg12[%swap3A_321], %swap3A_324 {strides = array<i32>} : memref<47616xi32, #tpu.memory_space<vmem>>, vector<16xi32>,
        %mul3A_325 = arith.constant 512 : i32
        %mul3A_326 = arith.muli %scan3A_46, %mul3A_325 : i32
        %add3A_327 = arith.constant 416 : i32
        %add3A_328 = arith.addi %mul3A_326, %add3A_327 : i32
        %add3A_329 = arith.constant 8192 : i32
        %add3A_330 = vector.broadcast %add3A_329 : i32 to vector<16xi32>
        %add3A_331 = arith.addi %mul3A_64, %add3A_330 : vector<16xi32>
        %swap3A_332 = arith.index_cast %add3A_328 : i32 to index
        %swap3A_333 = tpu.vector_load %arg12[%swap3A_332] {strides = array<i32>} : memref<47616xi32, #tpu.memory_space<vmem>>, vector<16xi32>,
        %swap3A_334 = vector.shape_cast %swap3A_333 : vector<16xi32> to vector<16xi32>
        %swap3A_335 = vector.shape_cast %add3A_331 : vector<16xi32> to vector<16xi32>
        tpu.vector_store %arg12[%swap3A_332], %swap3A_335 {strides = array<i32>} : memref<47616xi32, #tpu.memory_space<vmem>>, vector<16xi32>,
        %add3A_336 = arith.constant 8193 : i32
        %add3A_337 = vector.broadcast %add3A_336 : i32 to vector<16xi32>
        %add3A_338 = arith.addi %mul3A_64, %add3A_337 : vector<16xi32>
        %add3A_339 = arith.constant 16 : i32
        %add3A_340 = arith.addi %add3A_328, %add3A_339 : i32
        %swap3A_341 = arith.index_cast %add3A_340 : i32 to index
        %swap3A_342 = tpu.vector_load %arg12[%swap3A_341] {strides = array<i32>} : memref<47616xi32, #tpu.memory_space<vmem>>, vector<16xi32>,
        %swap3A_343 = vector.shape_cast %swap3A_342 : vector<16xi32> to vector<16xi32>
        %swap3A_344 = vector.shape_cast %add3A_338 : vector<16xi32> to vector<16xi32>
        tpu.vector_store %arg12[%swap3A_341], %swap3A_344 {strides = array<i32>} : memref<47616xi32, #tpu.memory_space<vmem>>, vector<16xi32>,
        %mul3A_345 = arith.constant 512 : i32
        %mul3A_346 = arith.muli %scan3A_46, %mul3A_345 : i32
        %add3A_347 = arith.constant 448 : i32
        %add3A_348 = arith.addi %mul3A_346, %add3A_347 : i32
        %add3A_349 = arith.constant 8194 : i32
        %add3A_350 = vector.broadcast %add3A_349 : i32 to vector<16xi32>
        %add3A_351 = arith.addi %mul3A_64, %add3A_350 : vector<16xi32>
        %swap3A_352 = arith.index_cast %add3A_348 : i32 to index
        %swap3A_353 = tpu.vector_load %arg12[%swap3A_352] {strides = array<i32>} : memref<47616xi32, #tpu.memory_space<vmem>>, vector<16xi32>,
        %swap3A_354 = vector.shape_cast %swap3A_353 : vector<16xi32> to vector<16xi32>
        %swap3A_355 = vector.shape_cast %add3A_351 : vector<16xi32> to vector<16xi32>
        tpu.vector_store %arg12[%swap3A_352], %swap3A_355 {strides = array<i32>} : memref<47616xi32, #tpu.memory_space<vmem>>, vector<16xi32>,
        %add3A_356 = arith.constant 8195 : i32
        %add3A_357 = vector.broadcast %add3A_356 : i32 to vector<16xi32>
        %add3A_358 = arith.addi %mul3A_64, %add3A_357 : vector<16xi32>
        %add3A_359 = arith.constant 16 : i32
        %add3A_360 = arith.addi %add3A_348, %add3A_359 : i32
        %swap3A_361 = arith.index_cast %add3A_360 : i32 to index
        %swap3A_362 = tpu.vector_load %arg12[%swap3A_361] {strides = array<i32>} : memref<47616xi32, #tpu.memory_space<vmem>>, vector<16xi32>,
        %swap3A_363 = vector.shape_cast %swap3A_362 : vector<16xi32> to vector<16xi32>
        %swap3A_364 = vector.shape_cast %add3A_358 : vector<16xi32> to vector<16xi32>
        tpu.vector_store %arg12[%swap3A_361], %swap3A_364 {strides = array<i32>} : memref<47616xi32, #tpu.memory_space<vmem>>, vector<16xi32>,
        %mul3A_365 = arith.constant 512 : i32
        %mul3A_366 = arith.muli %scan3A_46, %mul3A_365 : i32
        %add3A_367 = arith.constant 480 : i32
        %add3A_368 = arith.addi %mul3A_366, %add3A_367 : i32
        %add3A_369 = arith.constant 8196 : i32
        %add3A_370 = vector.broadcast %add3A_369 : i32 to vector<16xi32>
        %add3A_371 = arith.addi %mul3A_64, %add3A_370 : vector<16xi32>
        %swap3A_372 = arith.index_cast %add3A_368 : i32 to index
        %swap3A_373 = tpu.vector_load %arg12[%swap3A_372] {strides = array<i32>} : memref<47616xi32, #tpu.memory_space<vmem>>, vector<16xi32>,
        %swap3A_374 = vector.shape_cast %swap3A_373 : vector<16xi32> to vector<16xi32>
        %swap3A_375 = vector.shape_cast %add3A_371 : vector<16xi32> to vector<16xi32>
        tpu.vector_store %arg12[%swap3A_372], %swap3A_375 {strides = array<i32>} : memref<47616xi32, #tpu.memory_space<vmem>>, vector<16xi32>,
        %add3A_376 = arith.constant 8197 : i32
        %add3A_377 = vector.broadcast %add3A_376 : i32 to vector<16xi32>
        %add3A_378 = arith.addi %mul3A_64, %add3A_377 : vector<16xi32>
        %add3A_379 = arith.constant 16 : i32
        %add3A_380 = arith.addi %add3A_368, %add3A_379 : i32
        %swap3A_381 = arith.index_cast %add3A_380 : i32 to index
        %swap3A_382 = tpu.vector_load %arg12[%swap3A_381] {strides = array<i32>} : memref<47616xi32, #tpu.memory_space<vmem>>, vector<16xi32>,
        %swap3A_383 = vector.shape_cast %swap3A_382 : vector<16xi32> to vector<16xi32>
        %swap3A_384 = vector.shape_cast %add3A_378 : vector<16xi32> to vector<16xi32>
        tpu.vector_store %arg12[%swap3A_381], %swap3A_384 {strides = array<i32>} : memref<47616xi32, #tpu.memory_space<vmem>>, vector<16xi32>,
      }
      %scan3A_29 = arith.constant 4 : i32
      %dma_start3A = arith.constant 0 : i32
      %dma_start3A_30 = tpu.memref_slice %arg13[%dma_start3A] : memref<47616xf32, #tpu.memory_space<vmem>> -> memref<2048xf32, #tpu.memory_space<vmem>>
      %dma_start3A_31 = arith.constant 0 : i32
      %dma_start3A_32 = tpu.memref_slice %arg12[%dma_start3A_31] : memref<47616xi32, #tpu.memory_space<vmem>> -> memref<2048xi32, #tpu.memory_space<vmem>>
      %dma_start3A_33 = arith.constant 0 : i32
      %dma_start3A_34 = tpu.memref_slice %arg8[%dma_start3A_33] : memref<8388608xf32, #tpu.memory_space<hbm>> -> memref<8388608xf32, #tpu.memory_space<hbm>>
      tpu.enqueue_indirect_dma source(%dma_start3A_34 : memref<8388608xf32, #tpu.memory_space<hbm>>) target(%dma_start3A_30 : memref<2048xf32, #tpu.memory_space<vmem>>) offsets(%dma_start3A_32 : memref<2048xi32, #tpu.memory_space<vmem>>) semaphore(%arg15 : memref<!tpu.dma_semaphore, #tpu.memory_space<semaphore_mem>>)
      %dma_wait3A = arith.constant 0 : i32
      %dma_wait3A_35 = tpu.memref_slice %arg13[%dma_wait3A] : memref<47616xf32, #tpu.memory_space<vmem>> -> memref<2048xf32, #tpu.memory_space<vmem>>
      %dma_wait3A_36 = arith.constant 0 : i32
      %dma_wait3A_37 = tpu.memref_slice %arg12[%dma_wait3A_36] : memref<47616xi32, #tpu.memory_space<vmem>> -> memref<2048xi32, #tpu.memory_space<vmem>>
      %dma_wait3A_38 = arith.constant 0 : i32
      %dma_wait3A_39 = tpu.memref_slice %arg8[%dma_wait3A_38] : memref<8388608xf32, #tpu.memory_space<hbm>> -> memref<8388608xf32, #tpu.memory_space<hbm>>
      tpu.wait_indirect_dma semaphore(%arg15 : memref<!tpu.dma_semaphore, #tpu.memory_space<semaphore_mem>>) src(%dma_wait3A_39 : memref<8388608xf32, #tpu.memory_space<hbm>>) dst(%dma_wait3A_35 : memref<2048xf32, #tpu.memory_space<vmem>>)
      %scan3A_40 = arith.constant 0 : i32
      %scan3A_41 = arith.constant 4 : i32
      %scan3A_42 = arith.addi %scan3A_40, %scan3A_41 : i32
      %scan3A_43 = arith.constant 1 : i32
      %scan3A_44 = scf.for %scan3A_46 = %scan3A_40 to %scan3A_42 step %scan3A_43 iter_args(%scan3A_47 = %while3A_23) -> (vector<16xf32>)  : i32 {
        %mul3A_48 = arith.constant 16 : i32
        %mul3A_49 = arith.muli %scan3A_46, %mul3A_48 : i32
        %add3A_50 = arith.constant 2976 : i32
        %add3A_51 = arith.addi %add3A_50, %mul3A_49 : i32
        %get3A = arith.index_cast %add3A_51 : i32 to index
        %get3A_52 = tpu.vector_load %arg10[%get3A] {strides = array<i32>} : memref<5952xf32, #tpu.memory_space<vmem>>, vector<16xf32>,
        %get3A_53 = vector.shape_cast %get3A_52 : vector<16xf32> to vector<16xf32>
        %rem3A = arith.constant 1.000000e+00 : f32
        %rem3A_54 = vector.broadcast %rem3A : f32 to vector<16xf32>
        %rem3A_55 = arith.remf %get3A_53, %rem3A_54 : vector<16xf32>
        %mul3A_56 = arith.constant 16 : i32
        %mul3A_57 = arith.muli %scan3A_46, %mul3A_56 : i32
        %add3A_58 = arith.constant 4464 : i32
        %add3A_59 = arith.addi %add3A_58, %mul3A_57 : i32
        %get3A_60 = arith.index_cast %add3A_59 : i32 to index
        %get3A_61 = tpu.vector_load %arg10[%get3A_60] {strides = array<i32>} : memref<5952xf32, #tpu.memory_space<vmem>>, vector<16xf32>,
        %get3A_62 = vector.shape_cast %get3A_61 : vector<16xf32> to vector<16xf32>
        %rem3A_63 = arith.constant 1.000000e+00 : f32
        %rem3A_64 = vector.broadcast %rem3A_63 : f32 to vector<16xf32>
        %rem3A_65 = arith.remf %get3A_62, %rem3A_64 : vector<16xf32>
        %mul3A_66 = arith.mulf %rem3A_55, %rem3A_55 : vector<16xf32>
        %mul3A_67 = arith.mulf %mul3A_66, %rem3A_55 : vector<16xf32>
        %neg3A = arith.constant 0.000000e+00 : f32
        %neg3A_68 = vector.broadcast %neg3A : f32 to vector<16xf32>
        %neg3A_69 = arith.subf %neg3A_68, %mul3A_67 : vector<16xf32>
        %mul3A_70 = arith.constant 2.000000e+00 : f32
        %mul3A_71 = vector.broadcast %mul3A_70 : f32 to vector<16xf32>
        %mul3A_72 = arith.mulf %mul3A_71, %mul3A_66 : vector<16xf32>
        %add3A_73 = arith.addf %neg3A_69, %mul3A_72 : vector<16xf32>
        %sub3A = arith.subf %add3A_73, %rem3A_55 : vector<16xf32>
        %mul3A_74 = arith.constant 5.000000e-01 : f32
        %mul3A_75 = vector.broadcast %mul3A_74 : f32 to vector<16xf32>
        %mul3A_76 = arith.mulf %mul3A_75, %sub3A : vector<16xf32>
        %mul3A_77 = arith.constant 3.000000e+00 : f32
        %mul3A_78 = vector.broadcast %mul3A_77 : f32 to vector<16xf32>
        %mul3A_79 = arith.mulf %mul3A_78, %mul3A_67 : vector<16xf32>
        %mul3A_80 = arith.constant 5.000000e+00 : f32
        %mul3A_81 = vector.broadcast %mul3A_80 : f32 to vector<16xf32>
        %mul3A_82 = arith.mulf %mul3A_81, %mul3A_66 : vector<16xf32>
        %sub3A_83 = arith.subf %mul3A_79, %mul3A_82 : vector<16xf32>
        %add3A_84 = arith.constant 2.000000e+00 : f32
        %add3A_85 = vector.broadcast %add3A_84 : f32 to vector<16xf32>
        %add3A_86 = arith.addf %sub3A_83, %add3A_85 : vector<16xf32>
        %mul3A_87 = arith.constant 5.000000e-01 : f32
        %mul3A_88 = vector.broadcast %mul3A_87 : f32 to vector<16xf32>
        %mul3A_89 = arith.mulf %mul3A_88, %add3A_86 : vector<16xf32>
        %mul3A_90 = arith.constant -3.000000e+00 : f32
        %mul3A_91 = vector.broadcast %mul3A_90 : f32 to vector<16xf32>
        %mul3A_92 = arith.mulf %mul3A_91, %mul3A_67 : vector<16xf32>
        %mul3A_93 = arith.constant 4.000000e+00 : f32
        %mul3A_94 = vector.broadcast %mul3A_93 : f32 to vector<16xf32>
        %mul3A_95 = arith.mulf %mul3A_94, %mul3A_66 : vector<16xf32>
        %add3A_96 = arith.addf %mul3A_92, %mul3A_95 : vector<16xf32>
        %add3A_97 = arith.addf %add3A_96, %rem3A_55 : vector<16xf32>
        %mul3A_98 = arith.constant 5.000000e-01 : f32
        %mul3A_99 = vector.broadcast %mul3A_98 : f32 to vector<16xf32>
        %mul3A_100 = arith.mulf %mul3A_99, %add3A_97 : vector<16xf32>
        %sub3A_101 = arith.subf %mul3A_67, %mul3A_66 : vector<16xf32>
        %mul3A_102 = arith.constant 5.000000e-01 : f32
        %mul3A_103 = vector.broadcast %mul3A_102 : f32 to vector<16xf32>
        %mul3A_104 = arith.mulf %mul3A_103, %sub3A_101 : vector<16xf32>
        %mul3A_105 = arith.mulf %rem3A_65, %rem3A_65 : vector<16xf32>
        %mul3A_106 = arith.mulf %mul3A_105, %rem3A_65 : vector<16xf32>
        %neg3A_107 = arith.constant 0.000000e+00 : f32
        %neg3A_108 = vector.broadcast %neg3A_107 : f32 to vector<16xf32>
        %neg3A_109 = arith.subf %neg3A_108, %mul3A_106 : vector<16xf32>
        %mul3A_110 = arith.constant 2.000000e+00 : f32
        %mul3A_111 = vector.broadcast %mul3A_110 : f32 to vector<16xf32>
        %mul3A_112 = arith.mulf %mul3A_111, %mul3A_105 : vector<16xf32>
        %add3A_113 = arith.addf %neg3A_109, %mul3A_112 : vector<16xf32>
        %sub3A_114 = arith.subf %add3A_113, %rem3A_65 : vector<16xf32>
        %mul3A_115 = arith.constant 5.000000e-01 : f32
        %mul3A_116 = vector.broadcast %mul3A_115 : f32 to vector<16xf32>
        %mul3A_117 = arith.mulf %mul3A_116, %sub3A_114 : vector<16xf32>
        %mul3A_118 = arith.constant 3.000000e+00 : f32
        %mul3A_119 = vector.broadcast %mul3A_118 : f32 to vector<16xf32>
        %mul3A_120 = arith.mulf %mul3A_119, %mul3A_106 : vector<16xf32>
        %mul3A_121 = arith.constant 5.000000e+00 : f32
        %mul3A_122 = vector.broadcast %mul3A_121 : f32 to vector<16xf32>
        %mul3A_123 = arith.mulf %mul3A_122, %mul3A_105 : vector<16xf32>
        %sub3A_124 = arith.subf %mul3A_120, %mul3A_123 : vector<16xf32>
        %add3A_125 = arith.constant 2.000000e+00 : f32
        %add3A_126 = vector.broadcast %add3A_125 : f32 to vector<16xf32>
        %add3A_127 = arith.addf %sub3A_124, %add3A_126 : vector<16xf32>
        %mul3A_128 = arith.constant 5.000000e-01 : f32
        %mul3A_129 = vector.broadcast %mul3A_128 : f32 to vector<16xf32>
        %mul3A_130 = arith.mulf %mul3A_129, %add3A_127 : vector<16xf32>
        %mul3A_131 = arith.constant -3.000000e+00 : f32
        %mul3A_132 = vector.broadcast %mul3A_131 : f32 to vector<16xf32>
        %mul3A_133 = arith.mulf %mul3A_132, %mul3A_106 : vector<16xf32>
        %mul3A_134 = arith.constant 4.000000e+00 : f32
        %mul3A_135 = vector.broadcast %mul3A_134 : f32 to vector<16xf32>
        %mul3A_136 = arith.mulf %mul3A_135, %mul3A_105 : vector<16xf32>
        %add3A_137 = arith.addf %mul3A_133, %mul3A_136 : vector<16xf32>
        %add3A_138 = arith.addf %add3A_137, %rem3A_65 : vector<16xf32>
        %mul3A_139 = arith.constant 5.000000e-01 : f32
        %mul3A_140 = vector.broadcast %mul3A_139 : f32 to vector<16xf32>
        %mul3A_141 = arith.mulf %mul3A_140, %add3A_138 : vector<16xf32>
        %sub3A_142 = arith.subf %mul3A_106, %mul3A_105 : vector<16xf32>
        %mul3A_143 = arith.constant 5.000000e-01 : f32
        %mul3A_144 = vector.broadcast %mul3A_143 : f32 to vector<16xf32>
        %mul3A_145 = arith.mulf %mul3A_144, %sub3A_142 : vector<16xf32>
        %broadcast_in_dim3A_146 = arith.constant 0.000000e+00 : f32
        %broadcast_in_dim3A_147 = vector.broadcast %broadcast_in_dim3A_146 : f32 to vector<16xf32>
        %broadcast_in_dim3A_148 = arith.constant 0.000000e+00 : f32
        %broadcast_in_dim3A_149 = vector.broadcast %broadcast_in_dim3A_148 : f32 to vector<16xf32>
        %broadcast_in_dim3A_150 = arith.constant 0.000000e+00 : f32
        %broadcast_in_dim3A_151 = vector.broadcast %broadcast_in_dim3A_150 : f32 to vector<16xf32>
        %broadcast_in_dim3A_152 = arith.constant 0.000000e+00 : f32
        %broadcast_in_dim3A_153 = vector.broadcast %broadcast_in_dim3A_152 : f32 to vector<16xf32>
        %mul3A_154 = arith.constant 512 : i32
        %mul3A_155 = arith.muli %scan3A_46, %mul3A_154 : i32
        %add3A_156 = arith.constant 0 : i32
        %add3A_157 = arith.addi %mul3A_155, %add3A_156 : i32
        %get3A_158 = arith.index_cast %add3A_157 : i32 to index
        %get3A_159 = tpu.vector_load %arg13[%get3A_158] {strides = array<i32>} : memref<47616xf32, #tpu.memory_space<vmem>>, vector<16xf32>,
        %get3A_160 = vector.shape_cast %get3A_159 : vector<16xf32> to vector<16xf32>
        %mul3A_161 = arith.mulf %mul3A_117, %get3A_160 : vector<16xf32>
        %add3A_162 = arith.addf %broadcast_in_dim3A_151, %mul3A_161 : vector<16xf32>
        %add3A_163 = arith.constant 16 : i32
        %add3A_164 = arith.addi %add3A_157, %add3A_163 : i32
        %get3A_165 = arith.index_cast %add3A_164 : i32 to index
        %get3A_166 = tpu.vector_load %arg13[%get3A_165] {strides = array<i32>} : memref<47616xf32, #tpu.memory_space<vmem>>, vector<16xf32>,
        %get3A_167 = vector.shape_cast %get3A_166 : vector<16xf32> to vector<16xf32>
        %mul3A_168 = arith.mulf %mul3A_117, %get3A_167 : vector<16xf32>
        %add3A_169 = arith.addf %broadcast_in_dim3A_153, %mul3A_168 : vector<16xf32>
        %mul3A_170 = arith.constant 512 : i32
        %mul3A_171 = arith.muli %scan3A_46, %mul3A_170 : i32
        %add3A_172 = arith.constant 32 : i32
        %add3A_173 = arith.addi %mul3A_171, %add3A_172 : i32
        %get3A_174 = arith.index_cast %add3A_173 : i32 to index
        %get3A_175 = tpu.vector_load %arg13[%get3A_174] {strides = array<i32>} : memref<47616xf32, #tpu.memory_space<vmem>>, vector<16xf32>,
        %get3A_176 = vector.shape_cast %get3A_175 : vector<16xf32> to vector<16xf32>
        %mul3A_177 = arith.mulf %mul3A_130, %get3A_176 : vector<16xf32>
        %add3A_178 = arith.addf %add3A_162, %mul3A_177 : vector<16xf32>
        %add3A_179 = arith.constant 16 : i32
        %add3A_180 = arith.addi %add3A_173, %add3A_179 : i32
        %get3A_181 = arith.index_cast %add3A_180 : i32 to index
        %get3A_182 = tpu.vector_load %arg13[%get3A_181] {strides = array<i32>} : memref<47616xf32, #tpu.memory_space<vmem>>, vector<16xf32>,
        %get3A_183 = vector.shape_cast %get3A_182 : vector<16xf32> to vector<16xf32>
        %mul3A_184 = arith.mulf %mul3A_130, %get3A_183 : vector<16xf32>
        %add3A_185 = arith.addf %add3A_169, %mul3A_184 : vector<16xf32>
        %mul3A_186 = arith.constant 512 : i32
        %mul3A_187 = arith.muli %scan3A_46, %mul3A_186 : i32
        %add3A_188 = arith.constant 64 : i32
        %add3A_189 = arith.addi %mul3A_187, %add3A_188 : i32
        %get3A_190 = arith.index_cast %add3A_189 : i32 to index
        %get3A_191 = tpu.vector_load %arg13[%get3A_190] {strides = array<i32>} : memref<47616xf32, #tpu.memory_space<vmem>>, vector<16xf32>,
        %get3A_192 = vector.shape_cast %get3A_191 : vector<16xf32> to vector<16xf32>
        %mul3A_193 = arith.mulf %mul3A_141, %get3A_192 : vector<16xf32>
        %add3A_194 = arith.addf %add3A_178, %mul3A_193 : vector<16xf32>
        %add3A_195 = arith.constant 16 : i32
        %add3A_196 = arith.addi %add3A_189, %add3A_195 : i32
        %get3A_197 = arith.index_cast %add3A_196 : i32 to index
        %get3A_198 = tpu.vector_load %arg13[%get3A_197] {strides = array<i32>} : memref<47616xf32, #tpu.memory_space<vmem>>, vector<16xf32>,
        %get3A_199 = vector.shape_cast %get3A_198 : vector<16xf32> to vector<16xf32>
        %mul3A_200 = arith.mulf %mul3A_141, %get3A_199 : vector<16xf32>
        %add3A_201 = arith.addf %add3A_185, %mul3A_200 : vector<16xf32>
        %mul3A_202 = arith.constant 512 : i32
        %mul3A_203 = arith.muli %scan3A_46, %mul3A_202 : i32
        %add3A_204 = arith.constant 96 : i32
        %add3A_205 = arith.addi %mul3A_203, %add3A_204 : i32
        %get3A_206 = arith.index_cast %add3A_205 : i32 to index
        %get3A_207 = tpu.vector_load %arg13[%get3A_206] {strides = array<i32>} : memref<47616xf32, #tpu.memory_space<vmem>>, vector<16xf32>,
        %get3A_208 = vector.shape_cast %get3A_207 : vector<16xf32> to vector<16xf32>
        %mul3A_209 = arith.mulf %mul3A_145, %get3A_208 : vector<16xf32>
        %add3A_210 = arith.addf %add3A_194, %mul3A_209 : vector<16xf32>
        %add3A_211 = arith.constant 16 : i32
        %add3A_212 = arith.addi %add3A_205, %add3A_211 : i32
        %get3A_213 = arith.index_cast %add3A_212 : i32 to index
        %get3A_214 = tpu.vector_load %arg13[%get3A_213] {strides = array<i32>} : memref<47616xf32, #tpu.memory_space<vmem>>, vector<16xf32>,
        %get3A_215 = vector.shape_cast %get3A_214 : vector<16xf32> to vector<16xf32>
        %mul3A_216 = arith.mulf %mul3A_145, %get3A_215 : vector<16xf32>
        %add3A_217 = arith.addf %add3A_201, %mul3A_216 : vector<16xf32>
        %mul3A_218 = arith.mulf %mul3A_76, %add3A_210 : vector<16xf32>
        %add3A_219 = arith.addf %broadcast_in_dim3A_147, %mul3A_218 : vector<16xf32>
        %mul3A_220 = arith.mulf %mul3A_76, %add3A_217 : vector<16xf32>
        %add3A_221 = arith.addf %broadcast_in_dim3A_149, %mul3A_220 : vector<16xf32>
        %broadcast_in_dim3A_222 = arith.constant 0.000000e+00 : f32
        %broadcast_in_dim3A_223 = vector.broadcast %broadcast_in_dim3A_222 : f32 to vector<16xf32>
        %broadcast_in_dim3A_224 = arith.constant 0.000000e+00 : f32
        %broadcast_in_dim3A_225 = vector.broadcast %broadcast_in_dim3A_224 : f32 to vector<16xf32>
        %mul3A_226 = arith.constant 512 : i32
        %mul3A_227 = arith.muli %scan3A_46, %mul3A_226 : i32
        %add3A_228 = arith.constant 128 : i32
        %add3A_229 = arith.addi %mul3A_227, %add3A_228 : i32
        %get3A_230 = arith.index_cast %add3A_229 : i32 to index
        %get3A_231 = tpu.vector_load %arg13[%get3A_230] {strides = array<i32>} : memref<47616xf32, #tpu.memory_space<vmem>>, vector<16xf32>,
        %get3A_232 = vector.shape_cast %get3A_231 : vector<16xf32> to vector<16xf32>
        %mul3A_233 = arith.mulf %mul3A_117, %get3A_232 : vector<16xf32>
        %add3A_234 = arith.addf %broadcast_in_dim3A_223, %mul3A_233 : vector<16xf32>
        %add3A_235 = arith.constant 16 : i32
        %add3A_236 = arith.addi %add3A_229, %add3A_235 : i32
        %get3A_237 = arith.index_cast %add3A_236 : i32 to index
        %get3A_238 = tpu.vector_load %arg13[%get3A_237] {strides = array<i32>} : memref<47616xf32, #tpu.memory_space<vmem>>, vector<16xf32>,
        %get3A_239 = vector.shape_cast %get3A_238 : vector<16xf32> to vector<16xf32>
        %mul3A_240 = arith.mulf %mul3A_117, %get3A_239 : vector<16xf32>
        %add3A_241 = arith.addf %broadcast_in_dim3A_225, %mul3A_240 : vector<16xf32>
        %mul3A_242 = arith.constant 512 : i32
        %mul3A_243 = arith.muli %scan3A_46, %mul3A_242 : i32
        %add3A_244 = arith.constant 160 : i32
        %add3A_245 = arith.addi %mul3A_243, %add3A_244 : i32
        %get3A_246 = arith.index_cast %add3A_245 : i32 to index
        %get3A_247 = tpu.vector_load %arg13[%get3A_246] {strides = array<i32>} : memref<47616xf32, #tpu.memory_space<vmem>>, vector<16xf32>,
        %get3A_248 = vector.shape_cast %get3A_247 : vector<16xf32> to vector<16xf32>
        %mul3A_249 = arith.mulf %mul3A_130, %get3A_248 : vector<16xf32>
        %add3A_250 = arith.addf %add3A_234, %mul3A_249 : vector<16xf32>
        %add3A_251 = arith.constant 16 : i32
        %add3A_252 = arith.addi %add3A_245, %add3A_251 : i32
        %get3A_253 = arith.index_cast %add3A_252 : i32 to index
        %get3A_254 = tpu.vector_load %arg13[%get3A_253] {strides = array<i32>} : memref<47616xf32, #tpu.memory_space<vmem>>, vector<16xf32>,
        %get3A_255 = vector.shape_cast %get3A_254 : vector<16xf32> to vector<16xf32>
        %mul3A_256 = arith.mulf %mul3A_130, %get3A_255 : vector<16xf32>
        %add3A_257 = arith.addf %add3A_241, %mul3A_256 : vector<16xf32>
        %mul3A_258 = arith.constant 512 : i32
        %mul3A_259 = arith.muli %scan3A_46, %mul3A_258 : i32
        %add3A_260 = arith.constant 192 : i32
        %add3A_261 = arith.addi %mul3A_259, %add3A_260 : i32
        %get3A_262 = arith.index_cast %add3A_261 : i32 to index
        %get3A_263 = tpu.vector_load %arg13[%get3A_262] {strides = array<i32>} : memref<47616xf32, #tpu.memory_space<vmem>>, vector<16xf32>,
        %get3A_264 = vector.shape_cast %get3A_263 : vector<16xf32> to vector<16xf32>
        %mul3A_265 = arith.mulf %mul3A_141, %get3A_264 : vector<16xf32>
        %add3A_266 = arith.addf %add3A_250, %mul3A_265 : vector<16xf32>
        %add3A_267 = arith.constant 16 : i32
        %add3A_268 = arith.addi %add3A_261, %add3A_267 : i32
        %get3A_269 = arith.index_cast %add3A_268 : i32 to index
        %get3A_270 = tpu.vector_load %arg13[%get3A_269] {strides = array<i32>} : memref<47616xf32, #tpu.memory_space<vmem>>, vector<16xf32>,
        %get3A_271 = vector.shape_cast %get3A_270 : vector<16xf32> to vector<16xf32>
        %mul3A_272 = arith.mulf %mul3A_141, %get3A_271 : vector<16xf32>
        %add3A_273 = arith.addf %add3A_257, %mul3A_272 : vector<16xf32>
        %mul3A_274 = arith.constant 512 : i32
        %mul3A_275 = arith.muli %scan3A_46, %mul3A_274 : i32
        %add3A_276 = arith.constant 224 : i32
        %add3A_277 = arith.addi %mul3A_275, %add3A_276 : i32
        %get3A_278 = arith.index_cast %add3A_277 : i32 to index
        %get3A_279 = tpu.vector_load %arg13[%get3A_278] {strides = array<i32>} : memref<47616xf32, #tpu.memory_space<vmem>>, vector<16xf32>,
        %get3A_280 = vector.shape_cast %get3A_279 : vector<16xf32> to vector<16xf32>
        %mul3A_281 = arith.mulf %mul3A_145, %get3A_280 : vector<16xf32>
        %add3A_282 = arith.addf %add3A_266, %mul3A_281 : vector<16xf32>
        %add3A_283 = arith.constant 16 : i32
        %add3A_284 = arith.addi %add3A_277, %add3A_283 : i32
        %get3A_285 = arith.index_cast %add3A_284 : i32 to index
        %get3A_286 = tpu.vector_load %arg13[%get3A_285] {strides = array<i32>} : memref<47616xf32, #tpu.memory_space<vmem>>, vector<16xf32>,
        %get3A_287 = vector.shape_cast %get3A_286 : vector<16xf32> to vector<16xf32>
        %mul3A_288 = arith.mulf %mul3A_145, %get3A_287 : vector<16xf32>
        %add3A_289 = arith.addf %add3A_273, %mul3A_288 : vector<16xf32>
        %mul3A_290 = arith.mulf %mul3A_89, %add3A_282 : vector<16xf32>
        %add3A_291 = arith.addf %add3A_219, %mul3A_290 : vector<16xf32>
        %mul3A_292 = arith.mulf %mul3A_89, %add3A_289 : vector<16xf32>
        %add3A_293 = arith.addf %add3A_221, %mul3A_292 : vector<16xf32>
        %broadcast_in_dim3A_294 = arith.constant 0.000000e+00 : f32
        %broadcast_in_dim3A_295 = vector.broadcast %broadcast_in_dim3A_294 : f32 to vector<16xf32>
        %broadcast_in_dim3A_296 = arith.constant 0.000000e+00 : f32
        %broadcast_in_dim3A_297 = vector.broadcast %broadcast_in_dim3A_296 : f32 to vector<16xf32>
        %mul3A_298 = arith.constant 512 : i32
        %mul3A_299 = arith.muli %scan3A_46, %mul3A_298 : i32
        %add3A_300 = arith.constant 256 : i32
        %add3A_301 = arith.addi %mul3A_299, %add3A_300 : i32
        %get3A_302 = arith.index_cast %add3A_301 : i32 to index
        %get3A_303 = tpu.vector_load %arg13[%get3A_302] {strides = array<i32>} : memref<47616xf32, #tpu.memory_space<vmem>>, vector<16xf32>,
        %get3A_304 = vector.shape_cast %get3A_303 : vector<16xf32> to vector<16xf32>
        %mul3A_305 = arith.mulf %mul3A_117, %get3A_304 : vector<16xf32>
        %add3A_306 = arith.addf %broadcast_in_dim3A_295, %mul3A_305 : vector<16xf32>
        %add3A_307 = arith.constant 16 : i32
        %add3A_308 = arith.addi %add3A_301, %add3A_307 : i32
        %get3A_309 = arith.index_cast %add3A_308 : i32 to index
        %get3A_310 = tpu.vector_load %arg13[%get3A_309] {strides = array<i32>} : memref<47616xf32, #tpu.memory_space<vmem>>, vector<16xf32>,
        %get3A_311 = vector.shape_cast %get3A_310 : vector<16xf32> to vector<16xf32>
        %mul3A_312 = arith.mulf %mul3A_117, %get3A_311 : vector<16xf32>
        %add3A_313 = arith.addf %broadcast_in_dim3A_297, %mul3A_312 : vector<16xf32>
        %mul3A_314 = arith.constant 512 : i32
        %mul3A_315 = arith.muli %scan3A_46, %mul3A_314 : i32
        %add3A_316 = arith.constant 288 : i32
        %add3A_317 = arith.addi %mul3A_315, %add3A_316 : i32
        %get3A_318 = arith.index_cast %add3A_317 : i32 to index
        %get3A_319 = tpu.vector_load %arg13[%get3A_318] {strides = array<i32>} : memref<47616xf32, #tpu.memory_space<vmem>>, vector<16xf32>,
        %get3A_320 = vector.shape_cast %get3A_319 : vector<16xf32> to vector<16xf32>
        %mul3A_321 = arith.mulf %mul3A_130, %get3A_320 : vector<16xf32>
        %add3A_322 = arith.addf %add3A_306, %mul3A_321 : vector<16xf32>
        %add3A_323 = arith.constant 16 : i32
        %add3A_324 = arith.addi %add3A_317, %add3A_323 : i32
        %get3A_325 = arith.index_cast %add3A_324 : i32 to index
        %get3A_326 = tpu.vector_load %arg13[%get3A_325] {strides = array<i32>} : memref<47616xf32, #tpu.memory_space<vmem>>, vector<16xf32>,
        %get3A_327 = vector.shape_cast %get3A_326 : vector<16xf32> to vector<16xf32>
        %mul3A_328 = arith.mulf %mul3A_130, %get3A_327 : vector<16xf32>
        %add3A_329 = arith.addf %add3A_313, %mul3A_328 : vector<16xf32>
        %mul3A_330 = arith.constant 512 : i32
        %mul3A_331 = arith.muli %scan3A_46, %mul3A_330 : i32
        %add3A_332 = arith.constant 320 : i32
        %add3A_333 = arith.addi %mul3A_331, %add3A_332 : i32
        %get3A_334 = arith.index_cast %add3A_333 : i32 to index
        %get3A_335 = tpu.vector_load %arg13[%get3A_334] {strides = array<i32>} : memref<47616xf32, #tpu.memory_space<vmem>>, vector<16xf32>,
        %get3A_336 = vector.shape_cast %get3A_335 : vector<16xf32> to vector<16xf32>
        %mul3A_337 = arith.mulf %mul3A_141, %get3A_336 : vector<16xf32>
        %add3A_338 = arith.addf %add3A_322, %mul3A_337 : vector<16xf32>
        %add3A_339 = arith.constant 16 : i32
        %add3A_340 = arith.addi %add3A_333, %add3A_339 : i32
        %get3A_341 = arith.index_cast %add3A_340 : i32 to index
        %get3A_342 = tpu.vector_load %arg13[%get3A_341] {strides = array<i32>} : memref<47616xf32, #tpu.memory_space<vmem>>, vector<16xf32>,
        %get3A_343 = vector.shape_cast %get3A_342 : vector<16xf32> to vector<16xf32>
        %mul3A_344 = arith.mulf %mul3A_141, %get3A_343 : vector<16xf32>
        %add3A_345 = arith.addf %add3A_329, %mul3A_344 : vector<16xf32>
        %mul3A_346 = arith.constant 512 : i32
        %mul3A_347 = arith.muli %scan3A_46, %mul3A_346 : i32
        %add3A_348 = arith.constant 352 : i32
        %add3A_349 = arith.addi %mul3A_347, %add3A_348 : i32
        %get3A_350 = arith.index_cast %add3A_349 : i32 to index
        %get3A_351 = tpu.vector_load %arg13[%get3A_350] {strides = array<i32>} : memref<47616xf32, #tpu.memory_space<vmem>>, vector<16xf32>,
        %get3A_352 = vector.shape_cast %get3A_351 : vector<16xf32> to vector<16xf32>
        %mul3A_353 = arith.mulf %mul3A_145, %get3A_352 : vector<16xf32>
        %add3A_354 = arith.addf %add3A_338, %mul3A_353 : vector<16xf32>
        %add3A_355 = arith.constant 16 : i32
        %add3A_356 = arith.addi %add3A_349, %add3A_355 : i32
        %get3A_357 = arith.index_cast %add3A_356 : i32 to index
        %get3A_358 = tpu.vector_load %arg13[%get3A_357] {strides = array<i32>} : memref<47616xf32, #tpu.memory_space<vmem>>, vector<16xf32>,
        %get3A_359 = vector.shape_cast %get3A_358 : vector<16xf32> to vector<16xf32>
        %mul3A_360 = arith.mulf %mul3A_145, %get3A_359 : vector<16xf32>
        %add3A_361 = arith.addf %add3A_345, %mul3A_360 : vector<16xf32>
        %mul3A_362 = arith.mulf %mul3A_100, %add3A_354 : vector<16xf32>
        %add3A_363 = arith.addf %add3A_291, %mul3A_362 : vector<16xf32>
        %mul3A_364 = arith.mulf %mul3A_100, %add3A_361 : vector<16xf32>
        %add3A_365 = arith.addf %add3A_293, %mul3A_364 : vector<16xf32>
        %broadcast_in_dim3A_366 = arith.constant 0.000000e+00 : f32
        %broadcast_in_dim3A_367 = vector.broadcast %broadcast_in_dim3A_366 : f32 to vector<16xf32>
        %broadcast_in_dim3A_368 = arith.constant 0.000000e+00 : f32
        %broadcast_in_dim3A_369 = vector.broadcast %broadcast_in_dim3A_368 : f32 to vector<16xf32>
        %mul3A_370 = arith.constant 512 : i32
        %mul3A_371 = arith.muli %scan3A_46, %mul3A_370 : i32
        %add3A_372 = arith.constant 384 : i32
        %add3A_373 = arith.addi %mul3A_371, %add3A_372 : i32
        %get3A_374 = arith.index_cast %add3A_373 : i32 to index
        %get3A_375 = tpu.vector_load %arg13[%get3A_374] {strides = array<i32>} : memref<47616xf32, #tpu.memory_space<vmem>>, vector<16xf32>,
        %get3A_376 = vector.shape_cast %get3A_375 : vector<16xf32> to vector<16xf32>
        %mul3A_377 = arith.mulf %mul3A_117, %get3A_376 : vector<16xf32>
        %add3A_378 = arith.addf %broadcast_in_dim3A_367, %mul3A_377 : vector<16xf32>
        %add3A_379 = arith.constant 16 : i32
        %add3A_380 = arith.addi %add3A_373, %add3A_379 : i32
        %get3A_381 = arith.index_cast %add3A_380 : i32 to index
        %get3A_382 = tpu.vector_load %arg13[%get3A_381] {strides = array<i32>} : memref<47616xf32, #tpu.memory_space<vmem>>, vector<16xf32>,
        %get3A_383 = vector.shape_cast %get3A_382 : vector<16xf32> to vector<16xf32>
        %mul3A_384 = arith.mulf %mul3A_117, %get3A_383 : vector<16xf32>
        %add3A_385 = arith.addf %broadcast_in_dim3A_369, %mul3A_384 : vector<16xf32>
        %mul3A_386 = arith.constant 512 : i32
        %mul3A_387 = arith.muli %scan3A_46, %mul3A_386 : i32
        %add3A_388 = arith.constant 416 : i32
        %add3A_389 = arith.addi %mul3A_387, %add3A_388 : i32
        %get3A_390 = arith.index_cast %add3A_389 : i32 to index
        %get3A_391 = tpu.vector_load %arg13[%get3A_390] {strides = array<i32>} : memref<47616xf32, #tpu.memory_space<vmem>>, vector<16xf32>,
        %get3A_392 = vector.shape_cast %get3A_391 : vector<16xf32> to vector<16xf32>
        %mul3A_393 = arith.mulf %mul3A_130, %get3A_392 : vector<16xf32>
        %add3A_394 = arith.addf %add3A_378, %mul3A_393 : vector<16xf32>
        %add3A_395 = arith.constant 16 : i32
        %add3A_396 = arith.addi %add3A_389, %add3A_395 : i32
        %get3A_397 = arith.index_cast %add3A_396 : i32 to index
        %get3A_398 = tpu.vector_load %arg13[%get3A_397] {strides = array<i32>} : memref<47616xf32, #tpu.memory_space<vmem>>, vector<16xf32>,
        %get3A_399 = vector.shape_cast %get3A_398 : vector<16xf32> to vector<16xf32>
        %mul3A_400 = arith.mulf %mul3A_130, %get3A_399 : vector<16xf32>
        %add3A_401 = arith.addf %add3A_385, %mul3A_400 : vector<16xf32>
        %mul3A_402 = arith.constant 512 : i32
        %mul3A_403 = arith.muli %scan3A_46, %mul3A_402 : i32
        %add3A_404 = arith.constant 448 : i32
        %add3A_405 = arith.addi %mul3A_403, %add3A_404 : i32
        %get3A_406 = arith.index_cast %add3A_405 : i32 to index
        %get3A_407 = tpu.vector_load %arg13[%get3A_406] {strides = array<i32>} : memref<47616xf32, #tpu.memory_space<vmem>>, vector<16xf32>,
        %get3A_408 = vector.shape_cast %get3A_407 : vector<16xf32> to vector<16xf32>
        %mul3A_409 = arith.mulf %mul3A_141, %get3A_408 : vector<16xf32>
        %add3A_410 = arith.addf %add3A_394, %mul3A_409 : vector<16xf32>
        %add3A_411 = arith.constant 16 : i32
        %add3A_412 = arith.addi %add3A_405, %add3A_411 : i32
        %get3A_413 = arith.index_cast %add3A_412 : i32 to index
        %get3A_414 = tpu.vector_load %arg13[%get3A_413] {strides = array<i32>} : memref<47616xf32, #tpu.memory_space<vmem>>, vector<16xf32>,
        %get3A_415 = vector.shape_cast %get3A_414 : vector<16xf32> to vector<16xf32>
        %mul3A_416 = arith.mulf %mul3A_141, %get3A_415 : vector<16xf32>
        %add3A_417 = arith.addf %add3A_401, %mul3A_416 : vector<16xf32>
        %mul3A_418 = arith.constant 512 : i32
        %mul3A_419 = arith.muli %scan3A_46, %mul3A_418 : i32
        %add3A_420 = arith.constant 480 : i32
        %add3A_421 = arith.addi %mul3A_419, %add3A_420 : i32
        %get3A_422 = arith.index_cast %add3A_421 : i32 to index
        %get3A_423 = tpu.vector_load %arg13[%get3A_422] {strides = array<i32>} : memref<47616xf32, #tpu.memory_space<vmem>>, vector<16xf32>,
        %get3A_424 = vector.shape_cast %get3A_423 : vector<16xf32> to vector<16xf32>
        %mul3A_425 = arith.mulf %mul3A_145, %get3A_424 : vector<16xf32>
        %add3A_426 = arith.addf %add3A_410, %mul3A_425 : vector<16xf32>
        %add3A_427 = arith.constant 16 : i32
        %add3A_428 = arith.addi %add3A_421, %add3A_427 : i32
        %get3A_429 = arith.index_cast %add3A_428 : i32 to index
        %get3A_430 = tpu.vector_load %arg13[%get3A_429] {strides = array<i32>} : memref<47616xf32, #tpu.memory_space<vmem>>, vector<16xf32>,
        %get3A_431 = vector.shape_cast %get3A_430 : vector<16xf32> to vector<16xf32>
        %mul3A_432 = arith.mulf %mul3A_145, %get3A_431 : vector<16xf32>
        %add3A_433 = arith.addf %add3A_417, %mul3A_432 : vector<16xf32>
        %mul3A_434 = arith.mulf %mul3A_104, %add3A_426 : vector<16xf32>
        %add3A_435 = arith.addf %add3A_363, %mul3A_434 : vector<16xf32>
        %mul3A_436 = arith.mulf %mul3A_104, %add3A_433 : vector<16xf32>
        %add3A_437 = arith.addf %add3A_365, %mul3A_436 : vector<16xf32>
        %mul3A_438 = arith.constant 16 : i32
        %mul3A_439 = arith.muli %scan3A_46, %mul3A_438 : i32
        %get3A_440 = arith.index_cast %mul3A_439 : i32 to index
        %get3A_441 = tpu.vector_load %arg10[%get3A_440] {strides = array<i32>} : memref<5952xf32, #tpu.memory_space<vmem>>, vector<16xf32>,
        %get3A_442 = vector.shape_cast %get3A_441 : vector<16xf32> to vector<16xf32>
        %sub3A_443 = arith.subf %get3A_442, %add3A_435 : vector<16xf32>
        %mul3A_444 = arith.constant 16 : i32
        %mul3A_445 = arith.muli %scan3A_46, %mul3A_444 : i32
        %add3A_446 = arith.constant 1488 : i32
        %add3A_447 = arith.addi %add3A_446, %mul3A_445 : i32
        %get3A_448 = arith.index_cast %add3A_447 : i32 to index
        %get3A_449 = tpu.vector_load %arg10[%get3A_448] {strides = array<i32>} : memref<5952xf32, #tpu.memory_space<vmem>>, vector<16xf32>,
        %get3A_450 = vector.shape_cast %get3A_449 : vector<16xf32> to vector<16xf32>
        %sub3A_451 = arith.subf %get3A_450, %add3A_437 : vector<16xf32>
        %mul3A_452 = arith.mulf %sub3A_443, %sub3A_443 : vector<16xf32>
        %add3A_453 = arith.addf %scan3A_47, %mul3A_452 : vector<16xf32>
        %mul3A_454 = arith.mulf %sub3A_451, %sub3A_451 : vector<16xf32>
        %add3A_455 = arith.addf %add3A_453, %mul3A_454 : vector<16xf32>
        scf.yield %add3A_455 : vector<16xf32>
      }
      %scan3A_45 = arith.constant 4 : i32
      scf.yield %scan3A_44 : vector<16xf32>
    }
    %while3A_17 = arith.constant 1 : i32
    %while3A_18 = scf.for %while3A_22 = %while3A_14 to %while3A_10 step %while3A_17 iter_args(%while3A_23 = %while3A_16) -> (vector<16xf32>)  : i32 {
      "tpu.region"() ({
        %run_scoped3A = tpu.sem_alloc : memref<!tpu.dma_semaphore, #tpu.memory_space<semaphore_mem>>
        %dma_start3A_46 = arith.constant 0 : i32
        %dma_start3A_47 = tpu.memref_slice %arg10[%dma_start3A_46] : memref<5952xf32, #tpu.memory_space<vmem>> -> memref<64xf32, #tpu.memory_space<vmem>>
        %dma_start3A_48 = arith.constant 999936 : i32
        %dma_start3A_49 = tpu.memref_slice %arg2[%dma_start3A_48] : memref<1000000xf32, #tpu.memory_space<hbm>> -> memref<64xf32, #tpu.memory_space<hbm>>
        %dma_start3A_50 = arith.constant 0 : i32
        %dma_start3A_51 = tpu.memref_slice %arg10[%dma_start3A_50] : memref<5952xf32, #tpu.memory_space<vmem>> -> memref<64xf32, #tpu.memory_space<vmem>>
        %dma_start3A_52 = arith.constant 999936 : i32
        %dma_start3A_53 = tpu.memref_slice %arg2[%dma_start3A_52] : memref<1000000xf32, #tpu.memory_space<hbm>> -> memref<64xf32, #tpu.memory_space<hbm>>
        tpu.enqueue_dma source(%dma_start3A_53 : memref<64xf32, #tpu.memory_space<hbm>>) target(%dma_start3A_51 : memref<64xf32, #tpu.memory_space<vmem>>) target_semaphore(%run_scoped3A : memref<!tpu.dma_semaphore, #tpu.memory_space<semaphore_mem>>)
        %dma_wait3A_54 = arith.constant 0 : i32
        %dma_wait3A_55 = tpu.memref_slice %arg10[%dma_wait3A_54] : memref<5952xf32, #tpu.memory_space<vmem>> -> memref<64xf32, #tpu.memory_space<vmem>>
        %dma_wait3A_56 = arith.constant 999936 : i32
        %dma_wait3A_57 = tpu.memref_slice %arg2[%dma_wait3A_56] : memref<1000000xf32, #tpu.memory_space<hbm>> -> memref<64xf32, #tpu.memory_space<hbm>>
        %dma_wait3A_58 = arith.constant 0 : i32
        %dma_wait3A_59 = tpu.memref_slice %arg10[%dma_wait3A_58] : memref<5952xf32, #tpu.memory_space<vmem>> -> memref<64xf32, #tpu.memory_space<vmem>>
        %dma_wait3A_60 = arith.constant 999936 : i32
        %dma_wait3A_61 = tpu.memref_slice %arg2[%dma_wait3A_60] : memref<1000000xf32, #tpu.memory_space<hbm>> -> memref<64xf32, #tpu.memory_space<hbm>>
        tpu.wait_dma2 semaphore(%run_scoped3A : memref<!tpu.dma_semaphore, #tpu.memory_space<semaphore_mem>>) src(%dma_wait3A_61 : memref<64xf32, #tpu.memory_space<hbm>>) dst(%dma_wait3A_59 : memref<64xf32, #tpu.memory_space<vmem>>)
        tpu.yield
      }) : () -> ()
      "tpu.region"() ({
        %run_scoped3A = tpu.sem_alloc : memref<!tpu.dma_semaphore, #tpu.memory_space<semaphore_mem>>
        %dma_start3A_46 = arith.constant 1488 : i32
        %dma_start3A_47 = tpu.memref_slice %arg10[%dma_start3A_46] : memref<5952xf32, #tpu.memory_space<vmem>> -> memref<64xf32, #tpu.memory_space<vmem>>
        %dma_start3A_48 = arith.constant 999936 : i32
        %dma_start3A_49 = tpu.memref_slice %arg3[%dma_start3A_48] : memref<1000000xf32, #tpu.memory_space<hbm>> -> memref<64xf32, #tpu.memory_space<hbm>>
        %dma_start3A_50 = arith.constant 1488 : i32
        %dma_start3A_51 = tpu.memref_slice %arg10[%dma_start3A_50] : memref<5952xf32, #tpu.memory_space<vmem>> -> memref<64xf32, #tpu.memory_space<vmem>>
        %dma_start3A_52 = arith.constant 999936 : i32
        %dma_start3A_53 = tpu.memref_slice %arg3[%dma_start3A_52] : memref<1000000xf32, #tpu.memory_space<hbm>> -> memref<64xf32, #tpu.memory_space<hbm>>
        tpu.enqueue_dma source(%dma_start3A_53 : memref<64xf32, #tpu.memory_space<hbm>>) target(%dma_start3A_51 : memref<64xf32, #tpu.memory_space<vmem>>) target_semaphore(%run_scoped3A : memref<!tpu.dma_semaphore, #tpu.memory_space<semaphore_mem>>)
        %dma_wait3A_54 = arith.constant 1488 : i32
        %dma_wait3A_55 = tpu.memref_slice %arg10[%dma_wait3A_54] : memref<5952xf32, #tpu.memory_space<vmem>> -> memref<64xf32, #tpu.memory_space<vmem>>
        %dma_wait3A_56 = arith.constant 999936 : i32
        %dma_wait3A_57 = tpu.memref_slice %arg3[%dma_wait3A_56] : memref<1000000xf32, #tpu.memory_space<hbm>> -> memref<64xf32, #tpu.memory_space<hbm>>
        %dma_wait3A_58 = arith.constant 1488 : i32
        %dma_wait3A_59 = tpu.memref_slice %arg10[%dma_wait3A_58] : memref<5952xf32, #tpu.memory_space<vmem>> -> memref<64xf32, #tpu.memory_space<vmem>>
        %dma_wait3A_60 = arith.constant 999936 : i32
        %dma_wait3A_61 = tpu.memref_slice %arg3[%dma_wait3A_60] : memref<1000000xf32, #tpu.memory_space<hbm>> -> memref<64xf32, #tpu.memory_space<hbm>>
        tpu.wait_dma2 semaphore(%run_scoped3A : memref<!tpu.dma_semaphore, #tpu.memory_space<semaphore_mem>>) src(%dma_wait3A_61 : memref<64xf32, #tpu.memory_space<hbm>>) dst(%dma_wait3A_59 : memref<64xf32, #tpu.memory_space<vmem>>)
        tpu.yield
      }) : () -> ()
      "tpu.region"() ({
        %run_scoped3A = tpu.sem_alloc : memref<!tpu.dma_semaphore, #tpu.memory_space<semaphore_mem>>
        %dma_start3A_46 = arith.constant 2976 : i32
        %dma_start3A_47 = tpu.memref_slice %arg10[%dma_start3A_46] : memref<5952xf32, #tpu.memory_space<vmem>> -> memref<64xf32, #tpu.memory_space<vmem>>
        %dma_start3A_48 = arith.constant 999936 : i32
        %dma_start3A_49 = tpu.memref_slice %arg4[%dma_start3A_48] : memref<1000000xf32, #tpu.memory_space<hbm>> -> memref<64xf32, #tpu.memory_space<hbm>>
        %dma_start3A_50 = arith.constant 2976 : i32
        %dma_start3A_51 = tpu.memref_slice %arg10[%dma_start3A_50] : memref<5952xf32, #tpu.memory_space<vmem>> -> memref<64xf32, #tpu.memory_space<vmem>>
        %dma_start3A_52 = arith.constant 999936 : i32
        %dma_start3A_53 = tpu.memref_slice %arg4[%dma_start3A_52] : memref<1000000xf32, #tpu.memory_space<hbm>> -> memref<64xf32, #tpu.memory_space<hbm>>
        tpu.enqueue_dma source(%dma_start3A_53 : memref<64xf32, #tpu.memory_space<hbm>>) target(%dma_start3A_51 : memref<64xf32, #tpu.memory_space<vmem>>) target_semaphore(%run_scoped3A : memref<!tpu.dma_semaphore, #tpu.memory_space<semaphore_mem>>)
        %dma_wait3A_54 = arith.constant 2976 : i32
        %dma_wait3A_55 = tpu.memref_slice %arg10[%dma_wait3A_54] : memref<5952xf32, #tpu.memory_space<vmem>> -> memref<64xf32, #tpu.memory_space<vmem>>
        %dma_wait3A_56 = arith.constant 999936 : i32
        %dma_wait3A_57 = tpu.memref_slice %arg4[%dma_wait3A_56] : memref<1000000xf32, #tpu.memory_space<hbm>> -> memref<64xf32, #tpu.memory_space<hbm>>
        %dma_wait3A_58 = arith.constant 2976 : i32
        %dma_wait3A_59 = tpu.memref_slice %arg10[%dma_wait3A_58] : memref<5952xf32, #tpu.memory_space<vmem>> -> memref<64xf32, #tpu.memory_space<vmem>>
        %dma_wait3A_60 = arith.constant 999936 : i32
        %dma_wait3A_61 = tpu.memref_slice %arg4[%dma_wait3A_60] : memref<1000000xf32, #tpu.memory_space<hbm>> -> memref<64xf32, #tpu.memory_space<hbm>>
        tpu.wait_dma2 semaphore(%run_scoped3A : memref<!tpu.dma_semaphore, #tpu.memory_space<semaphore_mem>>) src(%dma_wait3A_61 : memref<64xf32, #tpu.memory_space<hbm>>) dst(%dma_wait3A_59 : memref<64xf32, #tpu.memory_space<vmem>>)
        tpu.yield
      }) : () -> ()
      "tpu.region"() ({
        %run_scoped3A = tpu.sem_alloc : memref<!tpu.dma_semaphore, #tpu.memory_space<semaphore_mem>>
        %dma_start3A_46 = arith.constant 4464 : i32
        %dma_start3A_47 = tpu.memref_slice %arg10[%dma_start3A_46] : memref<5952xf32, #tpu.memory_space<vmem>> -> memref<64xf32, #tpu.memory_space<vmem>>
        %dma_start3A_48 = arith.constant 999936 : i32
        %dma_start3A_49 = tpu.memref_slice %arg5[%dma_start3A_48] : memref<1000000xf32, #tpu.memory_space<hbm>> -> memref<64xf32, #tpu.memory_space<hbm>>
        %dma_start3A_50 = arith.constant 4464 : i32
        %dma_start3A_51 = tpu.memref_slice %arg10[%dma_start3A_50] : memref<5952xf32, #tpu.memory_space<vmem>> -> memref<64xf32, #tpu.memory_space<vmem>>
        %dma_start3A_52 = arith.constant 999936 : i32
        %dma_start3A_53 = tpu.memref_slice %arg5[%dma_start3A_52] : memref<1000000xf32, #tpu.memory_space<hbm>> -> memref<64xf32, #tpu.memory_space<hbm>>
        tpu.enqueue_dma source(%dma_start3A_53 : memref<64xf32, #tpu.memory_space<hbm>>) target(%dma_start3A_51 : memref<64xf32, #tpu.memory_space<vmem>>) target_semaphore(%run_scoped3A : memref<!tpu.dma_semaphore, #tpu.memory_space<semaphore_mem>>)
        %dma_wait3A_54 = arith.constant 4464 : i32
        %dma_wait3A_55 = tpu.memref_slice %arg10[%dma_wait3A_54] : memref<5952xf32, #tpu.memory_space<vmem>> -> memref<64xf32, #tpu.memory_space<vmem>>
        %dma_wait3A_56 = arith.constant 999936 : i32
        %dma_wait3A_57 = tpu.memref_slice %arg5[%dma_wait3A_56] : memref<1000000xf32, #tpu.memory_space<hbm>> -> memref<64xf32, #tpu.memory_space<hbm>>
        %dma_wait3A_58 = arith.constant 4464 : i32
        %dma_wait3A_59 = tpu.memref_slice %arg10[%dma_wait3A_58] : memref<5952xf32, #tpu.memory_space<vmem>> -> memref<64xf32, #tpu.memory_space<vmem>>
        %dma_wait3A_60 = arith.constant 999936 : i32
        %dma_wait3A_61 = tpu.memref_slice %arg5[%dma_wait3A_60] : memref<1000000xf32, #tpu.memory_space<hbm>> -> memref<64xf32, #tpu.memory_space<hbm>>
        tpu.wait_dma2 semaphore(%run_scoped3A : memref<!tpu.dma_semaphore, #tpu.memory_space<semaphore_mem>>) src(%dma_wait3A_61 : memref<64xf32, #tpu.memory_space<hbm>>) dst(%dma_wait3A_59 : memref<64xf32, #tpu.memory_space<vmem>>)
        tpu.yield
      }) : () -> ()
      "tpu.region"() ({
        %run_scoped3A = tpu.sem_alloc : memref<!tpu.dma_semaphore, #tpu.memory_space<semaphore_mem>>
        %dma_start3A_46 = arith.constant 0 : i32
        %dma_start3A_47 = tpu.memref_slice %arg11[%dma_start3A_46] : memref<2976xi32, #tpu.memory_space<vmem>> -> memref<64xi32, #tpu.memory_space<vmem>>
        %dma_start3A_48 = arith.constant 999936 : i32
        %dma_start3A_49 = tpu.memref_slice %arg6[%dma_start3A_48] : memref<1000000xi32, #tpu.memory_space<hbm>> -> memref<64xi32, #tpu.memory_space<hbm>>
        %dma_start3A_50 = arith.constant 0 : i32
        %dma_start3A_51 = tpu.memref_slice %arg11[%dma_start3A_50] : memref<2976xi32, #tpu.memory_space<vmem>> -> memref<64xi32, #tpu.memory_space<vmem>>
        %dma_start3A_52 = arith.constant 999936 : i32
        %dma_start3A_53 = tpu.memref_slice %arg6[%dma_start3A_52] : memref<1000000xi32, #tpu.memory_space<hbm>> -> memref<64xi32, #tpu.memory_space<hbm>>
        tpu.enqueue_dma source(%dma_start3A_53 : memref<64xi32, #tpu.memory_space<hbm>>) target(%dma_start3A_51 : memref<64xi32, #tpu.memory_space<vmem>>) target_semaphore(%run_scoped3A : memref<!tpu.dma_semaphore, #tpu.memory_space<semaphore_mem>>)
        %dma_wait3A_54 = arith.constant 0 : i32
        %dma_wait3A_55 = tpu.memref_slice %arg11[%dma_wait3A_54] : memref<2976xi32, #tpu.memory_space<vmem>> -> memref<64xi32, #tpu.memory_space<vmem>>
        %dma_wait3A_56 = arith.constant 999936 : i32
        %dma_wait3A_57 = tpu.memref_slice %arg6[%dma_wait3A_56] : memref<1000000xi32, #tpu.memory_space<hbm>> -> memref<64xi32, #tpu.memory_space<hbm>>
        %dma_wait3A_58 = arith.constant 0 : i32
        %dma_wait3A_59 = tpu.memref_slice %arg11[%dma_wait3A_58] : memref<2976xi32, #tpu.memory_space<vmem>> -> memref<64xi32, #tpu.memory_space<vmem>>
        %dma_wait3A_60 = arith.constant 999936 : i32
        %dma_wait3A_61 = tpu.memref_slice %arg6[%dma_wait3A_60] : memref<1000000xi32, #tpu.memory_space<hbm>> -> memref<64xi32, #tpu.memory_space<hbm>>
        tpu.wait_dma2 semaphore(%run_scoped3A : memref<!tpu.dma_semaphore, #tpu.memory_space<semaphore_mem>>) src(%dma_wait3A_61 : memref<64xi32, #tpu.memory_space<hbm>>) dst(%dma_wait3A_59 : memref<64xi32, #tpu.memory_space<vmem>>)
        tpu.yield
      }) : () -> ()
      "tpu.region"() ({
        %run_scoped3A = tpu.sem_alloc : memref<!tpu.dma_semaphore, #tpu.memory_space<semaphore_mem>>
        %dma_start3A_46 = arith.constant 1488 : i32
        %dma_start3A_47 = tpu.memref_slice %arg11[%dma_start3A_46] : memref<2976xi32, #tpu.memory_space<vmem>> -> memref<64xi32, #tpu.memory_space<vmem>>
        %dma_start3A_48 = arith.constant 999936 : i32
        %dma_start3A_49 = tpu.memref_slice %arg7[%dma_start3A_48] : memref<1000000xi32, #tpu.memory_space<hbm>> -> memref<64xi32, #tpu.memory_space<hbm>>
        %dma_start3A_50 = arith.constant 1488 : i32
        %dma_start3A_51 = tpu.memref_slice %arg11[%dma_start3A_50] : memref<2976xi32, #tpu.memory_space<vmem>> -> memref<64xi32, #tpu.memory_space<vmem>>
        %dma_start3A_52 = arith.constant 999936 : i32
        %dma_start3A_53 = tpu.memref_slice %arg7[%dma_start3A_52] : memref<1000000xi32, #tpu.memory_space<hbm>> -> memref<64xi32, #tpu.memory_space<hbm>>
        tpu.enqueue_dma source(%dma_start3A_53 : memref<64xi32, #tpu.memory_space<hbm>>) target(%dma_start3A_51 : memref<64xi32, #tpu.memory_space<vmem>>) target_semaphore(%run_scoped3A : memref<!tpu.dma_semaphore, #tpu.memory_space<semaphore_mem>>)
        %dma_wait3A_54 = arith.constant 1488 : i32
        %dma_wait3A_55 = tpu.memref_slice %arg11[%dma_wait3A_54] : memref<2976xi32, #tpu.memory_space<vmem>> -> memref<64xi32, #tpu.memory_space<vmem>>
        %dma_wait3A_56 = arith.constant 999936 : i32
        %dma_wait3A_57 = tpu.memref_slice %arg7[%dma_wait3A_56] : memref<1000000xi32, #tpu.memory_space<hbm>> -> memref<64xi32, #tpu.memory_space<hbm>>
        %dma_wait3A_58 = arith.constant 1488 : i32
        %dma_wait3A_59 = tpu.memref_slice %arg11[%dma_wait3A_58] : memref<2976xi32, #tpu.memory_space<vmem>> -> memref<64xi32, #tpu.memory_space<vmem>>
        %dma_wait3A_60 = arith.constant 999936 : i32
        %dma_wait3A_61 = tpu.memref_slice %arg7[%dma_wait3A_60] : memref<1000000xi32, #tpu.memory_space<hbm>> -> memref<64xi32, #tpu.memory_space<hbm>>
        tpu.wait_dma2 semaphore(%run_scoped3A : memref<!tpu.dma_semaphore, #tpu.memory_space<semaphore_mem>>) src(%dma_wait3A_61 : memref<64xi32, #tpu.memory_space<hbm>>) dst(%dma_wait3A_59 : memref<64xi32, #tpu.memory_space<vmem>>)
        tpu.yield
      }) : () -> ()
      %scan3A_24 = arith.constant 0 : i32
      %scan3A_25 = arith.constant 0 : i32
      %scan3A_26 = arith.constant 4 : i32
      %scan3A_27 = arith.addi %scan3A_25, %scan3A_26 : i32
      %scan3A_28 = arith.constant 1 : i32
      scf.for %scan3A_46 = %scan3A_25 to %scan3A_27 step %scan3A_28  : i32 {
        %mul3A_47 = arith.constant 16 : i32
        %mul3A_48 = arith.muli %scan3A_46, %mul3A_47 : i32
        %get3A = arith.index_cast %mul3A_48 : i32 to index
        %get3A_49 = tpu.vector_load %arg11[%get3A] {strides = array<i32>} : memref<2976xi32, #tpu.memory_space<vmem>>, vector<16xi32>,
        %get3A_50 = vector.shape_cast %get3A_49 : vector<16xi32> to vector<16xi32>
        %mul3A_51 = arith.constant 16 : i32
        %mul3A_52 = arith.muli %scan3A_46, %mul3A_51 : i32
        %add3A_53 = arith.constant 1488 : i32
        %add3A_54 = arith.addi %add3A_53, %mul3A_52 : i32
        %get3A_55 = arith.index_cast %add3A_54 : i32 to index
        %get3A_56 = tpu.vector_load %arg11[%get3A_55] {strides = array<i32>} : memref<2976xi32, #tpu.memory_space<vmem>>, vector<16xi32>,
        %get3A_57 = vector.shape_cast %get3A_56 : vector<16xi32> to vector<16xi32>
        %mul3A_58 = arith.constant 2048 : i32
        %mul3A_59 = vector.broadcast %mul3A_58 : i32 to vector<16xi32>
        %mul3A_60 = arith.muli %get3A_50, %mul3A_59 : vector<16xi32>
        %add3A_61 = arith.addi %mul3A_60, %get3A_57 : vector<16xi32>
        %mul3A_62 = arith.constant 2 : i32
        %mul3A_63 = vector.broadcast %mul3A_62 : i32 to vector<16xi32>
        %mul3A_64 = arith.muli %mul3A_63, %add3A_61 : vector<16xi32>
        %mul3A_65 = arith.constant 512 : i32
        %mul3A_66 = arith.muli %scan3A_46, %mul3A_65 : i32
        %add3A_67 = arith.constant 0 : i32
        %add3A_68 = arith.addi %mul3A_66, %add3A_67 : i32
        %add3A_69 = arith.constant -4098 : i32
        %add3A_70 = vector.broadcast %add3A_69 : i32 to vector<16xi32>
        %add3A_71 = arith.addi %mul3A_64, %add3A_70 : vector<16xi32>
        %swap3A_72 = arith.index_cast %add3A_68 : i32 to index
        %swap3A_73 = tpu.vector_load %arg12[%swap3A_72] {strides = array<i32>} : memref<47616xi32, #tpu.memory_space<vmem>>, vector<16xi32>,
        %swap3A_74 = vector.shape_cast %swap3A_73 : vector<16xi32> to vector<16xi32>
        %swap3A_75 = vector.shape_cast %add3A_71 : vector<16xi32> to vector<16xi32>
        tpu.vector_store %arg12[%swap3A_72], %swap3A_75 {strides = array<i32>} : memref<47616xi32, #tpu.memory_space<vmem>>, vector<16xi32>,
        %add3A_76 = arith.constant -4097 : i32
        %add3A_77 = vector.broadcast %add3A_76 : i32 to vector<16xi32>
        %add3A_78 = arith.addi %mul3A_64, %add3A_77 : vector<16xi32>
        %add3A_79 = arith.constant 16 : i32
        %add3A_80 = arith.addi %add3A_68, %add3A_79 : i32
        %swap3A_81 = arith.index_cast %add3A_80 : i32 to index
        %swap3A_82 = tpu.vector_load %arg12[%swap3A_81] {strides = array<i32>} : memref<47616xi32, #tpu.memory_space<vmem>>, vector<16xi32>,
        %swap3A_83 = vector.shape_cast %swap3A_82 : vector<16xi32> to vector<16xi32>
        %swap3A_84 = vector.shape_cast %add3A_78 : vector<16xi32> to vector<16xi32>
        tpu.vector_store %arg12[%swap3A_81], %swap3A_84 {strides = array<i32>} : memref<47616xi32, #tpu.memory_space<vmem>>, vector<16xi32>,
        %mul3A_85 = arith.constant 512 : i32
        %mul3A_86 = arith.muli %scan3A_46, %mul3A_85 : i32
        %add3A_87 = arith.constant 32 : i32
        %add3A_88 = arith.addi %mul3A_86, %add3A_87 : i32
        %add3A_89 = arith.constant -4096 : i32
        %add3A_90 = vector.broadcast %add3A_89 : i32 to vector<16xi32>
        %add3A_91 = arith.addi %mul3A_64, %add3A_90 : vector<16xi32>
        %swap3A_92 = arith.index_cast %add3A_88 : i32 to index
        %swap3A_93 = tpu.vector_load %arg12[%swap3A_92] {strides = array<i32>} : memref<47616xi32, #tpu.memory_space<vmem>>, vector<16xi32>,
        %swap3A_94 = vector.shape_cast %swap3A_93 : vector<16xi32> to vector<16xi32>
        %swap3A_95 = vector.shape_cast %add3A_91 : vector<16xi32> to vector<16xi32>
        tpu.vector_store %arg12[%swap3A_92], %swap3A_95 {strides = array<i32>} : memref<47616xi32, #tpu.memory_space<vmem>>, vector<16xi32>,
        %add3A_96 = arith.constant -4095 : i32
        %add3A_97 = vector.broadcast %add3A_96 : i32 to vector<16xi32>
        %add3A_98 = arith.addi %mul3A_64, %add3A_97 : vector<16xi32>
        %add3A_99 = arith.constant 16 : i32
        %add3A_100 = arith.addi %add3A_88, %add3A_99 : i32
        %swap3A_101 = arith.index_cast %add3A_100 : i32 to index
        %swap3A_102 = tpu.vector_load %arg12[%swap3A_101] {strides = array<i32>} : memref<47616xi32, #tpu.memory_space<vmem>>, vector<16xi32>,
        %swap3A_103 = vector.shape_cast %swap3A_102 : vector<16xi32> to vector<16xi32>
        %swap3A_104 = vector.shape_cast %add3A_98 : vector<16xi32> to vector<16xi32>
        tpu.vector_store %arg12[%swap3A_101], %swap3A_104 {strides = array<i32>} : memref<47616xi32, #tpu.memory_space<vmem>>, vector<16xi32>,
        %mul3A_105 = arith.constant 512 : i32
        %mul3A_106 = arith.muli %scan3A_46, %mul3A_105 : i32
        %add3A_107 = arith.constant 64 : i32
        %add3A_108 = arith.addi %mul3A_106, %add3A_107 : i32
        %add3A_109 = arith.constant -4094 : i32
        %add3A_110 = vector.broadcast %add3A_109 : i32 to vector<16xi32>
        %add3A_111 = arith.addi %mul3A_64, %add3A_110 : vector<16xi32>
        %swap3A_112 = arith.index_cast %add3A_108 : i32 to index
        %swap3A_113 = tpu.vector_load %arg12[%swap3A_112] {strides = array<i32>} : memref<47616xi32, #tpu.memory_space<vmem>>, vector<16xi32>,
        %swap3A_114 = vector.shape_cast %swap3A_113 : vector<16xi32> to vector<16xi32>
        %swap3A_115 = vector.shape_cast %add3A_111 : vector<16xi32> to vector<16xi32>
        tpu.vector_store %arg12[%swap3A_112], %swap3A_115 {strides = array<i32>} : memref<47616xi32, #tpu.memory_space<vmem>>, vector<16xi32>,
        %add3A_116 = arith.constant -4093 : i32
        %add3A_117 = vector.broadcast %add3A_116 : i32 to vector<16xi32>
        %add3A_118 = arith.addi %mul3A_64, %add3A_117 : vector<16xi32>
        %add3A_119 = arith.constant 16 : i32
        %add3A_120 = arith.addi %add3A_108, %add3A_119 : i32
        %swap3A_121 = arith.index_cast %add3A_120 : i32 to index
        %swap3A_122 = tpu.vector_load %arg12[%swap3A_121] {strides = array<i32>} : memref<47616xi32, #tpu.memory_space<vmem>>, vector<16xi32>,
        %swap3A_123 = vector.shape_cast %swap3A_122 : vector<16xi32> to vector<16xi32>
        %swap3A_124 = vector.shape_cast %add3A_118 : vector<16xi32> to vector<16xi32>
        tpu.vector_store %arg12[%swap3A_121], %swap3A_124 {strides = array<i32>} : memref<47616xi32, #tpu.memory_space<vmem>>, vector<16xi32>,
        %mul3A_125 = arith.constant 512 : i32
        %mul3A_126 = arith.muli %scan3A_46, %mul3A_125 : i32
        %add3A_127 = arith.constant 96 : i32
        %add3A_128 = arith.addi %mul3A_126, %add3A_127 : i32
        %add3A_129 = arith.constant -4092 : i32
        %add3A_130 = vector.broadcast %add3A_129 : i32 to vector<16xi32>
        %add3A_131 = arith.addi %mul3A_64, %add3A_130 : vector<16xi32>
        %swap3A_132 = arith.index_cast %add3A_128 : i32 to index
        %swap3A_133 = tpu.vector_load %arg12[%swap3A_132] {strides = array<i32>} : memref<47616xi32, #tpu.memory_space<vmem>>, vector<16xi32>,
        %swap3A_134 = vector.shape_cast %swap3A_133 : vector<16xi32> to vector<16xi32>
        %swap3A_135 = vector.shape_cast %add3A_131 : vector<16xi32> to vector<16xi32>
        tpu.vector_store %arg12[%swap3A_132], %swap3A_135 {strides = array<i32>} : memref<47616xi32, #tpu.memory_space<vmem>>, vector<16xi32>,
        %add3A_136 = arith.constant -4091 : i32
        %add3A_137 = vector.broadcast %add3A_136 : i32 to vector<16xi32>
        %add3A_138 = arith.addi %mul3A_64, %add3A_137 : vector<16xi32>
        %add3A_139 = arith.constant 16 : i32
        %add3A_140 = arith.addi %add3A_128, %add3A_139 : i32
        %swap3A_141 = arith.index_cast %add3A_140 : i32 to index
        %swap3A_142 = tpu.vector_load %arg12[%swap3A_141] {strides = array<i32>} : memref<47616xi32, #tpu.memory_space<vmem>>, vector<16xi32>,
        %swap3A_143 = vector.shape_cast %swap3A_142 : vector<16xi32> to vector<16xi32>
        %swap3A_144 = vector.shape_cast %add3A_138 : vector<16xi32> to vector<16xi32>
        tpu.vector_store %arg12[%swap3A_141], %swap3A_144 {strides = array<i32>} : memref<47616xi32, #tpu.memory_space<vmem>>, vector<16xi32>,
        %mul3A_145 = arith.constant 512 : i32
        %mul3A_146 = arith.muli %scan3A_46, %mul3A_145 : i32
        %add3A_147 = arith.constant 128 : i32
        %add3A_148 = arith.addi %mul3A_146, %add3A_147 : i32
        %add3A_149 = arith.constant -2 : i32
        %add3A_150 = vector.broadcast %add3A_149 : i32 to vector<16xi32>
        %add3A_151 = arith.addi %mul3A_64, %add3A_150 : vector<16xi32>
        %swap3A_152 = arith.index_cast %add3A_148 : i32 to index
        %swap3A_153 = tpu.vector_load %arg12[%swap3A_152] {strides = array<i32>} : memref<47616xi32, #tpu.memory_space<vmem>>, vector<16xi32>,
        %swap3A_154 = vector.shape_cast %swap3A_153 : vector<16xi32> to vector<16xi32>
        %swap3A_155 = vector.shape_cast %add3A_151 : vector<16xi32> to vector<16xi32>
        tpu.vector_store %arg12[%swap3A_152], %swap3A_155 {strides = array<i32>} : memref<47616xi32, #tpu.memory_space<vmem>>, vector<16xi32>,
        %add3A_156 = arith.constant -1 : i32
        %add3A_157 = vector.broadcast %add3A_156 : i32 to vector<16xi32>
        %add3A_158 = arith.addi %mul3A_64, %add3A_157 : vector<16xi32>
        %add3A_159 = arith.constant 16 : i32
        %add3A_160 = arith.addi %add3A_148, %add3A_159 : i32
        %swap3A_161 = arith.index_cast %add3A_160 : i32 to index
        %swap3A_162 = tpu.vector_load %arg12[%swap3A_161] {strides = array<i32>} : memref<47616xi32, #tpu.memory_space<vmem>>, vector<16xi32>,
        %swap3A_163 = vector.shape_cast %swap3A_162 : vector<16xi32> to vector<16xi32>
        %swap3A_164 = vector.shape_cast %add3A_158 : vector<16xi32> to vector<16xi32>
        tpu.vector_store %arg12[%swap3A_161], %swap3A_164 {strides = array<i32>} : memref<47616xi32, #tpu.memory_space<vmem>>, vector<16xi32>,
        %mul3A_165 = arith.constant 512 : i32
        %mul3A_166 = arith.muli %scan3A_46, %mul3A_165 : i32
        %add3A_167 = arith.constant 160 : i32
        %add3A_168 = arith.addi %mul3A_166, %add3A_167 : i32
        %add3A_169 = arith.constant 0 : i32
        %add3A_170 = vector.broadcast %add3A_169 : i32 to vector<16xi32>
        %add3A_171 = arith.addi %mul3A_64, %add3A_170 : vector<16xi32>
        %swap3A_172 = arith.index_cast %add3A_168 : i32 to index
        %swap3A_173 = tpu.vector_load %arg12[%swap3A_172] {strides = array<i32>} : memref<47616xi32, #tpu.memory_space<vmem>>, vector<16xi32>,
        %swap3A_174 = vector.shape_cast %swap3A_173 : vector<16xi32> to vector<16xi32>
        %swap3A_175 = vector.shape_cast %add3A_171 : vector<16xi32> to vector<16xi32>
        tpu.vector_store %arg12[%swap3A_172], %swap3A_175 {strides = array<i32>} : memref<47616xi32, #tpu.memory_space<vmem>>, vector<16xi32>,
        %add3A_176 = arith.constant 1 : i32
        %add3A_177 = vector.broadcast %add3A_176 : i32 to vector<16xi32>
        %add3A_178 = arith.addi %mul3A_64, %add3A_177 : vector<16xi32>
        %add3A_179 = arith.constant 16 : i32
        %add3A_180 = arith.addi %add3A_168, %add3A_179 : i32
        %swap3A_181 = arith.index_cast %add3A_180 : i32 to index
        %swap3A_182 = tpu.vector_load %arg12[%swap3A_181] {strides = array<i32>} : memref<47616xi32, #tpu.memory_space<vmem>>, vector<16xi32>,
        %swap3A_183 = vector.shape_cast %swap3A_182 : vector<16xi32> to vector<16xi32>
        %swap3A_184 = vector.shape_cast %add3A_178 : vector<16xi32> to vector<16xi32>
        tpu.vector_store %arg12[%swap3A_181], %swap3A_184 {strides = array<i32>} : memref<47616xi32, #tpu.memory_space<vmem>>, vector<16xi32>,
        %mul3A_185 = arith.constant 512 : i32
        %mul3A_186 = arith.muli %scan3A_46, %mul3A_185 : i32
        %add3A_187 = arith.constant 192 : i32
        %add3A_188 = arith.addi %mul3A_186, %add3A_187 : i32
        %add3A_189 = arith.constant 2 : i32
        %add3A_190 = vector.broadcast %add3A_189 : i32 to vector<16xi32>
        %add3A_191 = arith.addi %mul3A_64, %add3A_190 : vector<16xi32>
        %swap3A_192 = arith.index_cast %add3A_188 : i32 to index
        %swap3A_193 = tpu.vector_load %arg12[%swap3A_192] {strides = array<i32>} : memref<47616xi32, #tpu.memory_space<vmem>>, vector<16xi32>,
        %swap3A_194 = vector.shape_cast %swap3A_193 : vector<16xi32> to vector<16xi32>
        %swap3A_195 = vector.shape_cast %add3A_191 : vector<16xi32> to vector<16xi32>
        tpu.vector_store %arg12[%swap3A_192], %swap3A_195 {strides = array<i32>} : memref<47616xi32, #tpu.memory_space<vmem>>, vector<16xi32>,
        %add3A_196 = arith.constant 3 : i32
        %add3A_197 = vector.broadcast %add3A_196 : i32 to vector<16xi32>
        %add3A_198 = arith.addi %mul3A_64, %add3A_197 : vector<16xi32>
        %add3A_199 = arith.constant 16 : i32
        %add3A_200 = arith.addi %add3A_188, %add3A_199 : i32
        %swap3A_201 = arith.index_cast %add3A_200 : i32 to index
        %swap3A_202 = tpu.vector_load %arg12[%swap3A_201] {strides = array<i32>} : memref<47616xi32, #tpu.memory_space<vmem>>, vector<16xi32>,
        %swap3A_203 = vector.shape_cast %swap3A_202 : vector<16xi32> to vector<16xi32>
        %swap3A_204 = vector.shape_cast %add3A_198 : vector<16xi32> to vector<16xi32>
        tpu.vector_store %arg12[%swap3A_201], %swap3A_204 {strides = array<i32>} : memref<47616xi32, #tpu.memory_space<vmem>>, vector<16xi32>,
        %mul3A_205 = arith.constant 512 : i32
        %mul3A_206 = arith.muli %scan3A_46, %mul3A_205 : i32
        %add3A_207 = arith.constant 224 : i32
        %add3A_208 = arith.addi %mul3A_206, %add3A_207 : i32
        %add3A_209 = arith.constant 4 : i32
        %add3A_210 = vector.broadcast %add3A_209 : i32 to vector<16xi32>
        %add3A_211 = arith.addi %mul3A_64, %add3A_210 : vector<16xi32>
        %swap3A_212 = arith.index_cast %add3A_208 : i32 to index
        %swap3A_213 = tpu.vector_load %arg12[%swap3A_212] {strides = array<i32>} : memref<47616xi32, #tpu.memory_space<vmem>>, vector<16xi32>,
        %swap3A_214 = vector.shape_cast %swap3A_213 : vector<16xi32> to vector<16xi32>
        %swap3A_215 = vector.shape_cast %add3A_211 : vector<16xi32> to vector<16xi32>
        tpu.vector_store %arg12[%swap3A_212], %swap3A_215 {strides = array<i32>} : memref<47616xi32, #tpu.memory_space<vmem>>, vector<16xi32>,
        %add3A_216 = arith.constant 5 : i32
        %add3A_217 = vector.broadcast %add3A_216 : i32 to vector<16xi32>
        %add3A_218 = arith.addi %mul3A_64, %add3A_217 : vector<16xi32>
        %add3A_219 = arith.constant 16 : i32
        %add3A_220 = arith.addi %add3A_208, %add3A_219 : i32
        %swap3A_221 = arith.index_cast %add3A_220 : i32 to index
        %swap3A_222 = tpu.vector_load %arg12[%swap3A_221] {strides = array<i32>} : memref<47616xi32, #tpu.memory_space<vmem>>, vector<16xi32>,
        %swap3A_223 = vector.shape_cast %swap3A_222 : vector<16xi32> to vector<16xi32>
        %swap3A_224 = vector.shape_cast %add3A_218 : vector<16xi32> to vector<16xi32>
        tpu.vector_store %arg12[%swap3A_221], %swap3A_224 {strides = array<i32>} : memref<47616xi32, #tpu.memory_space<vmem>>, vector<16xi32>,
        %mul3A_225 = arith.constant 512 : i32
        %mul3A_226 = arith.muli %scan3A_46, %mul3A_225 : i32
        %add3A_227 = arith.constant 256 : i32
        %add3A_228 = arith.addi %mul3A_226, %add3A_227 : i32
        %add3A_229 = arith.constant 4094 : i32
        %add3A_230 = vector.broadcast %add3A_229 : i32 to vector<16xi32>
        %add3A_231 = arith.addi %mul3A_64, %add3A_230 : vector<16xi32>
        %swap3A_232 = arith.index_cast %add3A_228 : i32 to index
        %swap3A_233 = tpu.vector_load %arg12[%swap3A_232] {strides = array<i32>} : memref<47616xi32, #tpu.memory_space<vmem>>, vector<16xi32>,
        %swap3A_234 = vector.shape_cast %swap3A_233 : vector<16xi32> to vector<16xi32>
        %swap3A_235 = vector.shape_cast %add3A_231 : vector<16xi32> to vector<16xi32>
        tpu.vector_store %arg12[%swap3A_232], %swap3A_235 {strides = array<i32>} : memref<47616xi32, #tpu.memory_space<vmem>>, vector<16xi32>,
        %add3A_236 = arith.constant 4095 : i32
        %add3A_237 = vector.broadcast %add3A_236 : i32 to vector<16xi32>
        %add3A_238 = arith.addi %mul3A_64, %add3A_237 : vector<16xi32>
        %add3A_239 = arith.constant 16 : i32
        %add3A_240 = arith.addi %add3A_228, %add3A_239 : i32
        %swap3A_241 = arith.index_cast %add3A_240 : i32 to index
        %swap3A_242 = tpu.vector_load %arg12[%swap3A_241] {strides = array<i32>} : memref<47616xi32, #tpu.memory_space<vmem>>, vector<16xi32>,
        %swap3A_243 = vector.shape_cast %swap3A_242 : vector<16xi32> to vector<16xi32>
        %swap3A_244 = vector.shape_cast %add3A_238 : vector<16xi32> to vector<16xi32>
        tpu.vector_store %arg12[%swap3A_241], %swap3A_244 {strides = array<i32>} : memref<47616xi32, #tpu.memory_space<vmem>>, vector<16xi32>,
        %mul3A_245 = arith.constant 512 : i32
        %mul3A_246 = arith.muli %scan3A_46, %mul3A_245 : i32
        %add3A_247 = arith.constant 288 : i32
        %add3A_248 = arith.addi %mul3A_246, %add3A_247 : i32
        %add3A_249 = arith.constant 4096 : i32
        %add3A_250 = vector.broadcast %add3A_249 : i32 to vector<16xi32>
        %add3A_251 = arith.addi %mul3A_64, %add3A_250 : vector<16xi32>
        %swap3A_252 = arith.index_cast %add3A_248 : i32 to index
        %swap3A_253 = tpu.vector_load %arg12[%swap3A_252] {strides = array<i32>} : memref<47616xi32, #tpu.memory_space<vmem>>, vector<16xi32>,
        %swap3A_254 = vector.shape_cast %swap3A_253 : vector<16xi32> to vector<16xi32>
        %swap3A_255 = vector.shape_cast %add3A_251 : vector<16xi32> to vector<16xi32>
        tpu.vector_store %arg12[%swap3A_252], %swap3A_255 {strides = array<i32>} : memref<47616xi32, #tpu.memory_space<vmem>>, vector<16xi32>,
        %add3A_256 = arith.constant 4097 : i32
        %add3A_257 = vector.broadcast %add3A_256 : i32 to vector<16xi32>
        %add3A_258 = arith.addi %mul3A_64, %add3A_257 : vector<16xi32>
        %add3A_259 = arith.constant 16 : i32
        %add3A_260 = arith.addi %add3A_248, %add3A_259 : i32
        %swap3A_261 = arith.index_cast %add3A_260 : i32 to index
        %swap3A_262 = tpu.vector_load %arg12[%swap3A_261] {strides = array<i32>} : memref<47616xi32, #tpu.memory_space<vmem>>, vector<16xi32>,
        %swap3A_263 = vector.shape_cast %swap3A_262 : vector<16xi32> to vector<16xi32>
        %swap3A_264 = vector.shape_cast %add3A_258 : vector<16xi32> to vector<16xi32>
        tpu.vector_store %arg12[%swap3A_261], %swap3A_264 {strides = array<i32>} : memref<47616xi32, #tpu.memory_space<vmem>>, vector<16xi32>,
        %mul3A_265 = arith.constant 512 : i32
        %mul3A_266 = arith.muli %scan3A_46, %mul3A_265 : i32
        %add3A_267 = arith.constant 320 : i32
        %add3A_268 = arith.addi %mul3A_266, %add3A_267 : i32
        %add3A_269 = arith.constant 4098 : i32
        %add3A_270 = vector.broadcast %add3A_269 : i32 to vector<16xi32>
        %add3A_271 = arith.addi %mul3A_64, %add3A_270 : vector<16xi32>
        %swap3A_272 = arith.index_cast %add3A_268 : i32 to index
        %swap3A_273 = tpu.vector_load %arg12[%swap3A_272] {strides = array<i32>} : memref<47616xi32, #tpu.memory_space<vmem>>, vector<16xi32>,
        %swap3A_274 = vector.shape_cast %swap3A_273 : vector<16xi32> to vector<16xi32>
        %swap3A_275 = vector.shape_cast %add3A_271 : vector<16xi32> to vector<16xi32>
        tpu.vector_store %arg12[%swap3A_272], %swap3A_275 {strides = array<i32>} : memref<47616xi32, #tpu.memory_space<vmem>>, vector<16xi32>,
        %add3A_276 = arith.constant 4099 : i32
        %add3A_277 = vector.broadcast %add3A_276 : i32 to vector<16xi32>
        %add3A_278 = arith.addi %mul3A_64, %add3A_277 : vector<16xi32>
        %add3A_279 = arith.constant 16 : i32
        %add3A_280 = arith.addi %add3A_268, %add3A_279 : i32
        %swap3A_281 = arith.index_cast %add3A_280 : i32 to index
        %swap3A_282 = tpu.vector_load %arg12[%swap3A_281] {strides = array<i32>} : memref<47616xi32, #tpu.memory_space<vmem>>, vector<16xi32>,
        %swap3A_283 = vector.shape_cast %swap3A_282 : vector<16xi32> to vector<16xi32>
        %swap3A_284 = vector.shape_cast %add3A_278 : vector<16xi32> to vector<16xi32>
        tpu.vector_store %arg12[%swap3A_281], %swap3A_284 {strides = array<i32>} : memref<47616xi32, #tpu.memory_space<vmem>>, vector<16xi32>,
        %mul3A_285 = arith.constant 512 : i32
        %mul3A_286 = arith.muli %scan3A_46, %mul3A_285 : i32
        %add3A_287 = arith.constant 352 : i32
        %add3A_288 = arith.addi %mul3A_286, %add3A_287 : i32
        %add3A_289 = arith.constant 4100 : i32
        %add3A_290 = vector.broadcast %add3A_289 : i32 to vector<16xi32>
        %add3A_291 = arith.addi %mul3A_64, %add3A_290 : vector<16xi32>
        %swap3A_292 = arith.index_cast %add3A_288 : i32 to index
        %swap3A_293 = tpu.vector_load %arg12[%swap3A_292] {strides = array<i32>} : memref<47616xi32, #tpu.memory_space<vmem>>, vector<16xi32>,
        %swap3A_294 = vector.shape_cast %swap3A_293 : vector<16xi32> to vector<16xi32>
        %swap3A_295 = vector.shape_cast %add3A_291 : vector<16xi32> to vector<16xi32>
        tpu.vector_store %arg12[%swap3A_292], %swap3A_295 {strides = array<i32>} : memref<47616xi32, #tpu.memory_space<vmem>>, vector<16xi32>,
        %add3A_296 = arith.constant 4101 : i32
        %add3A_297 = vector.broadcast %add3A_296 : i32 to vector<16xi32>
        %add3A_298 = arith.addi %mul3A_64, %add3A_297 : vector<16xi32>
        %add3A_299 = arith.constant 16 : i32
        %add3A_300 = arith.addi %add3A_288, %add3A_299 : i32
        %swap3A_301 = arith.index_cast %add3A_300 : i32 to index
        %swap3A_302 = tpu.vector_load %arg12[%swap3A_301] {strides = array<i32>} : memref<47616xi32, #tpu.memory_space<vmem>>, vector<16xi32>,
        %swap3A_303 = vector.shape_cast %swap3A_302 : vector<16xi32> to vector<16xi32>
        %swap3A_304 = vector.shape_cast %add3A_298 : vector<16xi32> to vector<16xi32>
        tpu.vector_store %arg12[%swap3A_301], %swap3A_304 {strides = array<i32>} : memref<47616xi32, #tpu.memory_space<vmem>>, vector<16xi32>,
        %mul3A_305 = arith.constant 512 : i32
        %mul3A_306 = arith.muli %scan3A_46, %mul3A_305 : i32
        %add3A_307 = arith.constant 384 : i32
        %add3A_308 = arith.addi %mul3A_306, %add3A_307 : i32
        %add3A_309 = arith.constant 8190 : i32
        %add3A_310 = vector.broadcast %add3A_309 : i32 to vector<16xi32>
        %add3A_311 = arith.addi %mul3A_64, %add3A_310 : vector<16xi32>
        %swap3A_312 = arith.index_cast %add3A_308 : i32 to index
        %swap3A_313 = tpu.vector_load %arg12[%swap3A_312] {strides = array<i32>} : memref<47616xi32, #tpu.memory_space<vmem>>, vector<16xi32>,
        %swap3A_314 = vector.shape_cast %swap3A_313 : vector<16xi32> to vector<16xi32>
        %swap3A_315 = vector.shape_cast %add3A_311 : vector<16xi32> to vector<16xi32>
        tpu.vector_store %arg12[%swap3A_312], %swap3A_315 {strides = array<i32>} : memref<47616xi32, #tpu.memory_space<vmem>>, vector<16xi32>,
        %add3A_316 = arith.constant 8191 : i32
        %add3A_317 = vector.broadcast %add3A_316 : i32 to vector<16xi32>
        %add3A_318 = arith.addi %mul3A_64, %add3A_317 : vector<16xi32>
        %add3A_319 = arith.constant 16 : i32
        %add3A_320 = arith.addi %add3A_308, %add3A_319 : i32
        %swap3A_321 = arith.index_cast %add3A_320 : i32 to index
        %swap3A_322 = tpu.vector_load %arg12[%swap3A_321] {strides = array<i32>} : memref<47616xi32, #tpu.memory_space<vmem>>, vector<16xi32>,
        %swap3A_323 = vector.shape_cast %swap3A_322 : vector<16xi32> to vector<16xi32>
        %swap3A_324 = vector.shape_cast %add3A_318 : vector<16xi32> to vector<16xi32>
        tpu.vector_store %arg12[%swap3A_321], %swap3A_324 {strides = array<i32>} : memref<47616xi32, #tpu.memory_space<vmem>>, vector<16xi32>,
        %mul3A_325 = arith.constant 512 : i32
        %mul3A_326 = arith.muli %scan3A_46, %mul3A_325 : i32
        %add3A_327 = arith.constant 416 : i32
        %add3A_328 = arith.addi %mul3A_326, %add3A_327 : i32
        %add3A_329 = arith.constant 8192 : i32
        %add3A_330 = vector.broadcast %add3A_329 : i32 to vector<16xi32>
        %add3A_331 = arith.addi %mul3A_64, %add3A_330 : vector<16xi32>
        %swap3A_332 = arith.index_cast %add3A_328 : i32 to index
        %swap3A_333 = tpu.vector_load %arg12[%swap3A_332] {strides = array<i32>} : memref<47616xi32, #tpu.memory_space<vmem>>, vector<16xi32>,
        %swap3A_334 = vector.shape_cast %swap3A_333 : vector<16xi32> to vector<16xi32>
        %swap3A_335 = vector.shape_cast %add3A_331 : vector<16xi32> to vector<16xi32>
        tpu.vector_store %arg12[%swap3A_332], %swap3A_335 {strides = array<i32>} : memref<47616xi32, #tpu.memory_space<vmem>>, vector<16xi32>,
        %add3A_336 = arith.constant 8193 : i32
        %add3A_337 = vector.broadcast %add3A_336 : i32 to vector<16xi32>
        %add3A_338 = arith.addi %mul3A_64, %add3A_337 : vector<16xi32>
        %add3A_339 = arith.constant 16 : i32
        %add3A_340 = arith.addi %add3A_328, %add3A_339 : i32
        %swap3A_341 = arith.index_cast %add3A_340 : i32 to index
        %swap3A_342 = tpu.vector_load %arg12[%swap3A_341] {strides = array<i32>} : memref<47616xi32, #tpu.memory_space<vmem>>, vector<16xi32>,
        %swap3A_343 = vector.shape_cast %swap3A_342 : vector<16xi32> to vector<16xi32>
        %swap3A_344 = vector.shape_cast %add3A_338 : vector<16xi32> to vector<16xi32>
        tpu.vector_store %arg12[%swap3A_341], %swap3A_344 {strides = array<i32>} : memref<47616xi32, #tpu.memory_space<vmem>>, vector<16xi32>,
        %mul3A_345 = arith.constant 512 : i32
        %mul3A_346 = arith.muli %scan3A_46, %mul3A_345 : i32
        %add3A_347 = arith.constant 448 : i32
        %add3A_348 = arith.addi %mul3A_346, %add3A_347 : i32
        %add3A_349 = arith.constant 8194 : i32
        %add3A_350 = vector.broadcast %add3A_349 : i32 to vector<16xi32>
        %add3A_351 = arith.addi %mul3A_64, %add3A_350 : vector<16xi32>
        %swap3A_352 = arith.index_cast %add3A_348 : i32 to index
        %swap3A_353 = tpu.vector_load %arg12[%swap3A_352] {strides = array<i32>} : memref<47616xi32, #tpu.memory_space<vmem>>, vector<16xi32>,
        %swap3A_354 = vector.shape_cast %swap3A_353 : vector<16xi32> to vector<16xi32>
        %swap3A_355 = vector.shape_cast %add3A_351 : vector<16xi32> to vector<16xi32>
        tpu.vector_store %arg12[%swap3A_352], %swap3A_355 {strides = array<i32>} : memref<47616xi32, #tpu.memory_space<vmem>>, vector<16xi32>,
        %add3A_356 = arith.constant 8195 : i32
        %add3A_357 = vector.broadcast %add3A_356 : i32 to vector<16xi32>
        %add3A_358 = arith.addi %mul3A_64, %add3A_357 : vector<16xi32>
        %add3A_359 = arith.constant 16 : i32
        %add3A_360 = arith.addi %add3A_348, %add3A_359 : i32
        %swap3A_361 = arith.index_cast %add3A_360 : i32 to index
        %swap3A_362 = tpu.vector_load %arg12[%swap3A_361] {strides = array<i32>} : memref<47616xi32, #tpu.memory_space<vmem>>, vector<16xi32>,
        %swap3A_363 = vector.shape_cast %swap3A_362 : vector<16xi32> to vector<16xi32>
        %swap3A_364 = vector.shape_cast %add3A_358 : vector<16xi32> to vector<16xi32>
        tpu.vector_store %arg12[%swap3A_361], %swap3A_364 {strides = array<i32>} : memref<47616xi32, #tpu.memory_space<vmem>>, vector<16xi32>,
        %mul3A_365 = arith.constant 512 : i32
        %mul3A_366 = arith.muli %scan3A_46, %mul3A_365 : i32
        %add3A_367 = arith.constant 480 : i32
        %add3A_368 = arith.addi %mul3A_366, %add3A_367 : i32
        %add3A_369 = arith.constant 8196 : i32
        %add3A_370 = vector.broadcast %add3A_369 : i32 to vector<16xi32>
        %add3A_371 = arith.addi %mul3A_64, %add3A_370 : vector<16xi32>
        %swap3A_372 = arith.index_cast %add3A_368 : i32 to index
        %swap3A_373 = tpu.vector_load %arg12[%swap3A_372] {strides = array<i32>} : memref<47616xi32, #tpu.memory_space<vmem>>, vector<16xi32>,
        %swap3A_374 = vector.shape_cast %swap3A_373 : vector<16xi32> to vector<16xi32>
        %swap3A_375 = vector.shape_cast %add3A_371 : vector<16xi32> to vector<16xi32>
        tpu.vector_store %arg12[%swap3A_372], %swap3A_375 {strides = array<i32>} : memref<47616xi32, #tpu.memory_space<vmem>>, vector<16xi32>,
        %add3A_376 = arith.constant 8197 : i32
        %add3A_377 = vector.broadcast %add3A_376 : i32 to vector<16xi32>
        %add3A_378 = arith.addi %mul3A_64, %add3A_377 : vector<16xi32>
        %add3A_379 = arith.constant 16 : i32
        %add3A_380 = arith.addi %add3A_368, %add3A_379 : i32
        %swap3A_381 = arith.index_cast %add3A_380 : i32 to index
        %swap3A_382 = tpu.vector_load %arg12[%swap3A_381] {strides = array<i32>} : memref<47616xi32, #tpu.memory_space<vmem>>, vector<16xi32>,
        %swap3A_383 = vector.shape_cast %swap3A_382 : vector<16xi32> to vector<16xi32>
        %swap3A_384 = vector.shape_cast %add3A_378 : vector<16xi32> to vector<16xi32>
        tpu.vector_store %arg12[%swap3A_381], %swap3A_384 {strides = array<i32>} : memref<47616xi32, #tpu.memory_space<vmem>>, vector<16xi32>,
      }
      %scan3A_29 = arith.constant 4 : i32
      %dma_start3A = arith.constant 0 : i32
      %dma_start3A_30 = tpu.memref_slice %arg13[%dma_start3A] : memref<47616xf32, #tpu.memory_space<vmem>> -> memref<2048xf32, #tpu.memory_space<vmem>>
      %dma_start3A_31 = arith.constant 0 : i32
      %dma_start3A_32 = tpu.memref_slice %arg12[%dma_start3A_31] : memref<47616xi32, #tpu.memory_space<vmem>> -> memref<2048xi32, #tpu.memory_space<vmem>>
      %dma_start3A_33 = arith.constant 0 : i32
      %dma_start3A_34 = tpu.memref_slice %arg8[%dma_start3A_33] : memref<8388608xf32, #tpu.memory_space<hbm>> -> memref<8388608xf32, #tpu.memory_space<hbm>>
      tpu.enqueue_indirect_dma source(%dma_start3A_34 : memref<8388608xf32, #tpu.memory_space<hbm>>) target(%dma_start3A_30 : memref<2048xf32, #tpu.memory_space<vmem>>) offsets(%dma_start3A_32 : memref<2048xi32, #tpu.memory_space<vmem>>) semaphore(%arg15 : memref<!tpu.dma_semaphore, #tpu.memory_space<semaphore_mem>>)
      %dma_wait3A = arith.constant 0 : i32
      %dma_wait3A_35 = tpu.memref_slice %arg13[%dma_wait3A] : memref<47616xf32, #tpu.memory_space<vmem>> -> memref<2048xf32, #tpu.memory_space<vmem>>
      %dma_wait3A_36 = arith.constant 0 : i32
      %dma_wait3A_37 = tpu.memref_slice %arg12[%dma_wait3A_36] : memref<47616xi32, #tpu.memory_space<vmem>> -> memref<2048xi32, #tpu.memory_space<vmem>>
      %dma_wait3A_38 = arith.constant 0 : i32
      %dma_wait3A_39 = tpu.memref_slice %arg8[%dma_wait3A_38] : memref<8388608xf32, #tpu.memory_space<hbm>> -> memref<8388608xf32, #tpu.memory_space<hbm>>
      tpu.wait_indirect_dma semaphore(%arg15 : memref<!tpu.dma_semaphore, #tpu.memory_space<semaphore_mem>>) src(%dma_wait3A_39 : memref<8388608xf32, #tpu.memory_space<hbm>>) dst(%dma_wait3A_35 : memref<2048xf32, #tpu.memory_space<vmem>>)
      %scan3A_40 = arith.constant 0 : i32
      %scan3A_41 = arith.constant 4 : i32
      %scan3A_42 = arith.addi %scan3A_40, %scan3A_41 : i32
      %scan3A_43 = arith.constant 1 : i32
      %scan3A_44 = scf.for %scan3A_46 = %scan3A_40 to %scan3A_42 step %scan3A_43 iter_args(%scan3A_47 = %while3A_23) -> (vector<16xf32>)  : i32 {
        %mul3A_48 = arith.constant 16 : i32
        %mul3A_49 = arith.muli %scan3A_46, %mul3A_48 : i32
        %add3A_50 = arith.constant 2976 : i32
        %add3A_51 = arith.addi %add3A_50, %mul3A_49 : i32
        %get3A = arith.index_cast %add3A_51 : i32 to index
        %get3A_52 = tpu.vector_load %arg10[%get3A] {strides = array<i32>} : memref<5952xf32, #tpu.memory_space<vmem>>, vector<16xf32>,
        %get3A_53 = vector.shape_cast %get3A_52 : vector<16xf32> to vector<16xf32>
        %rem3A = arith.constant 1.000000e+00 : f32
        %rem3A_54 = vector.broadcast %rem3A : f32 to vector<16xf32>
        %rem3A_55 = arith.remf %get3A_53, %rem3A_54 : vector<16xf32>
        %mul3A_56 = arith.constant 16 : i32
        %mul3A_57 = arith.muli %scan3A_46, %mul3A_56 : i32
        %add3A_58 = arith.constant 4464 : i32
        %add3A_59 = arith.addi %add3A_58, %mul3A_57 : i32
        %get3A_60 = arith.index_cast %add3A_59 : i32 to index
        %get3A_61 = tpu.vector_load %arg10[%get3A_60] {strides = array<i32>} : memref<5952xf32, #tpu.memory_space<vmem>>, vector<16xf32>,
        %get3A_62 = vector.shape_cast %get3A_61 : vector<16xf32> to vector<16xf32>
        %rem3A_63 = arith.constant 1.000000e+00 : f32
        %rem3A_64 = vector.broadcast %rem3A_63 : f32 to vector<16xf32>
        %rem3A_65 = arith.remf %get3A_62, %rem3A_64 : vector<16xf32>
        %mul3A_66 = arith.mulf %rem3A_55, %rem3A_55 : vector<16xf32>
        %mul3A_67 = arith.mulf %mul3A_66, %rem3A_55 : vector<16xf32>
        %neg3A = arith.constant 0.000000e+00 : f32
        %neg3A_68 = vector.broadcast %neg3A : f32 to vector<16xf32>
        %neg3A_69 = arith.subf %neg3A_68, %mul3A_67 : vector<16xf32>
        %mul3A_70 = arith.constant 2.000000e+00 : f32
        %mul3A_71 = vector.broadcast %mul3A_70 : f32 to vector<16xf32>
        %mul3A_72 = arith.mulf %mul3A_71, %mul3A_66 : vector<16xf32>
        %add3A_73 = arith.addf %neg3A_69, %mul3A_72 : vector<16xf32>
        %sub3A = arith.subf %add3A_73, %rem3A_55 : vector<16xf32>
        %mul3A_74 = arith.constant 5.000000e-01 : f32
        %mul3A_75 = vector.broadcast %mul3A_74 : f32 to vector<16xf32>
        %mul3A_76 = arith.mulf %mul3A_75, %sub3A : vector<16xf32>
        %mul3A_77 = arith.constant 3.000000e+00 : f32
        %mul3A_78 = vector.broadcast %mul3A_77 : f32 to vector<16xf32>
        %mul3A_79 = arith.mulf %mul3A_78, %mul3A_67 : vector<16xf32>
        %mul3A_80 = arith.constant 5.000000e+00 : f32
        %mul3A_81 = vector.broadcast %mul3A_80 : f32 to vector<16xf32>
        %mul3A_82 = arith.mulf %mul3A_81, %mul3A_66 : vector<16xf32>
        %sub3A_83 = arith.subf %mul3A_79, %mul3A_82 : vector<16xf32>
        %add3A_84 = arith.constant 2.000000e+00 : f32
        %add3A_85 = vector.broadcast %add3A_84 : f32 to vector<16xf32>
        %add3A_86 = arith.addf %sub3A_83, %add3A_85 : vector<16xf32>
        %mul3A_87 = arith.constant 5.000000e-01 : f32
        %mul3A_88 = vector.broadcast %mul3A_87 : f32 to vector<16xf32>
        %mul3A_89 = arith.mulf %mul3A_88, %add3A_86 : vector<16xf32>
        %mul3A_90 = arith.constant -3.000000e+00 : f32
        %mul3A_91 = vector.broadcast %mul3A_90 : f32 to vector<16xf32>
        %mul3A_92 = arith.mulf %mul3A_91, %mul3A_67 : vector<16xf32>
        %mul3A_93 = arith.constant 4.000000e+00 : f32
        %mul3A_94 = vector.broadcast %mul3A_93 : f32 to vector<16xf32>
        %mul3A_95 = arith.mulf %mul3A_94, %mul3A_66 : vector<16xf32>
        %add3A_96 = arith.addf %mul3A_92, %mul3A_95 : vector<16xf32>
        %add3A_97 = arith.addf %add3A_96, %rem3A_55 : vector<16xf32>
        %mul3A_98 = arith.constant 5.000000e-01 : f32
        %mul3A_99 = vector.broadcast %mul3A_98 : f32 to vector<16xf32>
        %mul3A_100 = arith.mulf %mul3A_99, %add3A_97 : vector<16xf32>
        %sub3A_101 = arith.subf %mul3A_67, %mul3A_66 : vector<16xf32>
        %mul3A_102 = arith.constant 5.000000e-01 : f32
        %mul3A_103 = vector.broadcast %mul3A_102 : f32 to vector<16xf32>
        %mul3A_104 = arith.mulf %mul3A_103, %sub3A_101 : vector<16xf32>
        %mul3A_105 = arith.mulf %rem3A_65, %rem3A_65 : vector<16xf32>
        %mul3A_106 = arith.mulf %mul3A_105, %rem3A_65 : vector<16xf32>
        %neg3A_107 = arith.constant 0.000000e+00 : f32
        %neg3A_108 = vector.broadcast %neg3A_107 : f32 to vector<16xf32>
        %neg3A_109 = arith.subf %neg3A_108, %mul3A_106 : vector<16xf32>
        %mul3A_110 = arith.constant 2.000000e+00 : f32
        %mul3A_111 = vector.broadcast %mul3A_110 : f32 to vector<16xf32>
        %mul3A_112 = arith.mulf %mul3A_111, %mul3A_105 : vector<16xf32>
        %add3A_113 = arith.addf %neg3A_109, %mul3A_112 : vector<16xf32>
        %sub3A_114 = arith.subf %add3A_113, %rem3A_65 : vector<16xf32>
        %mul3A_115 = arith.constant 5.000000e-01 : f32
        %mul3A_116 = vector.broadcast %mul3A_115 : f32 to vector<16xf32>
        %mul3A_117 = arith.mulf %mul3A_116, %sub3A_114 : vector<16xf32>
        %mul3A_118 = arith.constant 3.000000e+00 : f32
        %mul3A_119 = vector.broadcast %mul3A_118 : f32 to vector<16xf32>
        %mul3A_120 = arith.mulf %mul3A_119, %mul3A_106 : vector<16xf32>
        %mul3A_121 = arith.constant 5.000000e+00 : f32
        %mul3A_122 = vector.broadcast %mul3A_121 : f32 to vector<16xf32>
        %mul3A_123 = arith.mulf %mul3A_122, %mul3A_105 : vector<16xf32>
        %sub3A_124 = arith.subf %mul3A_120, %mul3A_123 : vector<16xf32>
        %add3A_125 = arith.constant 2.000000e+00 : f32
        %add3A_126 = vector.broadcast %add3A_125 : f32 to vector<16xf32>
        %add3A_127 = arith.addf %sub3A_124, %add3A_126 : vector<16xf32>
        %mul3A_128 = arith.constant 5.000000e-01 : f32
        %mul3A_129 = vector.broadcast %mul3A_128 : f32 to vector<16xf32>
        %mul3A_130 = arith.mulf %mul3A_129, %add3A_127 : vector<16xf32>
        %mul3A_131 = arith.constant -3.000000e+00 : f32
        %mul3A_132 = vector.broadcast %mul3A_131 : f32 to vector<16xf32>
        %mul3A_133 = arith.mulf %mul3A_132, %mul3A_106 : vector<16xf32>
        %mul3A_134 = arith.constant 4.000000e+00 : f32
        %mul3A_135 = vector.broadcast %mul3A_134 : f32 to vector<16xf32>
        %mul3A_136 = arith.mulf %mul3A_135, %mul3A_105 : vector<16xf32>
        %add3A_137 = arith.addf %mul3A_133, %mul3A_136 : vector<16xf32>
        %add3A_138 = arith.addf %add3A_137, %rem3A_65 : vector<16xf32>
        %mul3A_139 = arith.constant 5.000000e-01 : f32
        %mul3A_140 = vector.broadcast %mul3A_139 : f32 to vector<16xf32>
        %mul3A_141 = arith.mulf %mul3A_140, %add3A_138 : vector<16xf32>
        %sub3A_142 = arith.subf %mul3A_106, %mul3A_105 : vector<16xf32>
        %mul3A_143 = arith.constant 5.000000e-01 : f32
        %mul3A_144 = vector.broadcast %mul3A_143 : f32 to vector<16xf32>
        %mul3A_145 = arith.mulf %mul3A_144, %sub3A_142 : vector<16xf32>
        %broadcast_in_dim3A_146 = arith.constant 0.000000e+00 : f32
        %broadcast_in_dim3A_147 = vector.broadcast %broadcast_in_dim3A_146 : f32 to vector<16xf32>
        %broadcast_in_dim3A_148 = arith.constant 0.000000e+00 : f32
        %broadcast_in_dim3A_149 = vector.broadcast %broadcast_in_dim3A_148 : f32 to vector<16xf32>
        %broadcast_in_dim3A_150 = arith.constant 0.000000e+00 : f32
        %broadcast_in_dim3A_151 = vector.broadcast %broadcast_in_dim3A_150 : f32 to vector<16xf32>
        %broadcast_in_dim3A_152 = arith.constant 0.000000e+00 : f32
        %broadcast_in_dim3A_153 = vector.broadcast %broadcast_in_dim3A_152 : f32 to vector<16xf32>
        %mul3A_154 = arith.constant 512 : i32
        %mul3A_155 = arith.muli %scan3A_46, %mul3A_154 : i32
        %add3A_156 = arith.constant 0 : i32
        %add3A_157 = arith.addi %mul3A_155, %add3A_156 : i32
        %get3A_158 = arith.index_cast %add3A_157 : i32 to index
        %get3A_159 = tpu.vector_load %arg13[%get3A_158] {strides = array<i32>} : memref<47616xf32, #tpu.memory_space<vmem>>, vector<16xf32>,
        %get3A_160 = vector.shape_cast %get3A_159 : vector<16xf32> to vector<16xf32>
        %mul3A_161 = arith.mulf %mul3A_117, %get3A_160 : vector<16xf32>
        %add3A_162 = arith.addf %broadcast_in_dim3A_151, %mul3A_161 : vector<16xf32>
        %add3A_163 = arith.constant 16 : i32
        %add3A_164 = arith.addi %add3A_157, %add3A_163 : i32
        %get3A_165 = arith.index_cast %add3A_164 : i32 to index
        %get3A_166 = tpu.vector_load %arg13[%get3A_165] {strides = array<i32>} : memref<47616xf32, #tpu.memory_space<vmem>>, vector<16xf32>,
        %get3A_167 = vector.shape_cast %get3A_166 : vector<16xf32> to vector<16xf32>
        %mul3A_168 = arith.mulf %mul3A_117, %get3A_167 : vector<16xf32>
        %add3A_169 = arith.addf %broadcast_in_dim3A_153, %mul3A_168 : vector<16xf32>
        %mul3A_170 = arith.constant 512 : i32
        %mul3A_171 = arith.muli %scan3A_46, %mul3A_170 : i32
        %add3A_172 = arith.constant 32 : i32
        %add3A_173 = arith.addi %mul3A_171, %add3A_172 : i32
        %get3A_174 = arith.index_cast %add3A_173 : i32 to index
        %get3A_175 = tpu.vector_load %arg13[%get3A_174] {strides = array<i32>} : memref<47616xf32, #tpu.memory_space<vmem>>, vector<16xf32>,
        %get3A_176 = vector.shape_cast %get3A_175 : vector<16xf32> to vector<16xf32>
        %mul3A_177 = arith.mulf %mul3A_130, %get3A_176 : vector<16xf32>
        %add3A_178 = arith.addf %add3A_162, %mul3A_177 : vector<16xf32>
        %add3A_179 = arith.constant 16 : i32
        %add3A_180 = arith.addi %add3A_173, %add3A_179 : i32
        %get3A_181 = arith.index_cast %add3A_180 : i32 to index
        %get3A_182 = tpu.vector_load %arg13[%get3A_181] {strides = array<i32>} : memref<47616xf32, #tpu.memory_space<vmem>>, vector<16xf32>,
        %get3A_183 = vector.shape_cast %get3A_182 : vector<16xf32> to vector<16xf32>
        %mul3A_184 = arith.mulf %mul3A_130, %get3A_183 : vector<16xf32>
        %add3A_185 = arith.addf %add3A_169, %mul3A_184 : vector<16xf32>
        %mul3A_186 = arith.constant 512 : i32
        %mul3A_187 = arith.muli %scan3A_46, %mul3A_186 : i32
        %add3A_188 = arith.constant 64 : i32
        %add3A_189 = arith.addi %mul3A_187, %add3A_188 : i32
        %get3A_190 = arith.index_cast %add3A_189 : i32 to index
        %get3A_191 = tpu.vector_load %arg13[%get3A_190] {strides = array<i32>} : memref<47616xf32, #tpu.memory_space<vmem>>, vector<16xf32>,
        %get3A_192 = vector.shape_cast %get3A_191 : vector<16xf32> to vector<16xf32>
        %mul3A_193 = arith.mulf %mul3A_141, %get3A_192 : vector<16xf32>
        %add3A_194 = arith.addf %add3A_178, %mul3A_193 : vector<16xf32>
        %add3A_195 = arith.constant 16 : i32
        %add3A_196 = arith.addi %add3A_189, %add3A_195 : i32
        %get3A_197 = arith.index_cast %add3A_196 : i32 to index
        %get3A_198 = tpu.vector_load %arg13[%get3A_197] {strides = array<i32>} : memref<47616xf32, #tpu.memory_space<vmem>>, vector<16xf32>,
        %get3A_199 = vector.shape_cast %get3A_198 : vector<16xf32> to vector<16xf32>
        %mul3A_200 = arith.mulf %mul3A_141, %get3A_199 : vector<16xf32>
        %add3A_201 = arith.addf %add3A_185, %mul3A_200 : vector<16xf32>
        %mul3A_202 = arith.constant 512 : i32
        %mul3A_203 = arith.muli %scan3A_46, %mul3A_202 : i32
        %add3A_204 = arith.constant 96 : i32
        %add3A_205 = arith.addi %mul3A_203, %add3A_204 : i32
        %get3A_206 = arith.index_cast %add3A_205 : i32 to index
        %get3A_207 = tpu.vector_load %arg13[%get3A_206] {strides = array<i32>} : memref<47616xf32, #tpu.memory_space<vmem>>, vector<16xf32>,
        %get3A_208 = vector.shape_cast %get3A_207 : vector<16xf32> to vector<16xf32>
        %mul3A_209 = arith.mulf %mul3A_145, %get3A_208 : vector<16xf32>
        %add3A_210 = arith.addf %add3A_194, %mul3A_209 : vector<16xf32>
        %add3A_211 = arith.constant 16 : i32
        %add3A_212 = arith.addi %add3A_205, %add3A_211 : i32
        %get3A_213 = arith.index_cast %add3A_212 : i32 to index
        %get3A_214 = tpu.vector_load %arg13[%get3A_213] {strides = array<i32>} : memref<47616xf32, #tpu.memory_space<vmem>>, vector<16xf32>,
        %get3A_215 = vector.shape_cast %get3A_214 : vector<16xf32> to vector<16xf32>
        %mul3A_216 = arith.mulf %mul3A_145, %get3A_215 : vector<16xf32>
        %add3A_217 = arith.addf %add3A_201, %mul3A_216 : vector<16xf32>
        %mul3A_218 = arith.mulf %mul3A_76, %add3A_210 : vector<16xf32>
        %add3A_219 = arith.addf %broadcast_in_dim3A_147, %mul3A_218 : vector<16xf32>
        %mul3A_220 = arith.mulf %mul3A_76, %add3A_217 : vector<16xf32>
        %add3A_221 = arith.addf %broadcast_in_dim3A_149, %mul3A_220 : vector<16xf32>
        %broadcast_in_dim3A_222 = arith.constant 0.000000e+00 : f32
        %broadcast_in_dim3A_223 = vector.broadcast %broadcast_in_dim3A_222 : f32 to vector<16xf32>
        %broadcast_in_dim3A_224 = arith.constant 0.000000e+00 : f32
        %broadcast_in_dim3A_225 = vector.broadcast %broadcast_in_dim3A_224 : f32 to vector<16xf32>
        %mul3A_226 = arith.constant 512 : i32
        %mul3A_227 = arith.muli %scan3A_46, %mul3A_226 : i32
        %add3A_228 = arith.constant 128 : i32
        %add3A_229 = arith.addi %mul3A_227, %add3A_228 : i32
        %get3A_230 = arith.index_cast %add3A_229 : i32 to index
        %get3A_231 = tpu.vector_load %arg13[%get3A_230] {strides = array<i32>} : memref<47616xf32, #tpu.memory_space<vmem>>, vector<16xf32>,
        %get3A_232 = vector.shape_cast %get3A_231 : vector<16xf32> to vector<16xf32>
        %mul3A_233 = arith.mulf %mul3A_117, %get3A_232 : vector<16xf32>
        %add3A_234 = arith.addf %broadcast_in_dim3A_223, %mul3A_233 : vector<16xf32>
        %add3A_235 = arith.constant 16 : i32
        %add3A_236 = arith.addi %add3A_229, %add3A_235 : i32
        %get3A_237 = arith.index_cast %add3A_236 : i32 to index
        %get3A_238 = tpu.vector_load %arg13[%get3A_237] {strides = array<i32>} : memref<47616xf32, #tpu.memory_space<vmem>>, vector<16xf32>,
        %get3A_239 = vector.shape_cast %get3A_238 : vector<16xf32> to vector<16xf32>
        %mul3A_240 = arith.mulf %mul3A_117, %get3A_239 : vector<16xf32>
        %add3A_241 = arith.addf %broadcast_in_dim3A_225, %mul3A_240 : vector<16xf32>
        %mul3A_242 = arith.constant 512 : i32
        %mul3A_243 = arith.muli %scan3A_46, %mul3A_242 : i32
        %add3A_244 = arith.constant 160 : i32
        %add3A_245 = arith.addi %mul3A_243, %add3A_244 : i32
        %get3A_246 = arith.index_cast %add3A_245 : i32 to index
        %get3A_247 = tpu.vector_load %arg13[%get3A_246] {strides = array<i32>} : memref<47616xf32, #tpu.memory_space<vmem>>, vector<16xf32>,
        %get3A_248 = vector.shape_cast %get3A_247 : vector<16xf32> to vector<16xf32>
        %mul3A_249 = arith.mulf %mul3A_130, %get3A_248 : vector<16xf32>
        %add3A_250 = arith.addf %add3A_234, %mul3A_249 : vector<16xf32>
        %add3A_251 = arith.constant 16 : i32
        %add3A_252 = arith.addi %add3A_245, %add3A_251 : i32
        %get3A_253 = arith.index_cast %add3A_252 : i32 to index
        %get3A_254 = tpu.vector_load %arg13[%get3A_253] {strides = array<i32>} : memref<47616xf32, #tpu.memory_space<vmem>>, vector<16xf32>,
        %get3A_255 = vector.shape_cast %get3A_254 : vector<16xf32> to vector<16xf32>
        %mul3A_256 = arith.mulf %mul3A_130, %get3A_255 : vector<16xf32>
        %add3A_257 = arith.addf %add3A_241, %mul3A_256 : vector<16xf32>
        %mul3A_258 = arith.constant 512 : i32
        %mul3A_259 = arith.muli %scan3A_46, %mul3A_258 : i32
        %add3A_260 = arith.constant 192 : i32
        %add3A_261 = arith.addi %mul3A_259, %add3A_260 : i32
        %get3A_262 = arith.index_cast %add3A_261 : i32 to index
        %get3A_263 = tpu.vector_load %arg13[%get3A_262] {strides = array<i32>} : memref<47616xf32, #tpu.memory_space<vmem>>, vector<16xf32>,
        %get3A_264 = vector.shape_cast %get3A_263 : vector<16xf32> to vector<16xf32>
        %mul3A_265 = arith.mulf %mul3A_141, %get3A_264 : vector<16xf32>
        %add3A_266 = arith.addf %add3A_250, %mul3A_265 : vector<16xf32>
        %add3A_267 = arith.constant 16 : i32
        %add3A_268 = arith.addi %add3A_261, %add3A_267 : i32
        %get3A_269 = arith.index_cast %add3A_268 : i32 to index
        %get3A_270 = tpu.vector_load %arg13[%get3A_269] {strides = array<i32>} : memref<47616xf32, #tpu.memory_space<vmem>>, vector<16xf32>,
        %get3A_271 = vector.shape_cast %get3A_270 : vector<16xf32> to vector<16xf32>
        %mul3A_272 = arith.mulf %mul3A_141, %get3A_271 : vector<16xf32>
        %add3A_273 = arith.addf %add3A_257, %mul3A_272 : vector<16xf32>
        %mul3A_274 = arith.constant 512 : i32
        %mul3A_275 = arith.muli %scan3A_46, %mul3A_274 : i32
        %add3A_276 = arith.constant 224 : i32
        %add3A_277 = arith.addi %mul3A_275, %add3A_276 : i32
        %get3A_278 = arith.index_cast %add3A_277 : i32 to index
        %get3A_279 = tpu.vector_load %arg13[%get3A_278] {strides = array<i32>} : memref<47616xf32, #tpu.memory_space<vmem>>, vector<16xf32>,
        %get3A_280 = vector.shape_cast %get3A_279 : vector<16xf32> to vector<16xf32>
        %mul3A_281 = arith.mulf %mul3A_145, %get3A_280 : vector<16xf32>
        %add3A_282 = arith.addf %add3A_266, %mul3A_281 : vector<16xf32>
        %add3A_283 = arith.constant 16 : i32
        %add3A_284 = arith.addi %add3A_277, %add3A_283 : i32
        %get3A_285 = arith.index_cast %add3A_284 : i32 to index
        %get3A_286 = tpu.vector_load %arg13[%get3A_285] {strides = array<i32>} : memref<47616xf32, #tpu.memory_space<vmem>>, vector<16xf32>,
        %get3A_287 = vector.shape_cast %get3A_286 : vector<16xf32> to vector<16xf32>
        %mul3A_288 = arith.mulf %mul3A_145, %get3A_287 : vector<16xf32>
        %add3A_289 = arith.addf %add3A_273, %mul3A_288 : vector<16xf32>
        %mul3A_290 = arith.mulf %mul3A_89, %add3A_282 : vector<16xf32>
        %add3A_291 = arith.addf %add3A_219, %mul3A_290 : vector<16xf32>
        %mul3A_292 = arith.mulf %mul3A_89, %add3A_289 : vector<16xf32>
        %add3A_293 = arith.addf %add3A_221, %mul3A_292 : vector<16xf32>
        %broadcast_in_dim3A_294 = arith.constant 0.000000e+00 : f32
        %broadcast_in_dim3A_295 = vector.broadcast %broadcast_in_dim3A_294 : f32 to vector<16xf32>
        %broadcast_in_dim3A_296 = arith.constant 0.000000e+00 : f32
        %broadcast_in_dim3A_297 = vector.broadcast %broadcast_in_dim3A_296 : f32 to vector<16xf32>
        %mul3A_298 = arith.constant 512 : i32
        %mul3A_299 = arith.muli %scan3A_46, %mul3A_298 : i32
        %add3A_300 = arith.constant 256 : i32
        %add3A_301 = arith.addi %mul3A_299, %add3A_300 : i32
        %get3A_302 = arith.index_cast %add3A_301 : i32 to index
        %get3A_303 = tpu.vector_load %arg13[%get3A_302] {strides = array<i32>} : memref<47616xf32, #tpu.memory_space<vmem>>, vector<16xf32>,
        %get3A_304 = vector.shape_cast %get3A_303 : vector<16xf32> to vector<16xf32>
        %mul3A_305 = arith.mulf %mul3A_117, %get3A_304 : vector<16xf32>
        %add3A_306 = arith.addf %broadcast_in_dim3A_295, %mul3A_305 : vector<16xf32>
        %add3A_307 = arith.constant 16 : i32
        %add3A_308 = arith.addi %add3A_301, %add3A_307 : i32
        %get3A_309 = arith.index_cast %add3A_308 : i32 to index
        %get3A_310 = tpu.vector_load %arg13[%get3A_309] {strides = array<i32>} : memref<47616xf32, #tpu.memory_space<vmem>>, vector<16xf32>,
        %get3A_311 = vector.shape_cast %get3A_310 : vector<16xf32> to vector<16xf32>
        %mul3A_312 = arith.mulf %mul3A_117, %get3A_311 : vector<16xf32>
        %add3A_313 = arith.addf %broadcast_in_dim3A_297, %mul3A_312 : vector<16xf32>
        %mul3A_314 = arith.constant 512 : i32
        %mul3A_315 = arith.muli %scan3A_46, %mul3A_314 : i32
        %add3A_316 = arith.constant 288 : i32
        %add3A_317 = arith.addi %mul3A_315, %add3A_316 : i32
        %get3A_318 = arith.index_cast %add3A_317 : i32 to index
        %get3A_319 = tpu.vector_load %arg13[%get3A_318] {strides = array<i32>} : memref<47616xf32, #tpu.memory_space<vmem>>, vector<16xf32>,
        %get3A_320 = vector.shape_cast %get3A_319 : vector<16xf32> to vector<16xf32>
        %mul3A_321 = arith.mulf %mul3A_130, %get3A_320 : vector<16xf32>
        %add3A_322 = arith.addf %add3A_306, %mul3A_321 : vector<16xf32>
        %add3A_323 = arith.constant 16 : i32
        %add3A_324 = arith.addi %add3A_317, %add3A_323 : i32
        %get3A_325 = arith.index_cast %add3A_324 : i32 to index
        %get3A_326 = tpu.vector_load %arg13[%get3A_325] {strides = array<i32>} : memref<47616xf32, #tpu.memory_space<vmem>>, vector<16xf32>,
        %get3A_327 = vector.shape_cast %get3A_326 : vector<16xf32> to vector<16xf32>
        %mul3A_328 = arith.mulf %mul3A_130, %get3A_327 : vector<16xf32>
        %add3A_329 = arith.addf %add3A_313, %mul3A_328 : vector<16xf32>
        %mul3A_330 = arith.constant 512 : i32
        %mul3A_331 = arith.muli %scan3A_46, %mul3A_330 : i32
        %add3A_332 = arith.constant 320 : i32
        %add3A_333 = arith.addi %mul3A_331, %add3A_332 : i32
        %get3A_334 = arith.index_cast %add3A_333 : i32 to index
        %get3A_335 = tpu.vector_load %arg13[%get3A_334] {strides = array<i32>} : memref<47616xf32, #tpu.memory_space<vmem>>, vector<16xf32>,
        %get3A_336 = vector.shape_cast %get3A_335 : vector<16xf32> to vector<16xf32>
        %mul3A_337 = arith.mulf %mul3A_141, %get3A_336 : vector<16xf32>
        %add3A_338 = arith.addf %add3A_322, %mul3A_337 : vector<16xf32>
        %add3A_339 = arith.constant 16 : i32
        %add3A_340 = arith.addi %add3A_333, %add3A_339 : i32
        %get3A_341 = arith.index_cast %add3A_340 : i32 to index
        %get3A_342 = tpu.vector_load %arg13[%get3A_341] {strides = array<i32>} : memref<47616xf32, #tpu.memory_space<vmem>>, vector<16xf32>,
        %get3A_343 = vector.shape_cast %get3A_342 : vector<16xf32> to vector<16xf32>
        %mul3A_344 = arith.mulf %mul3A_141, %get3A_343 : vector<16xf32>
        %add3A_345 = arith.addf %add3A_329, %mul3A_344 : vector<16xf32>
        %mul3A_346 = arith.constant 512 : i32
        %mul3A_347 = arith.muli %scan3A_46, %mul3A_346 : i32
        %add3A_348 = arith.constant 352 : i32
        %add3A_349 = arith.addi %mul3A_347, %add3A_348 : i32
        %get3A_350 = arith.index_cast %add3A_349 : i32 to index
        %get3A_351 = tpu.vector_load %arg13[%get3A_350] {strides = array<i32>} : memref<47616xf32, #tpu.memory_space<vmem>>, vector<16xf32>,
        %get3A_352 = vector.shape_cast %get3A_351 : vector<16xf32> to vector<16xf32>
        %mul3A_353 = arith.mulf %mul3A_145, %get3A_352 : vector<16xf32>
        %add3A_354 = arith.addf %add3A_338, %mul3A_353 : vector<16xf32>
        %add3A_355 = arith.constant 16 : i32
        %add3A_356 = arith.addi %add3A_349, %add3A_355 : i32
        %get3A_357 = arith.index_cast %add3A_356 : i32 to index
        %get3A_358 = tpu.vector_load %arg13[%get3A_357] {strides = array<i32>} : memref<47616xf32, #tpu.memory_space<vmem>>, vector<16xf32>,
        %get3A_359 = vector.shape_cast %get3A_358 : vector<16xf32> to vector<16xf32>
        %mul3A_360 = arith.mulf %mul3A_145, %get3A_359 : vector<16xf32>
        %add3A_361 = arith.addf %add3A_345, %mul3A_360 : vector<16xf32>
        %mul3A_362 = arith.mulf %mul3A_100, %add3A_354 : vector<16xf32>
        %add3A_363 = arith.addf %add3A_291, %mul3A_362 : vector<16xf32>
        %mul3A_364 = arith.mulf %mul3A_100, %add3A_361 : vector<16xf32>
        %add3A_365 = arith.addf %add3A_293, %mul3A_364 : vector<16xf32>
        %broadcast_in_dim3A_366 = arith.constant 0.000000e+00 : f32
        %broadcast_in_dim3A_367 = vector.broadcast %broadcast_in_dim3A_366 : f32 to vector<16xf32>
        %broadcast_in_dim3A_368 = arith.constant 0.000000e+00 : f32
        %broadcast_in_dim3A_369 = vector.broadcast %broadcast_in_dim3A_368 : f32 to vector<16xf32>
        %mul3A_370 = arith.constant 512 : i32
        %mul3A_371 = arith.muli %scan3A_46, %mul3A_370 : i32
        %add3A_372 = arith.constant 384 : i32
        %add3A_373 = arith.addi %mul3A_371, %add3A_372 : i32
        %get3A_374 = arith.index_cast %add3A_373 : i32 to index
        %get3A_375 = tpu.vector_load %arg13[%get3A_374] {strides = array<i32>} : memref<47616xf32, #tpu.memory_space<vmem>>, vector<16xf32>,
        %get3A_376 = vector.shape_cast %get3A_375 : vector<16xf32> to vector<16xf32>
        %mul3A_377 = arith.mulf %mul3A_117, %get3A_376 : vector<16xf32>
        %add3A_378 = arith.addf %broadcast_in_dim3A_367, %mul3A_377 : vector<16xf32>
        %add3A_379 = arith.constant 16 : i32
        %add3A_380 = arith.addi %add3A_373, %add3A_379 : i32
        %get3A_381 = arith.index_cast %add3A_380 : i32 to index
        %get3A_382 = tpu.vector_load %arg13[%get3A_381] {strides = array<i32>} : memref<47616xf32, #tpu.memory_space<vmem>>, vector<16xf32>,
        %get3A_383 = vector.shape_cast %get3A_382 : vector<16xf32> to vector<16xf32>
        %mul3A_384 = arith.mulf %mul3A_117, %get3A_383 : vector<16xf32>
        %add3A_385 = arith.addf %broadcast_in_dim3A_369, %mul3A_384 : vector<16xf32>
        %mul3A_386 = arith.constant 512 : i32
        %mul3A_387 = arith.muli %scan3A_46, %mul3A_386 : i32
        %add3A_388 = arith.constant 416 : i32
        %add3A_389 = arith.addi %mul3A_387, %add3A_388 : i32
        %get3A_390 = arith.index_cast %add3A_389 : i32 to index
        %get3A_391 = tpu.vector_load %arg13[%get3A_390] {strides = array<i32>} : memref<47616xf32, #tpu.memory_space<vmem>>, vector<16xf32>,
        %get3A_392 = vector.shape_cast %get3A_391 : vector<16xf32> to vector<16xf32>
        %mul3A_393 = arith.mulf %mul3A_130, %get3A_392 : vector<16xf32>
        %add3A_394 = arith.addf %add3A_378, %mul3A_393 : vector<16xf32>
        %add3A_395 = arith.constant 16 : i32
        %add3A_396 = arith.addi %add3A_389, %add3A_395 : i32
        %get3A_397 = arith.index_cast %add3A_396 : i32 to index
        %get3A_398 = tpu.vector_load %arg13[%get3A_397] {strides = array<i32>} : memref<47616xf32, #tpu.memory_space<vmem>>, vector<16xf32>,
        %get3A_399 = vector.shape_cast %get3A_398 : vector<16xf32> to vector<16xf32>
        %mul3A_400 = arith.mulf %mul3A_130, %get3A_399 : vector<16xf32>
        %add3A_401 = arith.addf %add3A_385, %mul3A_400 : vector<16xf32>
        %mul3A_402 = arith.constant 512 : i32
        %mul3A_403 = arith.muli %scan3A_46, %mul3A_402 : i32
        %add3A_404 = arith.constant 448 : i32
        %add3A_405 = arith.addi %mul3A_403, %add3A_404 : i32
        %get3A_406 = arith.index_cast %add3A_405 : i32 to index
        %get3A_407 = tpu.vector_load %arg13[%get3A_406] {strides = array<i32>} : memref<47616xf32, #tpu.memory_space<vmem>>, vector<16xf32>,
        %get3A_408 = vector.shape_cast %get3A_407 : vector<16xf32> to vector<16xf32>
        %mul3A_409 = arith.mulf %mul3A_141, %get3A_408 : vector<16xf32>
        %add3A_410 = arith.addf %add3A_394, %mul3A_409 : vector<16xf32>
        %add3A_411 = arith.constant 16 : i32
        %add3A_412 = arith.addi %add3A_405, %add3A_411 : i32
        %get3A_413 = arith.index_cast %add3A_412 : i32 to index
        %get3A_414 = tpu.vector_load %arg13[%get3A_413] {strides = array<i32>} : memref<47616xf32, #tpu.memory_space<vmem>>, vector<16xf32>,
        %get3A_415 = vector.shape_cast %get3A_414 : vector<16xf32> to vector<16xf32>
        %mul3A_416 = arith.mulf %mul3A_141, %get3A_415 : vector<16xf32>
        %add3A_417 = arith.addf %add3A_401, %mul3A_416 : vector<16xf32>
        %mul3A_418 = arith.constant 512 : i32
        %mul3A_419 = arith.muli %scan3A_46, %mul3A_418 : i32
        %add3A_420 = arith.constant 480 : i32
        %add3A_421 = arith.addi %mul3A_419, %add3A_420 : i32
        %get3A_422 = arith.index_cast %add3A_421 : i32 to index
        %get3A_423 = tpu.vector_load %arg13[%get3A_422] {strides = array<i32>} : memref<47616xf32, #tpu.memory_space<vmem>>, vector<16xf32>,
        %get3A_424 = vector.shape_cast %get3A_423 : vector<16xf32> to vector<16xf32>
        %mul3A_425 = arith.mulf %mul3A_145, %get3A_424 : vector<16xf32>
        %add3A_426 = arith.addf %add3A_410, %mul3A_425 : vector<16xf32>
        %add3A_427 = arith.constant 16 : i32
        %add3A_428 = arith.addi %add3A_421, %add3A_427 : i32
        %get3A_429 = arith.index_cast %add3A_428 : i32 to index
        %get3A_430 = tpu.vector_load %arg13[%get3A_429] {strides = array<i32>} : memref<47616xf32, #tpu.memory_space<vmem>>, vector<16xf32>,
        %get3A_431 = vector.shape_cast %get3A_430 : vector<16xf32> to vector<16xf32>
        %mul3A_432 = arith.mulf %mul3A_145, %get3A_431 : vector<16xf32>
        %add3A_433 = arith.addf %add3A_417, %mul3A_432 : vector<16xf32>
        %mul3A_434 = arith.mulf %mul3A_104, %add3A_426 : vector<16xf32>
        %add3A_435 = arith.addf %add3A_363, %mul3A_434 : vector<16xf32>
        %mul3A_436 = arith.mulf %mul3A_104, %add3A_433 : vector<16xf32>
        %add3A_437 = arith.addf %add3A_365, %mul3A_436 : vector<16xf32>
        %mul3A_438 = arith.constant 16 : i32
        %mul3A_439 = arith.muli %scan3A_46, %mul3A_438 : i32
        %get3A_440 = arith.index_cast %mul3A_439 : i32 to index
        %get3A_441 = tpu.vector_load %arg10[%get3A_440] {strides = array<i32>} : memref<5952xf32, #tpu.memory_space<vmem>>, vector<16xf32>,
        %get3A_442 = vector.shape_cast %get3A_441 : vector<16xf32> to vector<16xf32>
        %sub3A_443 = arith.subf %get3A_442, %add3A_435 : vector<16xf32>
        %mul3A_444 = arith.constant 16 : i32
        %mul3A_445 = arith.muli %scan3A_46, %mul3A_444 : i32
        %add3A_446 = arith.constant 1488 : i32
        %add3A_447 = arith.addi %add3A_446, %mul3A_445 : i32
        %get3A_448 = arith.index_cast %add3A_447 : i32 to index
        %get3A_449 = tpu.vector_load %arg10[%get3A_448] {strides = array<i32>} : memref<5952xf32, #tpu.memory_space<vmem>>, vector<16xf32>,
        %get3A_450 = vector.shape_cast %get3A_449 : vector<16xf32> to vector<16xf32>
        %sub3A_451 = arith.subf %get3A_450, %add3A_437 : vector<16xf32>
        %mul3A_452 = arith.mulf %sub3A_443, %sub3A_443 : vector<16xf32>
        %add3A_453 = arith.addf %scan3A_47, %mul3A_452 : vector<16xf32>
        %mul3A_454 = arith.mulf %sub3A_451, %sub3A_451 : vector<16xf32>
        %add3A_455 = arith.addf %add3A_453, %mul3A_454 : vector<16xf32>
        scf.yield %add3A_455 : vector<16xf32>
      }
      %scan3A_45 = arith.constant 4 : i32
      scf.yield %scan3A_44 : vector<16xf32>
    }
    %swap3A = arith.constant 0 : index
    %swap3A_19 = tpu.vector_load %arg14[%swap3A] {strides = array<i32>} : memref<16xf32, #tpu.memory_space<vmem>>, vector<16xf32>,
    %swap3A_20 = vector.shape_cast %swap3A_19 : vector<16xf32> to vector<16xf32>
    %swap3A_21 = vector.shape_cast %while3A_18 : vector<16xf32> to vector<16xf32>
    tpu.vector_store %arg14[%swap3A], %swap3A_21 {strides = array<i32>} : memref<16xf32, #tpu.memory_space<vmem>>, vector<16xf32>,
    "tpu.region"() ({
      %run_scoped3A = tpu.sem_alloc : memref<!tpu.dma_semaphore, #tpu.memory_space<semaphore_mem>>
      %dma_start3A = arith.constant 0 : i32
      %dma_start3A_22 = tpu.memref_slice %arg9[%add3A, %dma_start3A] : memref<32x16xf32, #tpu.memory_space<hbm>> -> memref<1x16xf32, #tpu.memory_space<hbm>>
      %dma_start3A_23 = tpu.memref_squeeze %dma_start3A_22 : memref<1x16xf32, #tpu.memory_space<hbm>> -> memref<16xf32, #tpu.memory_space<hbm>>
      %dma_start3A_24 = arith.constant 0 : i32
      %dma_start3A_25 = tpu.memref_slice %arg9[%add3A, %dma_start3A_24] : memref<32x16xf32, #tpu.memory_space<hbm>> -> memref<1x16xf32, #tpu.memory_space<hbm>>
      %dma_start3A_26 = tpu.memref_squeeze %dma_start3A_25 : memref<1x16xf32, #tpu.memory_space<hbm>> -> memref<16xf32, #tpu.memory_space<hbm>>
      tpu.enqueue_dma source(%arg14 : memref<16xf32, #tpu.memory_space<vmem>>) target(%dma_start3A_26 : memref<16xf32, #tpu.memory_space<hbm>>) target_semaphore(%run_scoped3A : memref<!tpu.dma_semaphore, #tpu.memory_space<semaphore_mem>>)
      %dma_wait3A = arith.constant 0 : i32
      %dma_wait3A_27 = tpu.memref_slice %arg9[%add3A, %dma_wait3A] : memref<32x16xf32, #tpu.memory_space<hbm>> -> memref<1x16xf32, #tpu.memory_space<hbm>>
      %dma_wait3A_28 = tpu.memref_squeeze %dma_wait3A_27 : memref<1x16xf32, #tpu.memory_space<hbm>> -> memref<16xf32, #tpu.memory_space<hbm>>
      %dma_wait3A_29 = arith.constant 0 : i32
      %dma_wait3A_30 = tpu.memref_slice %arg9[%add3A, %dma_wait3A_29] : memref<32x16xf32, #tpu.memory_space<hbm>> -> memref<1x16xf32, #tpu.memory_space<hbm>>
      %dma_wait3A_31 = tpu.memref_squeeze %dma_wait3A_30 : memref<1x16xf32, #tpu.memory_space<hbm>> -> memref<16xf32, #tpu.memory_space<hbm>>
      tpu.wait_dma2 semaphore(%run_scoped3A : memref<!tpu.dma_semaphore, #tpu.memory_space<semaphore_mem>>) src(%arg14 : memref<16xf32, #tpu.memory_space<vmem>>) dst(%dma_wait3A_31 : memref<16xf32, #tpu.memory_space<hbm>>)
      tpu.yield
    }) : () -> ()
    return
  }
}

</mosaic_0001>

<sc_bundles>
// kernel: _run.3.cloned.1.call-start
scs
__scs_entry_jumppad:
0x0: {  	(pc) =	sbr.rel $0x88, $3  }
0x1: {  	(tag) =	ssettag $0x0;
	lr =	simm.s32 $0x1  }
0x2: {  	[smem:$0x3F9A] =	sst lr;
	_ =	strace $0xD0000000  }
0x3: {  	_ = 	snop  }
0x4: {  	_ = 	snop  }
0x5: {  	_ = 	snop  }
0x6: {  	_ = 	snop  }
0x7: {  	_ = 	snop  }
__scs_overlays_trampoline_lowered:
0x8: {  	[smem:$0x3FA9] =	sst s0  }
0x9: {  	[smem:$0x3FAA] =	sst s1  }
0xa: {  	[smem:$0x3FAB] =	sst s2  }
0xb: {  	[smem:$0x3FAC] =	sst s3  }
0xc: {  	[smem:$0x3FAD] =	sst s4  }
0xd: {  	[smem:$0x3FAE] =	sst s5  }
0xe: {  	[smem:$0x3FAF] =	sst s6  }
0xf: {  	[smem:$0x3FB0] =	sst s7  }
0x10: {  	[smem:$0x3FB1] =	sst s8  }
0x11: {  	[smem:$0x3FB2] =	sst s9;
	s0 =	simm.s32 @!p0 $0x0  }
0x12: {  	s1 =	sld [smem:$0x3F98];
	s0 =	simm.s32 @p0 $0x1  }
0x13: {  	[smem:$0x3FB3] =	sst s0;
	s0 =	simm.s32 @!p1 $0x0  }
0x14: {  	s2 =	sld [smem:$0x3F97];
	s0 =	simm.s32 @p1 $0x1  }
0x15: {  	[smem:$0x3FB4] =	sst s0;
	s0 =	simm.s32 @!p2 $0x0  }
0x16: {  	s3 =	sld [smem:$0x3FDB];
	s0 =	simm.s32 @p2 $0x1  }
0x17: {  	s4 =	simm.s32 $0x1BF5;
	[smem:$0x3FB6] =	sst s0  }
0x18: {  	s0 =	sld [smem:$0x3F99];
	_ =	swait.ge [sflag:s4], $0x0  }
0x19: {  	s7 =	sld [smem:$0x3F9A]  }
0x1a: {  	s8 =	sadd.s32 $0xFFFFE003, lr  }
0x1b: {  	s9 =	sadd.s32 $0xFFFFFEF7, lr;
	s5 =	simm.s32 $0xFFFFFFFF;
	p2 =	slt.u32 s8, $0xFFFFF086  }
0x1c: {  	p1 =	slt.u32 s9, $0xF7A;
	s5 =	simm.s32 @!p2 $0x0  }
0x1d: {  	s5 =	simm.s32 @p1 $0x1;
	p0 =	seq.s32 s7, s2  }
0x1e: {  	s7 =	smul.u32 @!p0 $0xF7A, s2;
	p2 =	seq.s32 @!p0 s5, $0x0  }
0x1f: {  	s9 =	smul.u32 $0xF7A, s1;
	s8 =	simm.s32 @!p0 $0x1BF5;
	p2 =	por !p2, p0  }
0x20: {  	[sflag:s8] =	ssyncset.s32 @!p0 $0xFFFFF086;
	s6 =	sadd.s32 @!p0 s3, s7;
	s7 =	simm.s32 @!p0 $0x108  }
0x21: {  	s3 =	sadd.s32 s3, s9;
	s6 =	sadd.s32 @!p0 $0x88, s6;
	s7 =	simm.s32 @p2 $0x1082  }
0x22: {  	[simem:s7], [sflag:s8] =	dma.local @!p0 [hbm:s6], $0xF7A  }
0x23: {  	s9 =	sor.u32 $0xD0000000, s2;
	s6 =	simm.s32 $0x108;
	_ =	swait.ge @!p0 [sflag:s8], $0x0  }
0x24: {  	s3 =	sadd.s32 $0x88, s3;
	s6 =	simm.s32 @!p1 $0x1082;
	[sflag:s4] =	ssyncset.s32 $0xFFFFF086  }
0x25: {  	[simem:s6], [sflag:s4] =	dma.local [hbm:s3], $0xF7A  }
0x26: {  	[smem:$0x3F9A] =	sst s1;
	(tag) =	ssettag s2;
	_ =	strace s9  }
0x27: {  	s1 =	sld [smem:$0x3FAA]  }
0x28: {  	s2 =	sld [smem:$0x3FAB]  }
0x29: {  	s4 =	sld [smem:$0x3FAD]  }
0x2a: {  	p0 =	seq.s32 s5, $0x0;
	s5 =	sld [smem:$0x3FAE]  }
0x2b: {  	s6 =	sld [smem:$0x3FAF]  }
0x2c: {  	s7 =	sld [smem:$0x3FB0]  }
0x2d: {  	s3 =	simm.s32 $0x108;
	s8 =	sld [smem:$0x3FB1]  }
0x2e: {  	s3 =	simm.s32 @!p0 $0x1082;
	s9 =	sld [smem:$0x3FB2]  }
0x2f: {  	lr =	sadd.s32 s0, s3;
	s0 =	sld [smem:$0x3FA9]  }
0x30: {  	s3 =	sld [smem:$0x3FAC]  }
0x31: {  	[smem:$0x3FB5] =	sst s10  }
0x32: {  	s10 =	sld [smem:$0x3FB3];
	_ =	sdelay $0x3  }
0x33: {  	p0 =	seq.s32 s10, $0x1;
	s10 =	sld [smem:$0x3FB5];
	_ =	sdelay $0x3  }
0x34: {  	[smem:$0x3FB5] =	sst s10  }
0x35: {  	s10 =	sld [smem:$0x3FB4];
	_ =	sdelay $0x3  }
0x36: {  	p1 =	seq.s32 s10, $0x1;
	s10 =	sld [smem:$0x3FB5];
	_ =	sdelay $0x3  }
0x37: {  	[smem:$0x3FB5] =	sst s10  }
0x38: {  	s10 =	sld [smem:$0x3FB6]  }
0x39: {  	_ = 	snop;
	(pc) =	sbr.ind lr, $3  }
0x3a: {  	_ = 	snop  }
0x3b: {  	_ = 	snop  }
0x3c: {  	p2 =	seq.s32 s10, $0x1;
	s10 =	sld [smem:$0x3FB5]  }
0x3d: {  	_ =	shalt  }
0x3e: {  	_ =	shalt  }
0x3f: {  	_ =	shalt  }
0x40: {  	_ =	shalt  }
0x41: {  	_ =	shalt  }
0x42: {  	_ =	shalt  }
0x43: {  	_ =	shalt  }
0x44: {  	_ =	shalt  }
0x45: {  	_ =	shalt  }
0x46: {  	_ =	shalt  }
0x47: {  	_ =	shalt  }
0x48: {  	_ =	shalt  }
0x49: {  	_ =	shalt  }
0x4a: {  	_ =	shalt  }
0x4b: {  	_ =	shalt  }
0x4c: {  	_ =	shalt  }
0x4d: {  	_ =	shalt  }
0x4e: {  	_ =	shalt  }
0x4f: {  	_ =	shalt  }
0x50: {  	_ =	shalt  }
0x51: {  	_ =	shalt  }
0x52: {  	_ =	shalt  }
0x53: {  	_ =	shalt  }
0x54: {  	_ =	shalt  }
0x55: {  	_ =	shalt  }
0x56: {  	_ =	shalt  }
0x57: {  	_ =	shalt  }
0x58: {  	_ =	shalt  }
0x59: {  	_ =	shalt  }
0x5a: {  	_ =	shalt  }
0x5b: {  	_ =	shalt  }
0x5c: {  	_ =	shalt  }
0x5d: {  	_ =	shalt  }
0x5e: {  	_ =	shalt  }
0x5f: {  	_ =	shalt  }
0x60: {  	_ =	shalt  }
0x61: {  	_ =	shalt  }
0x62: {  	_ =	shalt  }
0x63: {  	_ =	shalt  }
0x64: {  	_ =	shalt  }
0x65: {  	_ =	shalt  }
0x66: {  	_ =	shalt  }
0x67: {  	_ =	shalt  }
0x68: {  	_ =	shalt  }
0x69: {  	_ =	shalt  }
0x6a: {  	_ =	shalt  }
0x6b: {  	_ =	shalt  }
0x6c: {  	_ =	shalt  }
0x6d: {  	_ =	shalt  }
0x6e: {  	_ =	shalt  }
0x6f: {  	_ =	shalt  }
0x70: {  	_ =	shalt  }
0x71: {  	_ =	shalt  }
0x72: {  	_ =	shalt  }
0x73: {  	_ =	shalt  }
0x74: {  	_ =	shalt  }
0x75: {  	_ =	shalt  }
0x76: {  	_ =	shalt  }
0x77: {  	_ =	shalt  }
0x78: {  	_ =	shalt  }
0x79: {  	_ =	shalt  }
0x7a: {  	_ =	shalt  }
0x7b: {  	_ =	shalt  }
0x7c: {  	_ =	shalt  }
0x7d: {  	_ =	shalt  }
0x7e: {  	_ =	shalt  }
0x7f: {  	_ =	shalt  }
0x80: {  	_ =	shalt  }
0x81: {  	_ =	shalt  }
0x82: {  	_ =	shalt  }
0x83: {  	_ =	shalt  }
0x84: {  	_ =	shalt  }
0x85: {  	_ =	shalt  }
0x86: {  	_ =	shalt  }
0x87: {  	_ =	shalt  }
.Lfunc_end0:
.L_simem_size_0:
called_computation_lowered:
.L_overlay_start_0:
0x88: {  	s2 =	sld [smem:$0x3FD9]  }
0x89: {  	s3 =	sld [smem:$0x3FFE];
	_ =	sdelay $0x1  }
0x8a: {  	s1 =	srdreg.scid  }
0x8b: {  	s0 =	sand.u32 $0x1, s1  }
0x8c: {  	s17 =	sshll.u32 s0, $0xA;
	s2 =	sadd.s32 s3, s2  }
0x8d: {  	s2 =	sadd.s32 s2, s17  }
0x8e: {  	[smem:$0x3FC1] =	sst s2  }
0x8f: {  	_ = 	snop  }
0x90: {  	s2 =	sld [smem:$0x3FC9]  }
0x91: {  	s18 =	sld [smem:$0x3FC8]  }
0x92: {  	s4 =	sld [smem:$0x3FC7]  }
0x93: {  	s5 =	sld [smem:$0x3FC6]  }
0x94: {  	s6 =	sld [smem:$0x3FC5]  }
0x95: {  	s7 =	sld [smem:$0x3FC4]  }
0x96: {  	s8 =	sld [smem:$0x3FC3];
	(tm) =	ssettm $0x1  }
0x97: {  	s9 =	sld [smem:$0x3FFB];
	_ =	sdelay $0x3  }
0x98: {  	_ =	strace s9  }
0x99: {  	s9 =	sld [smem:$0x3FFC];
	_ =	sdelay $0x3  }
0x9a: {  	_ =	strace s9  }
0x9b: {  	s9 =	sld [smem:$0x3FFD];
	_ =	sdelay $0x3  }
0x9c: {  	_ =	strace s9  }
0x9d: {  	_ =	strace $0x8FFFFFFF  }
0x9e: {  	s19 =	sld [smem:$0x3FDB];
	_ =	sdelay $0x1  }
0x9f: {  	s10 =	simm.s32 $_scs_section_size  }
0xa0: {  	s11 =	simm.s32 $_size__tile_overlayer_lowered;
	s12 =	simm.s32 $_tile_overlayer_lowered  }
0xa1: {  	s22 =	simm.s32 $0x1BFF;
	s21 =	sshll.u32 s12, $0x1;
	s9 =	sadd.s32 s10, s19  }
0xa2: {  	s13 =	simm.s32 $0x0;
	s20 =	sshll.u32 s11, $0x1;
	s11 =	sadd.s32 s21, s9  }
0xa3: {  	[timem:s13], [sflag:s22] =	dma.local [hbm:s11], s20  }
0xa4: {  	_ =	swait.ge [sflag:s22], s20  }
0xa5: {  	s10 =	ssub.s32 $0x0, s20;
	[sflag:s22] =	ssyncset.done $0x0  }
0xa6: {  	[sflag:s22] =	ssyncadd.s32 s10;
	_ =	sdelay $0x1  }
0xa7: {  	s23 =	simm.s32 $0x1B8B  }
0xa8: {  	_ =	swait.ge [sflag:s23], $0x1  }
0xa9: {  	[sflag:s23] =	ssyncset.done $0x0  }
0xaa: {  	s25 =	simm.s32 $0x1B8E;
	s24 =	sld [smem:$0x3FFE];
	[sflag:s23] =	ssyncadd.s32 $0xFFFFFFFF  }
0xab: {  	s26 =	simm.s32 $execute0_lowered;
	[smem:$0x3FD2] =	sst s25  }
0xac: {  	s11 =	sshll.u32 s26, $0x1;
	_ =	strace $0x80000046;
	[dreg:$0x1] =	wrdreg $0xFFFFFFFF  }
0xad: {  	s28 =	simm.s32 $_size_execute0_lowered;
	s9 =	sadd.s32 s9, s11;
	[dreg:$0x0] =	wrdreg $0x0  }
0xae: {  	s11 =	sshll.u32 s28, $0x1;
	[dreg:$0x2] =	wrdreg s9  }
0xaf: {  	[dreg:$0x3] =	wrdreg s11  }
0xb0: {  	[dreg:$0x4] =	wrdreg $0xC0  }
0xb1: {  	_ =	task [dreg:s13], $0x5FFFF  }
0xb2: {  	[dreg:$0x1] =	wrdreg $0xFFFFFFFF  }
0xb3: {  	[dreg:$0x0] =	wrdreg $0x60  }
0xb4: {  	[dreg:$0x2] =	wrdreg s2  }
0xb5: {  	[dreg:$0x3] =	wrdreg s18  }
0xb6: {  	[dreg:$0x4] =	wrdreg s4  }
0xb7: {  	[dreg:$0x5] =	wrdreg s5  }
0xb8: {  	[dreg:$0x6] =	wrdreg s6  }
0xb9: {  	[dreg:$0x7] =	wrdreg s7  }
0xba: {  	[dreg:$0x8] =	wrdreg s8  }
0xbb: {  	[dreg:$0x9] =	wrdreg s24  }
0xbc: {  	[dreg:$0xa] =	wrdreg $0x9  }
0xbd: {  	_ =	task.clear_ibuf [dreg:s13], $0xBFFFF;
	_ =	strace $0x90000046  }
0xbe: {  	s29 =	simm.s32 $0x9;
	_ =	strace $0x80000048  }
0xbf: {  	_ =	swait.ge [sflag:s29], $0x1  }
0xc0: {  	[sflag:s29] =	ssyncadd.s32 $0xFFFFFFFF  }
0xc1: {  	_ =	strace $0x90000048  }
0xc2: {  	_ =	sfence  }
0xc3: {  	s30 =	sld [smem:$0x0];
	_ =	sdelay $0x2  }
0xc4: {  	s31 =	sshll.u32 s1, $0xD;
	s1 =	sshrl.u32 s1, $0x2  }
0xc5: {  	s3 =	sand.u32 $0x4000, s31;
	s1 =	sadd.s32 s1, s30  }
0xc6: {  	s0 =	sor.u32 s3, s0;
	s1 =	sshll.u32 s1, $0x11  }
0xc7: {  	s0 =	sor.u32 s1, s0  }
0xc8: {  	s0 =	sadd.s32 $0x8F2B, s0  }
0xc9: {  	[sflag:s0] =	ssyncadd.remote.s32 $0x1  }
0xca: {  	_ =	sfence.sel $0xFFFF  }
0xcb: {  	[dreg:$0x0] =	wrdreg $0xFFFFFFFF;
	(pc) =	sbr.abs _section_cstart, $3  }
0xcc: {  	[dreg:$0x1] =	wrdreg $0xFFFFFFFF  }
0xcd: {  	_ =	task.clear_ibuf [dreg:s13], $0x2FFFF;
	_ =	strace $0x9FFFFFFF  }
0xce: {  	(tm) =	ssettm $0x7FFFFFFF  }
0xcf: {  	_ =	shalt  }
tec
execute0_lowered:
.L_overlay_start_1:
0x0: {  	(tag) =	ssettag $0x1  }
0x1: {  	s0 =	rddreg [dreg:$0x0]  }
0x2: {  	s1 =	rddreg [dreg:$0x1]  }
0x3: {  	s3 =	rddreg [dreg:$0x2]  }
0x4: {  	s4 =	rddreg [dreg:$0x3]  }
0x5: {  	s5 =	rddreg [dreg:$0x4]  }
0x6: {  	s6 =	rddreg [dreg:$0x5]  }
0x7: {  	s7 =	rddreg [dreg:$0x6]  }
0x8: {  	s2 =	rddreg [dreg:$0x7];
	s9 =	simm.s32 $0x0  }
0x9: {  	s8 =	srdreg.scid;
	[smem:$0x7FF] =	sst s9  }
0xa: {  	s11 =	stileid.u32;
	v0 =	vimm.f32 $1.000000000e+00;
	s19 =	simm.s32 $0x2;
	_ =	strace $0x80000047  }
0xb: {  	s20 =	simm.s32 $0x5D0;
	s21 =	simm.s32 $0xBA0;
	s22 =	simm.s32 $0x1170;
	(erf) = vrcp.f32 v0  }
0xc: {  	s23 =	simm.s32 $0x1780;
	s24 =	simm.s32 $0x1D50;
	s28 =	simm.s32 $0xDD80  }
0xd: {  	s29 =	simm.s32 $0x1;
	s8 =	sand.u32 $0x1, s8;
	s11 =	sshll.u32 s11, $0x1  }
0xe: {  	s26 =	sadd.s32 $0x1E840, s0;
	s30 =	sadd.s32 $0x1E840, s1;
	s13 =	sadd.s32 $0x1E840, s3  }
0xf: {  	s14 =	sadd.s32 $0x1E840, s4;
	s15 =	sadd.s32 $0x1E840, s5;
	s16 =	sadd.s32 $0x1E840, s6  }
.Ltmp0:
0x10: {  	s25 =	ssub.s32 $0x2, s8;
	[dreg:$0x9] =	wrdreg s26;
	(pc) =	sbr.rel .LBB2_1-.Ltmp0, $4  }
0x11: {  	s8 =	sor.u32 s8, s11;
	[dreg:$0xa] =	wrdreg s30;
	s26 =	simm.s32 $0x2380  }
0x12: {  	s10 =	sshrl.u32 s25, $0x1;
	s31 =	sshll.u32 s8, $0x4;
	p0 =	sne.s32 s8, $0x1F  }
0x13: {  	s9 =	ssub.s32 s25, s10;
	s10 =	smul.u32 $0x7A10, s8;
	s17 =	sadd.s32 s2, s31  }
0x14: {  	s25 =	simm.s32 $0xBA00;
	s2 =	simm.s32 $0x0;
	s18 =	smax.u32 s9, $0x1;
	v0 =	vpop (erf)  }
.LBB2_13:
0x15: {  	s2 =	sadd.s32 $0x1, s2  }
0x16: {  	p1 =	sne.s32 s2, s18  }
.Ltmp1:
0x17: {  	[tilespmem:$0x19780] =	vst v1;
	s8 =	simm.s32 $0x0;
	s9 =	simm.s32 $0x19780;
	(pc) =	sbr.rel @!p1 .LBB2_14-.Ltmp1, $4  }
0x18: {  	[hbm4b:s17+s8] =	stream.linear.scatter [tilespmem:s9], [sflag:$0x2], $0x80, $0x38;
	[tilespmem:$0x19800] =	vst v63  }
0x19: {  	_ =	swait.ge [sflag:s19], $0x80  }
0x1a: {  	[sflag:s19] =	ssyncset.done $0x0  }
0x1b: {  	[sflag:s19] =	ssyncadd.s32 $0xFFFFFF80  }
.LBB2_1:
0x1c: {  	v1 =	vimm.f32 $0.0e+00;
	s9 =	simm.s32 $0x0  }
.LBB2_2:
0x1d: {  	s8 =	smul.u32 $0x5D0, s9;
	_ =	sdelay $0x1  }
0x1e: {  	s8 =	sadd.s32 s10, s8  }
0x1f: {  	s8 =	sshrl.u32 s8, $0x3  }
0x20: {  	s30 =	simm.s32 $0x0;
	s11 =	sadd.s32 s0, s8  }
0x21: {  	[tilespmem:s30], [sflag:$0x2] =	stream.linear.gather [hbm4b:s11+s30], $0x5D0, $0x38;
	[tilespmem:$0x19800] =	vst v63  }
0x22: {  	_ =	swait.ge [sflag:s19], $0x5D0  }
0x23: {  	[sflag:s19] =	ssyncset.done $0x0  }
0x24: {  	s31 =	sadd.s32 s1, s8;
	[sflag:s19] =	ssyncadd.s32 $0xFFFFFA30  }
0x25: {  	[tilespmem:s20], [sflag:$0x2] =	stream.linear.gather [hbm4b:s31+s30], $0x5D0, $0x38;
	[tilespmem:$0x19800] =	vst v63  }
0x26: {  	_ =	swait.ge [sflag:s19], $0x5D0  }
0x27: {  	[sflag:s19] =	ssyncset.done $0x0  }
0x28: {  	s12 =	sadd.s32 s3, s8;
	[sflag:s19] =	ssyncadd.s32 $0xFFFFFA30  }
0x29: {  	[tilespmem:s21], [sflag:$0x2] =	stream.linear.gather [hbm4b:s12+s30], $0x5D0, $0x38;
	[tilespmem:$0x19800] =	vst v63  }
0x2a: {  	_ =	swait.ge [sflag:s19], $0x5D0  }
0x2b: {  	[sflag:s19] =	ssyncset.done $0x0  }
0x2c: {  	s31 =	sadd.s32 s4, s8;
	[sflag:s19] =	ssyncadd.s32 $0xFFFFFA30  }
0x2d: {  	[tilespmem:s22], [sflag:$0x2] =	stream.linear.gather [hbm4b:s31+s30], $0x5D0, $0x38;
	[tilespmem:$0x19800] =	vst v63  }
0x2e: {  	_ =	swait.ge [sflag:s19], $0x5D0  }
0x2f: {  	[sflag:s19] =	ssyncset.done $0x0  }
0x30: {  	s12 =	sadd.s32 s5, s8;
	[sflag:s19] =	ssyncadd.s32 $0xFFFFFA30  }
0x31: {  	[tilespmem:s23], [sflag:$0x2] =	stream.linear.gather [hbm4b:s12+s30], $0x5D0, $0x38;
	[tilespmem:$0x19800] =	vst v63  }
0x32: {  	_ =	swait.ge [sflag:s19], $0x5D0  }
0x33: {  	[sflag:s19] =	ssyncset.done $0x0  }
0x34: {  	s8 =	sadd.s32 s6, s8;
	[sflag:s19] =	ssyncadd.s32 $0xFFFFFA30  }
0x35: {  	[tilespmem:s24], [sflag:$0x2] =	stream.linear.gather [hbm4b:s8+s30], $0x5D0, $0x38;
	[tilespmem:$0x19800] =	vst v63  }
0x36: {  	_ =	swait.ge [sflag:s19], $0x5D0  }
0x37: {  	[sflag:s19] =	ssyncset.done $0x0  }
0x38: {  	s31 =	simm.s32 $0x0;
	[sflag:s19] =	ssyncadd.s32 $0xFFFFFA30  }
0x39: {  	v2 =	vld [tilespmem:s31+$0x1780]  }
0x3a: {  	v3 =	vld [tilespmem:s31+$0x1D50];
	_ =	sdelay $0x4  }
0x3b: {  	v2 =	vshll.u32 v2, $0xC;
	v3 =	vshll.u32 v3, $0x1  }
0x3c: {  	s8 =	simm.s32 $0x2480;
	v2 =	vadd.s32 v2, v3  }
0x3d: {  	v3 =	vadd.s32 $0xFFFFEFFE, v2;
	[tilespmem:s8+$0xFFFFFFA0] =	vst v2  }
0x3e: {  	v4 =	vadd.s32 $0xFFFFEFFF, v2;
	[tilespmem:s8+$0xFFFFFF00] =	vst v3  }
0x3f: {  	v50 =	vadd.s32 $0xFFFFF001, v2;
	[tilespmem:s8+$0xFFFFFF10] =	vst v4  }
0x40: {  	v51 =	vadd.s32 $0xFFFFF003, v2;
	[tilespmem:s8+$0xFFFFFF30] =	vst v50  }
0x41: {  	v52 =	vadd.s32 $0xFFFFF005, v2;
	[tilespmem:s8+$0xFFFFFF50] =	vst v51  }
0x42: {  	v53 =	vadd.s32 $0xFFFFFFFF, v2;
	[tilespmem:s8+$0xFFFFFF70] =	vst v52  }
0x43: {  	v54 =	vadd.s32 $0x2, v2;
	[tilespmem:s8+$0xFFFFFF90] =	vst v53  }
0x44: {  	v55 =	vadd.s32 $0x4, v2;
	[tilespmem:s8+$0xFFFFFFC0] =	vst v54  }
0x45: {  	v56 =	vadd.s32 $0xFFE, v2;
	[tilespmem:s8+$0xFFFFFFE0] =	vst v55  }
0x46: {  	v57 =	vadd.s32 $0x1000, v2;
	[tilespmem:s8+$0x0] =	vst v56  }
0x47: {  	v58 =	vadd.s32 $0x1002, v2;
	[tilespmem:s8+$0x20] =	vst v57  }
0x48: {  	v59 =	vadd.s32 $0x1004, v2;
	[tilespmem:s8+$0x40] =	vst v58  }
0x49: {  	v60 =	vadd.s32 $0x1FFE, v2;
	[tilespmem:s8+$0x60] =	vst v59  }
0x4a: {  	v61 =	vadd.s32 $0x2000, v2;
	[tilespmem:s8+$0x80] =	vst v60  }
0x4b: {  	v62 =	vadd.s32 $0x2002, v2;
	[tilespmem:s8+$0xA0] =	vst v61  }
0x4c: {  	v63 =	vadd.s32 $0x2004, v2;
	[tilespmem:s8+$0xC0] =	vst v62  }
0x4d: {  	v3 =	vadd.s32 $0xFFFFF000, v2;
	[tilespmem:s8+$0xE0] =	vst v63  }
0x4e: {  	[tilespmem:s8+$0xFFFFFF20] =	vst v3;
	v3 =	vadd.s32 $0xFFFFF002, v2  }
0x4f: {  	[tilespmem:s8+$0xFFFFFF40] =	vst v3;
	v3 =	vadd.s32 $0xFFFFF004, v2  }
0x50: {  	[tilespmem:s8+$0xFFFFFF60] =	vst v3;
	v3 =	vadd.s32 $0xFFFFFFFE, v2  }
0x51: {  	[tilespmem:s8+$0xFFFFFF80] =	vst v3;
	v3 =	vor.u32 $0x1, v2  }
0x52: {  	[tilespmem:s8+$0xFFFFFFB0] =	vst v3;
	v3 =	vadd.s32 $0x3, v2  }
0x53: {  	[tilespmem:s8+$0xFFFFFFD0] =	vst v3;
	v3 =	vadd.s32 $0x5, v2  }
0x54: {  	[tilespmem:s8+$0xFFFFFFF0] =	vst v3;
	v3 =	vadd.s32 $0xFFF, v2  }
0x55: {  	[tilespmem:s8+$0x10] =	vst v3;
	v3 =	vadd.s32 $0x1001, v2  }
0x56: {  	[tilespmem:s8+$0x30] =	vst v3;
	v3 =	vadd.s32 $0x1003, v2  }
0x57: {  	[tilespmem:s8+$0x50] =	vst v3;
	v3 =	vadd.s32 $0x1005, v2  }
0x58: {  	[tilespmem:s8+$0x70] =	vst v3;
	v3 =	vadd.s32 $0x1FFF, v2  }
0x59: {  	[tilespmem:s8+$0x90] =	vst v3;
	v3 =	vadd.s32 $0x2001, v2  }
0x5a: {  	[tilespmem:s8+$0xB0] =	vst v3;
	v3 =	vadd.s32 $0x2003, v2  }
0x5b: {  	v2 =	vadd.s32 $0x2005, v2;
	[tilespmem:s8+$0xD0] =	vst v3  }
0x5c: {  	s30 =	simm.s32 $0x10;
	[tilespmem:s8+$0xF0] =	vst v2  }
0x5d: {  	s11 =	simm.s32 $0x80;
	v2 =	vld [tilespmem:s30+$0x1780]  }
.LBB2_3:
0x5e: {  	p1 =	sne.s32 s11, $0x1700;
	v3 =	vld [tilespmem:s30+$0x1D50];
	_ =	sdelay $0x4  }
0x5f: {  	v2 =	vshll.u32 v2, $0xC;
	v3 =	vshll.u32 v3, $0x1  }
0x60: {  	s8 =	sadd.s32 $0x200, s8;
	v2 =	vadd.s32 v2, v3  }
0x61: {  	v3 =	vadd.s32 $0xFFFFEFFE, v2;
	v4 =	vadd.s32 $0xFFFFEFFF, v2;
	v5 =	vadd.s32 $0xFFFFF000, v2;
	[tilespmem:s8+$0xFFFFFFA0] =	vst v2  }
0x62: {  	v6 =	vadd.s32 $0xFFFFF002, v2;
	v7 =	vadd.s32 $0xFFFFF003, v2;
	[tilespmem:s8+$0xFFFFFF00] =	vst v3;
	v3 =	vadd.s32 $0xFFFFF001, v2  }
0x63: {  	v8 =	vadd.s32 $0xFFFFF005, v2;
	v9 =	vadd.s32 $0xFFFFFFFE, v2;
	[tilespmem:s8+$0xFFFFFF10] =	vst v4;
	v4 =	vadd.s32 $0xFFFFF004, v2  }
0x64: {  	v10 =	vor.u32 $0x1, v2;
	v11 =	vadd.s32 $0x2, v2;
	[tilespmem:s8+$0xFFFFFF20] =	vst v5;
	v5 =	vadd.s32 $0xFFFFFFFF, v2  }
0x65: {  	v12 =	vadd.s32 $0x4, v2;
	v13 =	vadd.s32 $0x5, v2;
	[tilespmem:s8+$0xFFFFFF30] =	vst v3;
	v3 =	vadd.s32 $0x3, v2  }
0x66: {  	v14 =	vadd.s32 $0xFFF, v2;
	v15 =	vadd.s32 $0x1000, v2;
	[tilespmem:s8+$0xFFFFFF40] =	vst v6;
	v6 =	vadd.s32 $0xFFE, v2  }
0x67: {  	v16 =	vadd.s32 $0x1002, v2;
	v17 =	vadd.s32 $0x1003, v2;
	[tilespmem:s8+$0xFFFFFF50] =	vst v7;
	v7 =	vadd.s32 $0x1001, v2  }
0x68: {  	v18 =	vadd.s32 $0x1005, v2;
	v19 =	vadd.s32 $0x1FFE, v2;
	[tilespmem:s8+$0xFFFFFF60] =	vst v4;
	v4 =	vadd.s32 $0x1004, v2  }
0x69: {  	v20 =	vadd.s32 $0x2000, v2;
	v21 =	vadd.s32 $0x2001, v2;
	[tilespmem:s8+$0xFFFFFF70] =	vst v8;
	v8 =	vadd.s32 $0x1FFF, v2  }
0x6a: {  	v22 =	vadd.s32 $0x2003, v2;
	v23 =	vadd.s32 $0x2004, v2;
	[tilespmem:s8+$0xFFFFFF80] =	vst v9;
	v9 =	vadd.s32 $0x2002, v2  }
0x6b: {  	v2 =	vadd.s32 $0x2005, v2;
	[tilespmem:s8+$0xFFFFFF90] =	vst v5  }
0x6c: {  	[tilespmem:s8+$0xFFFFFFB0] =	vst v10  }
0x6d: {  	[tilespmem:s8+$0xFFFFFFC0] =	vst v11  }
0x6e: {  	[tilespmem:s8+$0xFFFFFFD0] =	vst v3  }
0x6f: {  	[tilespmem:s8+$0xFFFFFFE0] =	vst v12  }
0x70: {  	[tilespmem:s8+$0xFFFFFFF0] =	vst v13  }
0x71: {  	[tilespmem:s8+$0x0] =	vst v6  }
0x72: {  	[tilespmem:s8+$0x10] =	vst v14  }
0x73: {  	[tilespmem:s8+$0x20] =	vst v15  }
0x74: {  	[tilespmem:s8+$0x30] =	vst v7  }
0x75: {  	[tilespmem:s8+$0x40] =	vst v16  }
0x76: {  	[tilespmem:s8+$0x50] =	vst v17  }
0x77: {  	[tilespmem:s8+$0x60] =	vst v4  }
0x78: {  	[tilespmem:s8+$0x70] =	vst v18  }
0x79: {  	[tilespmem:s8+$0x80] =	vst v19  }
0x7a: {  	[tilespmem:s8+$0x90] =	vst v8  }
0x7b: {  	[tilespmem:s8+$0xA0] =	vst v20  }
0x7c: {  	[tilespmem:s8+$0xB0] =	vst v21  }
.Ltmp2:
0x7d: {  	[tilespmem:s8+$0xC0] =	vst v9;
	(pc) =	sbr.rel @p1 .LBB2_3-.Ltmp2, $4  }
0x7e: {  	[tilespmem:s8+$0xD0] =	vst v22  }
0x7f: {  	[tilespmem:s8+$0xE0] =	vst v23  }
0x80: {  	s30 =	sshra.s32 s11, $0x2;
	[tilespmem:s8+$0xF0] =	vst v2  }
0x81: {  	s11 =	sadd.s32 $0x40, s11;
	v2 =	vld [tilespmem:s30+$0x1780]  }
0x82: {  	v3 =	vld [tilespmem:s30+$0x1D50];
	_ =	sdelay $0x4  }
0x83: {  	v2 =	vshll.u32 v2, $0xC;
	v3 =	vshll.u32 v3, $0x1  }
0x84: {  	s8 =	sadd.s32 $0x200, s8;
	v2 =	vadd.s32 v2, v3  }
0x85: {  	v3 =	vadd.s32 $0xFFFFEFFE, v2;
	[tilespmem:s8+$0xFFFFFFA0] =	vst v2  }
0x86: {  	v4 =	vadd.s32 $0xFFFFEFFF, v2;
	[tilespmem:s8+$0xFFFFFF00] =	vst v3  }
0x87: {  	v3 =	vadd.s32 $0xFFFFF000, v2;
	[tilespmem:s8+$0xFFFFFF10] =	vst v4  }
0x88: {  	v4 =	vadd.s32 $0xFFFFF001, v2;
	[tilespmem:s8+$0xFFFFFF20] =	vst v3  }
0x89: {  	v3 =	vadd.s32 $0xFFFFF002, v2;
	[tilespmem:s8+$0xFFFFFF30] =	vst v4  }
0x8a: {  	v4 =	vadd.s32 $0xFFFFF003, v2;
	[tilespmem:s8+$0xFFFFFF40] =	vst v3  }
0x8b: {  	v3 =	vadd.s32 $0xFFFFF004, v2;
	[tilespmem:s8+$0xFFFFFF50] =	vst v4  }
0x8c: {  	v4 =	vadd.s32 $0xFFFFF005, v2;
	[tilespmem:s8+$0xFFFFFF60] =	vst v3  }
0x8d: {  	v3 =	vadd.s32 $0xFFFFFFFE, v2;
	[tilespmem:s8+$0xFFFFFF70] =	vst v4  }
0x8e: {  	v4 =	vadd.s32 $0xFFFFFFFF, v2;
	[tilespmem:s8+$0xFFFFFF80] =	vst v3  }
0x8f: {  	v3 =	vor.u32 $0x1, v2;
	[tilespmem:s8+$0xFFFFFF90] =	vst v4  }
0x90: {  	v4 =	vadd.s32 $0x2, v2;
	[tilespmem:s8+$0xFFFFFFB0] =	vst v3  }
0x91: {  	v3 =	vadd.s32 $0x3, v2;
	[tilespmem:s8+$0xFFFFFFC0] =	vst v4  }
0x92: {  	v4 =	vadd.s32 $0x4, v2;
	[tilespmem:s8+$0xFFFFFFD0] =	vst v3  }
0x93: {  	v3 =	vadd.s32 $0x5, v2;
	[tilespmem:s8+$0xFFFFFFE0] =	vst v4  }
0x94: {  	v4 =	vadd.s32 $0xFFE, v2;
	[tilespmem:s8+$0xFFFFFFF0] =	vst v3  }
0x95: {  	v3 =	vadd.s32 $0xFFF, v2;
	[tilespmem:s8+$0x0] =	vst v4  }
0x96: {  	v4 =	vadd.s32 $0x1000, v2;
	[tilespmem:s8+$0x10] =	vst v3  }
0x97: {  	v3 =	vadd.s32 $0x1001, v2;
	[tilespmem:s8+$0x20] =	vst v4  }
0x98: {  	v4 =	vadd.s32 $0x1002, v2;
	[tilespmem:s8+$0x30] =	vst v3  }
0x99: {  	v3 =	vadd.s32 $0x1003, v2;
	[tilespmem:s8+$0x40] =	vst v4  }
0x9a: {  	v4 =	vadd.s32 $0x1004, v2;
	[tilespmem:s8+$0x50] =	vst v3  }
0x9b: {  	v3 =	vadd.s32 $0x1005, v2;
	[tilespmem:s8+$0x60] =	vst v4  }
0x9c: {  	v4 =	vadd.s32 $0x1FFE, v2;
	[tilespmem:s8+$0x70] =	vst v3  }
0x9d: {  	v3 =	vadd.s32 $0x1FFF, v2;
	[tilespmem:s8+$0x80] =	vst v4  }
0x9e: {  	v4 =	vadd.s32 $0x2000, v2;
	[tilespmem:s8+$0x90] =	vst v3  }
0x9f: {  	v3 =	vadd.s32 $0x2001, v2;
	[tilespmem:s8+$0xA0] =	vst v4  }
0xa0: {  	v4 =	vadd.s32 $0x2002, v2;
	[tilespmem:s8+$0xB0] =	vst v3  }
0xa1: {  	v3 =	vadd.s32 $0x2003, v2;
	[tilespmem:s8+$0xC0] =	vst v4  }
0xa2: {  	v4 =	vadd.s32 $0x2004, v2;
	[tilespmem:s8+$0xD0] =	vst v3  }
0xa3: {  	v2 =	vadd.s32 $0x2005, v2;
	[tilespmem:s8+$0xE0] =	vst v4  }
0xa4: {  	[tilespmem:s8+$0xF0] =	vst v2  }
0xa5: {  	[tilespmem:s28], [sflag:$0x1] =	stream.indirect.gather [hbm4b:s7+s25], $0x1, s26, s25, $0xb8;
	[tilespmem:$0x19800] =	vst v63  }
0xa6: {  	_ =	swait.ge [sflag:s29], $0xBA00  }
0xa7: {  	[sflag:s29] =	ssyncset.done $0x0  }
0xa8: {  	s30 =	simm.s32 $0x5D0;
	[sflag:s29] =	ssyncadd.s32 $0xFFFF4600  }
0xa9: {  	v2 =	vld [tilespmem:s30+$0xBA0]  }
0xaa: {  	v3 =	vld [tilespmem:s30+$0x5D0];
	_ =	sdelay $0x3  }
0xab: {  	v4 =	vand.u32 $0x7FFFFFFF, v2  }
0xac: {  	v5 =	vand.u32 $0x7FFFFFFF, v3;
	v6 =	vmul.f32 v4, v0  }
0xad: {  	v7 =	vmul.f32 v5, v0  }
0xae: {  	v6 =	vfloor.f32 v6  }
0xaf: {  	v7 =	vfloor.f32 v7;
	v4 =	vsub.f32 v4, v6  }
0xb0: {  	v5 =	vsub.f32 v5, v7  }
0xb1: {  	vm0 =	veq.f32 v4, $1.000000000e+00  }
0xb2: {  	vm13 =	veq.f32 v5, $1.000000000e+00;
	v4 =	vsel vm0, $0x0, v4  }
0xb3: {  	s12 =	simm.s32 $0xDE80;
	v2 =	vand.u32 $0x80000000, v2;
	v5 =	vsel vm13, $0x0, v5;
	v4 =	vand.u32 $0x7FFFFFFF, v4  }
0xb4: {  	v9 =	vld [tilespmem:s12+$0x90];
	v3 =	vand.u32 $0x80000000, v3;
	v5 =	vand.u32 $0x7FFFFFFF, v5;
	v2 =	vor.u32 v2, v4  }
0xb5: {  	v10 =	vld [tilespmem:s12+$0x30];
	v3 =	vor.u32 v3, v5;
	v5 =	vmul.f32 v2, v2  }
0xb6: {  	v12 =	vld [tilespmem:s12+$0x40];
	v11 =	vmul.f32 v3, v3  }
0xb7: {  	v13 =	vld [tilespmem:s12+$0xFFFFFFB0];
	v8 =	vmul.f32 v5, v2  }
0xb8: {  	v17 =	vld [tilespmem:s12+$0xFFFFFF70];
	v14 =	vmul.f32 v11, v3;
	v15 =	vmul.f32 $4.000000000e+00, v11  }
0xb9: {  	v21 =	vld [tilespmem:s12+$0xFFFFFFD0];
	v16 =	vadd.f32 v5, v5;
	v18 =	vmul.f32 $5.000000000e+00, v5;
	v19 =	vadd.f32 v11, v11  }
0xba: {  	v25 =	vld [tilespmem:s12+$0xFFFFFFF0];
	v22 =	vmul.f32 $4.000000000e+00, v5;
	v20 =	vsub.f32 $0.0e+00, v8;
	v24 =	vmul.f32 $3.000000000e+00, v8  }
0xbb: {  	v27 =	vld [tilespmem:s12+$0xFFFFFF30];
	v23 =	vsub.f32 $0.0e+00, v14;
	v26 =	vmul.f32 $3.000000000e+00, v14;
	v5 =	vsub.f32 v8, v5  }
0xbc: {  	v29 =	vld [tilespmem:s12+$0xFFFFFF50];
	v16 =	vadd.f32 v20, v16;
	v22 =	vsub.f32 v22, v24  }
0xbd: {  	v30 =	vld [tilespmem:s12+$0x50];
	v18 =	vsub.f32 v24, v18;
	v15 =	vsub.f32 v15, v26;
	v8 =	vmul.f32 $5.000000000e-01, v5  }
0xbe: {  	v20 =	vld [tilespmem:s12+$0xFFFFFF00];
	v19 =	vadd.f32 v23, v19;
	v23 =	vmul.f32 $5.000000000e+00, v11;
	v11 =	vsub.f32 v14, v11  }
0xbf: {  	v24 =	vld [tilespmem:s12+$0xFFFFFF10];
	v5 =	vsub.f32 v16, v2;
	v18 =	vadd.f32 $2.000000000e+00, v18  }
0xc0: {  	v32 =	vld [tilespmem:s12+$0x20];
	v17 =	vmul.f32 v8, v17;
	v2 =	vadd.f32 v22, v2;
	v25 =	vmul.f32 v25, v8  }
0xc1: {  	v7 =	vld [tilespmem:s12+$0xB0];
	v15 =	vadd.f32 v15, v3;
	v3 =	vsub.f32 v19, v3;
	v11 =	vmul.f32 $5.000000000e-01, v11  }
0xc2: {  	v4 =	vld [tilespmem:s12+$0xFFFFFF80];
	v28 =	vmul.f32 $5.000000000e-01, v5;
	v18 =	vmul.f32 $5.000000000e-01, v18  }
0xc3: {  	v16 =	vld [tilespmem:s12+$0xFFFFFF20];
	v5 =	vmul.f32 $5.000000000e-01, v2;
	v31 =	vmul.f32 $5.000000000e-01, v3  }
0xc4: {  	v22 =	vld [tilespmem:s12+$0xFFFFFF90];
	v2 =	vmul.f32 v28, v20;
	v19 =	vmul.f32 v28, v24  }
0xc5: {  	v23 =	vsub.f32 v26, v23;
	v26 =	vld [tilespmem:s12+$0x0];
	v21 =	vmul.f32 v21, v5;
	v27 =	vmul.f32 v18, v27  }
0xc6: {  	v20 =	vld [tilespmem:s12+$0x10];
	v13 =	vmul.f32 v18, v13;
	v12 =	vmul.f32 v12, v5  }
0xc7: {  	v33 =	vld [tilespmem:s12+$0xC0];
	v23 =	vadd.f32 $2.000000000e+00, v23;
	v10 =	vmul.f32 v10, v18;
	v4 =	vmul.f32 v28, v4  }
0xc8: {  	v24 =	vld [tilespmem:s12+$0xFFFFFF40];
	v9 =	vmul.f32 v9, v28;
	v16 =	vmul.f32 v18, v16;
	v2 =	vadd.f32 $0.0e+00, v2  }
0xc9: {  	v6 =	vld [tilespmem:s12+$0xA0];
	v29 =	vmul.f32 v5, v29;
	v7 =	vmul.f32 v7, v18;
	v19 =	vadd.f32 $0.0e+00, v19  }
0xca: {  	v9 =	vadd.f32 $0.0e+00, v9;
	v3 =	vadd.f32 v2, v16;
	v2 =	vmul.f32 v28, v22;
	v16 =	vld [tilespmem:s12+$0x80]  }
0xcb: {  	v4 =	vadd.f32 $0.0e+00, v4;
	v22 =	vmul.f32 v26, v28;
	v26 =	vld [tilespmem:s12+$0xFFFFFFA0];
	v20 =	vmul.f32 v20, v28  }
0xcc: {  	v14 =	vmul.f32 v30, v5;
	v19 =	vadd.f32 v19, v27;
	v27 =	vld [tilespmem:s12+$0x70];
	v7 =	vadd.f32 v7, v9  }
0xcd: {  	v30 =	vld [tilespmem:s12+$0xD0];
	v24 =	vmul.f32 v5, v24;
	v2 =	vadd.f32 $0.0e+00, v2;
	v20 =	vadd.f32 $0.0e+00, v20  }
0xce: {  	v22 =	vadd.f32 $0.0e+00, v22;
	v19 =	vadd.f32 v19, v29;
	v29 =	vmul.f32 $5.000000000e-01, v15;
	v15 =	vld [tilespmem:s12+$0x60]  }
0xcf: {  	v6 =	vmul.f32 v6, v18;
	v3 =	vadd.f32 v3, v24;
	v10 =	vadd.f32 v10, v20;
	v20 =	vld [tilespmem:s12+$0xE0]  }
0xd0: {  	v2 =	vadd.f32 v2, v13;
	v16 =	vmul.f32 v16, v28;
	v26 =	vmul.f32 v18, v26  }
0xd1: {  	v17 =	vadd.f32 v19, v17;
	v13 =	vmul.f32 v27, v8;
	v18 =	vmul.f32 v32, v18  }
0xd2: {  	s31 =	simm.s32 $0x5E0;
	v28 =	vld [tilespmem:s12+$0xF0];
	v27 =	vmul.f32 v33, v5;
	v2 =	vadd.f32 v2, v21;
	v21 =	vadd.f32 v4, v26  }
0xd3: {  	v4 =	vmul.f32 v30, v5;
	v26 =	vld [tilespmem:s31+$0x5D0];
	v18 =	vadd.f32 v18, v22;
	v10 =	vadd.f32 v14, v10  }
0xd4: {  	v14 =	vadd.f32 $0.0e+00, v16;
	v16 =	vmul.f32 v15, v8;
	v9 =	vmul.f32 v20, v8;
	v20 =	vld [tilespmem:s31+$0xBA0]  }
0xd5: {  	v15 =	vmul.f32 $5.000000000e-01, v23;
	v2 =	vadd.f32 v25, v2;
	v4 =	vadd.f32 v4, v7  }
0xd6: {  	v7 =	vmul.f32 v17, v31;
	v12 =	vadd.f32 v12, v18;
	v10 =	vadd.f32 v13, v10  }
0xd7: {  	v6 =	vadd.f32 v6, v14;
	v19 =	vmul.f32 v28, v8;
	v2 =	vmul.f32 v2, v15  }
0xd8: {  	v17 =	vld [tilespmem:s12+$0xFFFFFF60];
	v12 =	vadd.f32 v16, v12;
	v7 =	vadd.f32 $0.0e+00, v7;
	v13 =	vand.u32 $0x7FFFFFFF, v26  }
0xd9: {  	v10 =	vmul.f32 v10, v29;
	v14 =	vmul.f32 v13, v0;
	v18 =	vand.u32 $0x7FFFFFFF, v20  }
0xda: {  	v6 =	vadd.f32 v27, v6;
	v4 =	vadd.f32 v19, v4;
	v16 =	vmul.f32 v18, v0  }
0xdb: {  	v7 =	vadd.f32 v7, v2;
	v2 =	vmul.f32 v12, v29;
	v14 =	vfloor.f32 v14  }
0xdc: {  	v6 =	vadd.f32 v9, v6;
	v13 =	vsub.f32 v13, v14;
	v16 =	vfloor.f32 v16  }
0xdd: {  	s8 =	simm.s32 $0xE080;
	v4 =	vmul.f32 v4, v11;
	v12 =	vmul.f32 v8, v17;
	v16 =	vsub.f32 v18, v16  }
0xde: {  	v54 =	vld [tilespmem:s8+$0xFFFFFFB0];
	v7 =	vadd.f32 v10, v7;
	v6 =	vmul.f32 v6, v11;
	vm14 =	veq.f32 v13, $1.000000000e+00  }
0xdf: {  	v17 =	vld [tilespmem:s30+$0x0];
	v14 =	vand.u32 $0x80000000, v26;
	v13 =	vsel vm14, $0x0, v13;
	vm15 =	veq.f32 v16, $1.000000000e+00  }
0xe0: {  	v35 =	vld [tilespmem:s8+$0xFFFFFF70];
	v12 =	vadd.f32 v3, v12;
	v10 =	vand.u32 $0x7FFFFFFF, v13;
	v13 =	vsel vm15, $0x0, v16  }
0xe1: {  	v37 =	vld [tilespmem:s8+$0xFFFFFFD0];
	v14 =	vor.u32 v14, v10;
	v16 =	vand.u32 $0x80000000, v20;
	v10 =	vand.u32 $0x7FFFFFFF, v13  }
0xe2: {  	v56 =	vld [tilespmem:s8+$0xFFFFFF00];
	v4 =	vadd.f32 v4, v7;
	v7 =	vor.u32 v16, v10;
	v16 =	vmul.f32 v14, v14  }
0xe3: {  	v57 =	vld [tilespmem:s8+$0xFFFFFF20];
	v12 =	vmul.f32 v12, v31;
	v10 =	vmul.f32 v7, v7  }
0xe4: {  	v58 =	vld [tilespmem:s8+$0xFFFFFF30];
	v3 =	vsub.f32 v17, v4;
	v17 =	vmul.f32 v16, v14;
	v4 =	vmul.f32 $4.000000000e+00, v16  }
0xe5: {  	v59 =	vld [tilespmem:s8+$0xFFFFFF40];
	v29 =	vadd.f32 v16, v16;
	v9 =	vmul.f32 v10, v7;
	v13 =	vadd.f32 v10, v10  }
0xe6: {  	v61 =	vld [tilespmem:s8+$0xFFFFFF50];
	v19 =	vmul.f32 $5.000000000e+00, v10;
	v31 =	vsub.f32 $0.0e+00, v17;
	v36 =	vmul.f32 $3.000000000e+00, v17  }
0xe7: {  	v25 =	vld [tilespmem:s12+$0xFFFFFFE0];
	v30 =	vmul.f32 $4.000000000e+00, v10;
	v55 =	vsub.f32 $0.0e+00, v9;
	v10 =	vsub.f32 v9, v10  }
0xe8: {  	v18 =	vld [tilespmem:s12+$0xFFFFFFC0];
	v34 =	vmul.f32 $3.000000000e+00, v9;
	v9 =	vadd.f32 $0.0e+00, v12;
	v11 =	vsub.f32 v4, v36  }
0xe9: {  	v41 =	vld [tilespmem:s8+$0xFFFFFFA0];
	v29 =	vadd.f32 v31, v29;
	v12 =	vadd.f32 v55, v13  }
0xea: {  	v24 =	vld [tilespmem:s8+$0xFFFFFF80];
	v13 =	vsub.f32 v30, v34;
	v19 =	vsub.f32 v34, v19  }
0xeb: {  	v30 =	vld [tilespmem:s8+$0xFFFFFFF0];
	v4 =	vmul.f32 $5.000000000e-01, v10;
	v10 =	vmul.f32 $5.000000000e+00, v16;
	v38 =	vadd.f32 v11, v14  }
0xec: {  	v8 =	vmul.f32 v25, v8;
	v31 =	vld [tilespmem:s8+$0xFFFFFF10];
	v12 =	vsub.f32 v12, v7;
	v19 =	vadd.f32 $2.000000000e+00, v19  }
0xed: {  	v23 =	vld [tilespmem:s8+$0x90];
	v18 =	vmul.f32 v18, v5;
	v5 =	vsub.f32 v36, v10;
	v7 =	vadd.f32 v13, v7  }
0xee: {  	v11 =	vsub.f32 v29, v14;
	v29 =	vld [tilespmem:s8+$0x10];
	v35 =	vmul.f32 v4, v35;
	v12 =	vmul.f32 $5.000000000e-01, v12  }
0xef: {  	v26 =	vld [tilespmem:s8+$0x30];
	v39 =	vmul.f32 $5.000000000e-01, v19;
	v13 =	vadd.f32 $2.000000000e+00, v5;
	v5 =	vmul.f32 $5.000000000e-01, v7  }
0xf0: {  	v27 =	vld [tilespmem:s8+$0x40];
	v10 =	vmul.f32 v30, v4;
	v7 =	vmul.f32 v12, v56  }
0xf1: {  	v20 =	vld [tilespmem:s8+$0xA0];
	v14 =	vmul.f32 v12, v31;
	v31 =	vmul.f32 v39, v57  }
0xf2: {  	v18 =	vadd.f32 v21, v18;
	v19 =	vld [tilespmem:s8+$0xFFFFFF90];
	v60 =	vmul.f32 v37, v5;
	v36 =	vmul.f32 v39, v58  }
0xf3: {  	v30 =	vld [tilespmem:s8+$0x0];
	v32 =	vmul.f32 v39, v54;
	v29 =	vmul.f32 v29, v12  }
0xf4: {  	v28 =	vld [tilespmem:s8+$0xC0];
	v8 =	vadd.f32 v18, v8;
	v26 =	vmul.f32 v26, v39;
	v62 =	vmul.f32 v12, v24  }
0xf5: {  	v42 =	vld [tilespmem:s8+$0x20];
	v37 =	vmul.f32 v5, v61;
	v43 =	vmul.f32 v23, v12;
	v21 =	vadd.f32 $0.0e+00, v7  }
0xf6: {  	v22 =	vld [tilespmem:s8+$0xB0];
	v23 =	vsub.f32 v17, v16;
	v20 =	vmul.f32 v20, v39;
	v14 =	vadd.f32 $0.0e+00, v14  }
0xf7: {  	v7 =	vmul.f32 $5.000000000e-01, v11;
	v11 =	vadd.f32 v21, v31;
	v21 =	vmul.f32 v12, v19;
	v31 =	vld [tilespmem:s8+$0x50]  }
0xf8: {  	v29 =	vadd.f32 $0.0e+00, v29;
	v30 =	vmul.f32 v30, v12;
	v19 =	vmul.f32 v27, v5;
	v27 =	vld [tilespmem:s8+$0x80]  }
0xf9: {  	v44 =	vld [tilespmem:s8+$0xD0];
	v16 =	vmul.f32 v28, v5;
	v33 =	vadd.f32 $0.0e+00, v62;
	v36 =	vadd.f32 v14, v36  }
0xfa: {  	v17 =	vmul.f32 $5.000000000e-01, v38;
	v40 =	vadd.f32 $0.0e+00, v21;
	v21 =	vadd.f32 $0.0e+00, v30;
	v30 =	vld [tilespmem:s8+$0x70]  }
0xfb: {  	v63 =	vld [tilespmem:s8+$0xE0];
	v18 =	vadd.f32 $0.0e+00, v43;
	v14 =	vmul.f32 v5, v59;
	v26 =	vadd.f32 v26, v29  }
0xfc: {  	v28 =	vld [tilespmem:s8+$0xF0];
	v36 =	vadd.f32 v36, v37;
	v24 =	vmul.f32 v31, v5;
	v31 =	vmul.f32 v22, v39  }
0xfd: {  	v25 =	vadd.f32 v40, v32;
	v22 =	vmul.f32 v27, v12;
	v12 =	vmul.f32 v39, v41  }
0xfe: {  	v29 =	vmul.f32 v42, v39;
	v32 =	vmul.f32 v8, v15;
	v8 =	vadd.f32 v36, v35  }
0xff: {  	v15 =	vld [tilespmem:s8+$0x60];
	v25 =	vadd.f32 v25, v60;
	v27 =	vmul.f32 v30, v4;
	v12 =	vadd.f32 v33, v12  }
0x100: {  	s11 =	simm.s32 $0x17C0;
	v30 =	vmul.f32 v44, v5;
	v31 =	vadd.f32 v31, v18;
	v18 =	vmul.f32 v63, v4  }
.LBB2_5:
0x101: {  	s12 =	sshra.s32 s11, $0x2;
	p1 =	sne.s32 s11, $0x2E40;
	s11 =	sadd.s32 $0x40, s11;
	v21 =	vadd.f32 v29, v21;
	v28 =	vmul.f32 v28, v4;
	v9 =	vadd.f32 v9, v32  }
0x102: {  	v23 =	vmul.f32 $5.000000000e-01, v23;
	v24 =	vadd.f32 v24, v26;
	v29 =	vld [tilespmem:s12+$0x5D0];
	v26 =	vadd.f32 v30, v31  }
0x103: {  	v31 =	vmul.f32 v8, v7;
	v30 =	vld [tilespmem:s12+$0xBA0];
	v19 =	vadd.f32 v19, v21;
	v21 =	vadd.f32 $0.0e+00, v22  }
0x104: {  	v22 =	vadd.f32 v27, v24;
	v15 =	vmul.f32 v15, v4;
	v24 =	vadd.f32 v28, v26  }
0x105: {  	v8 =	vmul.f32 $5.000000000e-01, v13;
	v2 =	vadd.f32 v2, v9;
	v13 =	vadd.f32 v20, v21;
	v9 =	vld [tilespmem:s30+$0xFFFFFA30];
	s30 =	smov.u32 s31;
	s31 =	smov.u32 s12  }
0x106: {  	v10 =	vadd.f32 v10, v25;
	v15 =	vadd.f32 v15, v19;
	v19 =	vmul.f32 v24, v23  }
0x107: {  	v22 =	vmul.f32 v22, v17;
	v20 =	vand.u32 $0x7FFFFFFF, v29;
	v21 =	vand.u32 $0x80000000, v29;
	v24 =	vld [tilespmem:s8+$0xFFFFFF60]  }
0x108: {  	v6 =	vadd.f32 v6, v2;
	v25 =	vmul.f32 v20, v0;
	v26 =	vand.u32 $0x7FFFFFFF, v30  }
0x109: {  	v28 =	vadd.f32 $0.0e+00, v31;
	v10 =	vmul.f32 v10, v8;
	v27 =	vmul.f32 v26, v0  }
0x10a: {  	v2 =	vmul.f32 v15, v17;
	v25 =	vfloor.f32 v25;
	v6 =	vsub.f32 v9, v6  }
0x10b: {  	v10 =	vadd.f32 v28, v10;
	v9 =	vsub.f32 v20, v25;
	v15 =	vfloor.f32 v27  }
0x10c: {  	v17 =	vsub.f32 v26, v15;
	v20 =	vmul.f32 v4, v24;
	v15 =	vld [tilespmem:s8+$0xFFFFFFE0];
	v6 =	vmul.f32 v6, v6  }
0x10d: {  	v3 =	vmul.f32 v3, v3;
	v10 =	vadd.f32 v22, v10;
	vm0 =	veq.f32 v9, $1.000000000e+00;
	v24 =	vld [tilespmem:s8+$0xFFFFFFC0]  }
0x10e: {  	s8 =	sadd.s32 $0x200, s8;
	v9 =	vsel vm0, $0x0, v9;
	vm0 =	veq.f32 v17, $1.000000000e+00;
	v22 =	vld [tilespmem:s30+$0x0];
	v1 =	vadd.f32 v6, v1  }
0x10f: {  	v25 =	vand.u32 $0x80000000, v30;
	v6 =	vand.u32 $0x7FFFFFFF, v9;
	v9 =	vsel vm0, $0x0, v17;
	v17 =	vld [tilespmem:s8+$0xC0]  }
0x110: {  	v21 =	vor.u32 v21, v6;
	v6 =	vand.u32 $0x7FFFFFFF, v9;
	v27 =	vld [tilespmem:s8+$0xA0];
	v1 =	vadd.f32 v3, v1  }
0x111: {  	v3 =	vadd.f32 v11, v14;
	v25 =	vor.u32 v25, v6;
	v26 =	vld [tilespmem:s8+$0xB0];
	v6 =	vadd.f32 v19, v10  }
0x112: {  	v28 =	vmul.f32 v21, v21;
	v10 =	vadd.f32 v16, v13;
	v9 =	vmul.f32 v25, v25;
	v29 =	vld [tilespmem:s8+$0x90]  }
0x113: {  	v11 =	vadd.f32 v3, v20;
	v16 =	vld [tilespmem:s8+$0xFFFFFF80];
	v3 =	vsub.f32 v22, v6  }
0x114: {  	v20 =	vmul.f32 v28, v21;
	v13 =	vmul.f32 $4.000000000e+00, v28;
	v6 =	vadd.f32 v18, v10;
	v14 =	vld [tilespmem:s8+$0x30]  }
0x115: {  	v10 =	vmul.f32 v9, v25;
	v18 =	vadd.f32 v9, v9;
	v19 =	vmul.f32 $5.000000000e+00, v9;
	v22 =	vld [tilespmem:s8+$0x40]  }
0x116: {  	v30 =	vadd.f32 v28, v28;
	v31 =	vmul.f32 $4.000000000e+00, v9;
	v7 =	vmul.f32 v11, v7;
	v32 =	vld [tilespmem:s8+$0xFFFFFFB0]  }
0x117: {  	v11 =	vsub.f32 $0.0e+00, v20;
	v33 =	vsub.f32 $0.0e+00, v10;
	v34 =	vmul.f32 $3.000000000e+00, v10;
	v35 =	vld [tilespmem:s8+$0xFFFFFF70]  }
0x118: {  	v36 =	vmul.f32 $3.000000000e+00, v20;
	v10 =	vsub.f32 v10, v9;
	v9 =	vadd.f32 $0.0e+00, v7;
	v37 =	vld [tilespmem:s8+$0xFFFFFFD0]  }
0x119: {  	v6 =	vmul.f32 v6, v23;
	v7 =	vadd.f32 v33, v18;
	v18 =	vsub.f32 v31, v34;
	v31 =	vld [tilespmem:s8+$0xFFFFFFF0]  }
0x11a: {  	v13 =	vsub.f32 v13, v36;
	v19 =	vsub.f32 v34, v19;
	v33 =	vmul.f32 $5.000000000e-01, v10;
	v23 =	vld [tilespmem:s8+$0xFFFFFF00]  }
0x11b: {  	v11 =	vadd.f32 v11, v30;
	v10 =	vmul.f32 $5.000000000e+00, v28;
	v7 =	vsub.f32 v7, v25;
	v30 =	vld [tilespmem:s8+$0xFFFFFF10]  }
0x11c: {  	v24 =	vmul.f32 v24, v5;
	v19 =	vadd.f32 $2.000000000e+00, v19;
	v34 =	vld [tilespmem:s8+$0xFFFFFF20];
	v35 =	vmul.f32 v33, v35  }
0x11d: {  	v5 =	vsub.f32 v36, v10;
	v36 =	vmul.f32 $5.000000000e-01, v7;
	v7 =	vadd.f32 v18, v25;
	v18 =	vld [tilespmem:s8+$0xFFFFFF30]  }
0x11e: {  	v25 =	vadd.f32 v13, v21;
	v38 =	vmul.f32 $5.000000000e-01, v19;
	v19 =	vld [tilespmem:s8+$0xFFFFFF90];
	v10 =	vmul.f32 v31, v33  }
0x11f: {  	v13 =	vadd.f32 $2.000000000e+00, v5;
	v5 =	vmul.f32 $5.000000000e-01, v7;
	v7 =	vmul.f32 v36, v23;
	v23 =	vld [tilespmem:s8+$0x0]  }
0x120: {  	v12 =	vadd.f32 v12, v24;
	v11 =	vsub.f32 v11, v21;
	v21 =	vmul.f32 v36, v30;
	v30 =	vld [tilespmem:s8+$0x10]  }
0x121: {  	v37 =	vmul.f32 v37, v5;
	v24 =	vadd.f32 $0.0e+00, v7;
	v31 =	vmul.f32 v38, v34;
	v34 =	vld [tilespmem:s8+$0xFFFFFF40]  }
0x122: {  	v32 =	vmul.f32 v38, v32;
	v21 =	vadd.f32 $0.0e+00, v21;
	v18 =	vmul.f32 v38, v18;
	v39 =	vld [tilespmem:s8+$0xFFFFFF50]  }
0x123: {  	v7 =	vmul.f32 $5.000000000e-01, v11;
	v11 =	vadd.f32 v24, v31;
	v24 =	vmul.f32 v36, v19;
	v31 =	vld [tilespmem:s8+$0x50]  }
0x124: {  	v19 =	vmul.f32 v22, v5;
	v18 =	vadd.f32 v21, v18;
	v21 =	vmul.f32 v23, v36;
	v22 =	vld [tilespmem:s8+$0x80]  }
0x125: {  	v40 =	vadd.f32 $0.0e+00, v24;
	v41 =	vld [tilespmem:s8+$0xFFFFFFA0];
	v23 =	vmul.f32 v30, v36;
	v30 =	vmul.f32 v14, v38  }
0x126: {  	v16 =	vmul.f32 v36, v16;
	v14 =	vmul.f32 v5, v34;
	v21 =	vadd.f32 $0.0e+00, v21;
	v34 =	vld [tilespmem:s8+$0x70]  }
0x127: {  	v44 =	vmul.f32 v29, v36;
	v39 =	vmul.f32 v5, v39;
	v42 =	vadd.f32 $0.0e+00, v23;
	v43 =	vld [tilespmem:s8+$0x20]  }
0x128: {  	v23 =	vsub.f32 v20, v28;
	v24 =	vmul.f32 v31, v5;
	v31 =	vmul.f32 v26, v38  }
0x129: {  	v20 =	vmul.f32 v27, v38;
	v26 =	vadd.f32 v30, v42;
	v22 =	vmul.f32 v22, v36;
	v30 =	vld [tilespmem:s8+$0xD0]  }
0x12a: {  	v15 =	vmul.f32 v15, v4;
	v4 =	vmovc v33;
	v18 =	vadd.f32 v18, v39;
	v36 =	vmul.f32 v38, v41;
	v39 =	vld [tilespmem:s8+$0xE0]  }
.Ltmp3:
0x12b: {  	v33 =	vadd.f32 $0.0e+00, v16;
	v32 =	vadd.f32 v40, v32;
	v27 =	vmul.f32 v34, v4;
	v28 =	vld [tilespmem:s8+$0xF0];
	(pc) =	sbr.rel @p1 .LBB2_5-.Ltmp3, $4  }
0x12c: {  	v16 =	vmul.f32 v17, v5;
	v34 =	vadd.f32 v12, v15;
	v29 =	vmul.f32 v43, v38  }
0x12d: {  	v17 =	vmul.f32 $5.000000000e-01, v25;
	v25 =	vadd.f32 v32, v37;
	v37 =	vadd.f32 $0.0e+00, v44  }
0x12e: {  	v12 =	vadd.f32 v33, v36;
	v32 =	vmul.f32 v34, v8;
	v15 =	vld [tilespmem:s8+$0x60];
	v30 =	vmul.f32 v30, v5  }
0x12f: {  	v31 =	vadd.f32 v31, v37;
	v8 =	vadd.f32 v18, v35;
	v18 =	vmul.f32 v39, v4  }
0x130: {  	v33 =	vld [tilespmem:s8+$0xFFFFFF60]  }
0x131: {  	v34 =	vld [tilespmem:s8+$0xFFFFFFC0];
	_ =	sdelay $0x1  }
0x132: {  	v21 =	vadd.f32 v29, v21;
	v42 =	vld [tilespmem:s8+$0xFFFFFFE0]  }
0x133: {  	v9 =	vadd.f32 v9, v32;
	v24 =	vadd.f32 v24, v26  }
0x134: {  	v43 =	vmul.f32 v28, v4;
	v11 =	vadd.f32 v11, v14;
	v47 =	vadd.f32 $0.0e+00, v22  }
0x135: {  	v52 =	vadd.f32 v10, v25;
	v45 =	vmul.f32 v4, v33;
	v5 =	vmul.f32 v34, v5  }
0x136: {  	v23 =	vmul.f32 $5.000000000e-01, v23;
	v44 =	vadd.f32 v30, v31;
	v46 =	vadd.f32 v19, v21  }
0x137: {  	v48 =	vmul.f32 v42, v4;
	v11 =	vadd.f32 v11, v45;
	v5 =	vadd.f32 v12, v5  }
0x138: {  	v13 =	vmul.f32 $5.000000000e-01, v13;
	v49 =	vadd.f32 v27, v24;
	v19 =	vadd.f32 v20, v47  }
0x139: {  	v50 =	vld [tilespmem:s30+$0xFFFFFA30];
	v15 =	vmul.f32 v15, v4;
	v11 =	vmul.f32 v11, v7;
	v4 =	vadd.f32 v5, v48  }
0x13a: {  	v51 =	vmul.f32 v8, v7;
	v2 =	vadd.f32 v2, v9;
	v54 =	vadd.f32 v16, v19  }
0x13b: {  	v53 =	vadd.f32 v15, v46;
	v11 =	vadd.f32 $0.0e+00, v11;
	v4 =	vmul.f32 v4, v13  }
0x13c: {  	v55 =	vmul.f32 v52, v13;
	v2 =	vadd.f32 v6, v2;
	v57 =	vadd.f32 v18, v54  }
0x13d: {  	v56 =	vmul.f32 v53, v17;
	v5 =	vadd.f32 $0.0e+00, v51;
	v4 =	vadd.f32 v11, v4  }
0x13e: {  	v60 =	vld [tilespmem:s31+$0xFFFFFA30];
	v58 =	vadd.f32 v43, v44;
	v59 =	vmul.f32 v49, v17;
	v2 =	vsub.f32 v50, v2  }
0x13f: {  	v61 =	vmul.f32 v57, v23;
	v5 =	vadd.f32 v5, v55;
	v4 =	vadd.f32 v56, v4  }
0x140: {  	v62 =	vld [tilespmem:s31+$0x0];
	v2 =	vmul.f32 v2, v2  }
0x141: {  	v63 =	vmul.f32 v58, v23;
	v5 =	vadd.f32 v59, v5;
	v4 =	vadd.f32 v61, v4  }
0x142: {  	v1 =	vadd.f32 v2, v1  }
0x143: {  	s9 =	sadd.s32 $0x1, s9;
	v2 =	vmul.f32 v3, v3;
	v3 =	vadd.f32 v63, v5;
	v4 =	vsub.f32 v60, v4  }
0x144: {  	p1 =	sne.s32 s9, $0x15  }
.Ltmp4:
0x145: {  	v1 =	vadd.f32 v2, v1;
	v2 =	vsub.f32 v62, v3;
	v3 =	vmul.f32 v4, v4;
	(pc) =	sbr.rel @p1 .LBB2_2-.Ltmp4, $3  }
0x146: {  	_ = 	snop  }
0x147: {  	v2 =	vmul.f32 v2, v2;
	v1 =	vadd.f32 v3, v1;
	_ =	sdelay $0x1  }
0x148: {  	v1 =	vadd.f32 v2, v1  }
.Ltmp5:
0x149: {  	(pc) =	sbr.rel @p0 .LBB2_13-.Ltmp5, $1  }
0x14a: {  	_ =	sdelay $0x3  }
0x14b: {  	s8 =	simm.s32 $0x0;
	s9 =	rddreg [dreg:$0x9]  }
0x14c: {  	[tilespmem:s8], [sflag:$0x2] =	stream.linear.gather [hbm4b:s9+s8], $0x40, $0x38;
	[tilespmem:$0x19800] =	vst v63  }
0x14d: {  	_ =	swait.ge [sflag:s19], $0x40  }
0x14e: {  	[sflag:s19] =	ssyncset.done $0x0  }
0x14f: {  	s30 =	rddreg [dreg:$0xa];
	[sflag:s19] =	ssyncadd.s32 $0xFFFFFFC0  }
0x150: {  	[tilespmem:s20], [sflag:$0x2] =	stream.linear.gather [hbm4b:s30+s8], $0x40, $0x38;
	[tilespmem:$0x19800] =	vst v63  }
0x151: {  	_ =	swait.ge [sflag:s19], $0x40  }
0x152: {  	[sflag:s19] =	ssyncset.done $0x0  }
0x153: {  	[sflag:s19] =	ssyncadd.s32 $0xFFFFFFC0  }
0x154: {  	[tilespmem:s21], [sflag:$0x2] =	stream.linear.gather [hbm4b:s13+s8], $0x40, $0x38;
	[tilespmem:$0x19800] =	vst v63  }
0x155: {  	_ =	swait.ge [sflag:s19], $0x40  }
0x156: {  	[sflag:s19] =	ssyncset.done $0x0  }
0x157: {  	[sflag:s19] =	ssyncadd.s32 $0xFFFFFFC0  }
0x158: {  	[tilespmem:s22], [sflag:$0x2] =	stream.linear.gather [hbm4b:s14+s8], $0x40, $0x38;
	[tilespmem:$0x19800] =	vst v63  }
0x159: {  	_ =	swait.ge [sflag:s19], $0x40  }
0x15a: {  	[sflag:s19] =	ssyncset.done $0x0  }
0x15b: {  	[sflag:s19] =	ssyncadd.s32 $0xFFFFFFC0  }
0x15c: {  	[tilespmem:s23], [sflag:$0x2] =	stream.linear.gather [hbm4b:s15+s8], $0x40, $0x38;
	[tilespmem:$0x19800] =	vst v63  }
0x15d: {  	_ =	swait.ge [sflag:s19], $0x40  }
0x15e: {  	[sflag:s19] =	ssyncset.done $0x0  }
0x15f: {  	[sflag:s19] =	ssyncadd.s32 $0xFFFFFFC0  }
0x160: {  	[tilespmem:s24], [sflag:$0x2] =	stream.linear.gather [hbm4b:s16+s8], $0x40, $0x38;
	[tilespmem:$0x19800] =	vst v63  }
0x161: {  	_ =	swait.ge [sflag:s19], $0x40  }
0x162: {  	[sflag:s19] =	ssyncset.done $0x0  }
0x163: {  	s31 =	simm.s32 $0x0;
	[sflag:s19] =	ssyncadd.s32 $0xFFFFFFC0  }
0x164: {  	v2 =	vld [tilespmem:s31+$0x1780]  }
0x165: {  	v3 =	vld [tilespmem:s31+$0x1D50];
	_ =	sdelay $0x4  }
0x166: {  	v2 =	vshll.u32 v2, $0xC;
	v3 =	vshll.u32 v3, $0x1  }
0x167: {  	s8 =	simm.s32 $0x2480;
	v2 =	vadd.s32 v2, v3  }
0x168: {  	v3 =	vadd.s32 $0xFFFFEFFE, v2;
	[tilespmem:s8+$0xFFFFFFA0] =	vst v2  }
0x169: {  	v4 =	vadd.s32 $0xFFFFEFFF, v2;
	[tilespmem:s8+$0xFFFFFF00] =	vst v3  }
0x16a: {  	v50 =	vadd.s32 $0xFFFFF001, v2;
	[tilespmem:s8+$0xFFFFFF10] =	vst v4  }
0x16b: {  	v51 =	vadd.s32 $0xFFFFF003, v2;
	[tilespmem:s8+$0xFFFFFF30] =	vst v50  }
0x16c: {  	v52 =	vadd.s32 $0xFFFFF005, v2;
	[tilespmem:s8+$0xFFFFFF50] =	vst v51  }
0x16d: {  	v53 =	vadd.s32 $0xFFFFFFFF, v2;
	[tilespmem:s8+$0xFFFFFF70] =	vst v52  }
0x16e: {  	v54 =	vadd.s32 $0x2, v2;
	[tilespmem:s8+$0xFFFFFF90] =	vst v53  }
0x16f: {  	v55 =	vadd.s32 $0x4, v2;
	[tilespmem:s8+$0xFFFFFFC0] =	vst v54  }
0x170: {  	v56 =	vadd.s32 $0xFFE, v2;
	[tilespmem:s8+$0xFFFFFFE0] =	vst v55  }
0x171: {  	v57 =	vadd.s32 $0x1000, v2;
	[tilespmem:s8+$0x0] =	vst v56  }
0x172: {  	v58 =	vadd.s32 $0x1002, v2;
	[tilespmem:s8+$0x20] =	vst v57  }
0x173: {  	v59 =	vadd.s32 $0x1004, v2;
	[tilespmem:s8+$0x40] =	vst v58  }
0x174: {  	v60 =	vadd.s32 $0x1FFE, v2;
	[tilespmem:s8+$0x60] =	vst v59  }
0x175: {  	v61 =	vadd.s32 $0x2000, v2;
	[tilespmem:s8+$0x80] =	vst v60  }
0x176: {  	v62 =	vadd.s32 $0x2002, v2;
	[tilespmem:s8+$0xA0] =	vst v61  }
0x177: {  	v63 =	vadd.s32 $0x2004, v2;
	[tilespmem:s8+$0xC0] =	vst v62  }
0x178: {  	v3 =	vadd.s32 $0xFFFFF000, v2;
	[tilespmem:s8+$0xE0] =	vst v63  }
0x179: {  	[tilespmem:s8+$0xFFFFFF20] =	vst v3;
	v3 =	vadd.s32 $0xFFFFF002, v2  }
0x17a: {  	[tilespmem:s8+$0xFFFFFF40] =	vst v3;
	v3 =	vadd.s32 $0xFFFFF004, v2  }
0x17b: {  	[tilespmem:s8+$0xFFFFFF60] =	vst v3;
	v3 =	vadd.s32 $0xFFFFFFFE, v2  }
0x17c: {  	[tilespmem:s8+$0xFFFFFF80] =	vst v3;
	v3 =	vor.u32 $0x1, v2  }
0x17d: {  	[tilespmem:s8+$0xFFFFFFB0] =	vst v3;
	v3 =	vadd.s32 $0x3, v2  }
0x17e: {  	[tilespmem:s8+$0xFFFFFFD0] =	vst v3;
	v3 =	vadd.s32 $0x5, v2  }
0x17f: {  	[tilespmem:s8+$0xFFFFFFF0] =	vst v3;
	v3 =	vadd.s32 $0xFFF, v2  }
0x180: {  	[tilespmem:s8+$0x10] =	vst v3;
	v3 =	vadd.s32 $0x1001, v2  }
0x181: {  	[tilespmem:s8+$0x30] =	vst v3;
	v3 =	vadd.s32 $0x1003, v2  }
0x182: {  	[tilespmem:s8+$0x50] =	vst v3;
	v3 =	vadd.s32 $0x1005, v2  }
0x183: {  	[tilespmem:s8+$0x70] =	vst v3;
	v3 =	vadd.s32 $0x1FFF, v2  }
0x184: {  	[tilespmem:s8+$0x90] =	vst v3;
	v3 =	vadd.s32 $0x2001, v2  }
0x185: {  	[tilespmem:s8+$0xB0] =	vst v3;
	v3 =	vadd.s32 $0x2003, v2  }
0x186: {  	v2 =	vadd.s32 $0x2005, v2;
	[tilespmem:s8+$0xD0] =	vst v3  }
0x187: {  	s11 =	simm.s32 $0x10;
	[tilespmem:s8+$0xF0] =	vst v2  }
0x188: {  	s9 =	simm.s32 $0x80;
	v2 =	vld [tilespmem:s11+$0x1780]  }
.LBB2_9:
0x189: {  	p1 =	sne.s32 s9, $0xC0;
	v3 =	vld [tilespmem:s11+$0x1D50];
	_ =	sdelay $0x4  }
0x18a: {  	v2 =	vshll.u32 v2, $0xC;
	v3 =	vshll.u32 v3, $0x1  }
0x18b: {  	s8 =	sadd.s32 $0x200, s8;
	v2 =	vadd.s32 v2, v3  }
0x18c: {  	v3 =	vadd.s32 $0xFFFFEFFE, v2;
	v4 =	vadd.s32 $0xFFFFEFFF, v2;
	v5 =	vadd.s32 $0xFFFFF000, v2;
	[tilespmem:s8+$0xFFFFFFA0] =	vst v2  }
0x18d: {  	v6 =	vadd.s32 $0xFFFFF002, v2;
	v7 =	vadd.s32 $0xFFFFF003, v2;
	[tilespmem:s8+$0xFFFFFF00] =	vst v3;
	v3 =	vadd.s32 $0xFFFFF001, v2  }
0x18e: {  	v8 =	vadd.s32 $0xFFFFF005, v2;
	v9 =	vadd.s32 $0xFFFFFFFE, v2;
	[tilespmem:s8+$0xFFFFFF10] =	vst v4;
	v4 =	vadd.s32 $0xFFFFF004, v2  }
0x18f: {  	v10 =	vor.u32 $0x1, v2;
	v11 =	vadd.s32 $0x2, v2;
	[tilespmem:s8+$0xFFFFFF20] =	vst v5;
	v5 =	vadd.s32 $0xFFFFFFFF, v2  }
0x190: {  	v12 =	vadd.s32 $0x4, v2;
	v13 =	vadd.s32 $0x5, v2;
	[tilespmem:s8+$0xFFFFFF30] =	vst v3;
	v3 =	vadd.s32 $0x3, v2  }
0x191: {  	v14 =	vadd.s32 $0xFFF, v2;
	v15 =	vadd.s32 $0x1000, v2;
	[tilespmem:s8+$0xFFFFFF40] =	vst v6;
	v6 =	vadd.s32 $0xFFE, v2  }
0x192: {  	v16 =	vadd.s32 $0x1002, v2;
	v17 =	vadd.s32 $0x1003, v2;
	[tilespmem:s8+$0xFFFFFF50] =	vst v7;
	v7 =	vadd.s32 $0x1001, v2  }
0x193: {  	v18 =	vadd.s32 $0x1005, v2;
	v19 =	vadd.s32 $0x1FFE, v2;
	[tilespmem:s8+$0xFFFFFF60] =	vst v4;
	v4 =	vadd.s32 $0x1004, v2  }
0x194: {  	v20 =	vadd.s32 $0x2000, v2;
	v21 =	vadd.s32 $0x2001, v2;
	[tilespmem:s8+$0xFFFFFF70] =	vst v8;
	v8 =	vadd.s32 $0x1FFF, v2  }
0x195: {  	v22 =	vadd.s32 $0x2003, v2;
	v23 =	vadd.s32 $0x2004, v2;
	[tilespmem:s8+$0xFFFFFF80] =	vst v9;
	v9 =	vadd.s32 $0x2002, v2  }
0x196: {  	v2 =	vadd.s32 $0x2005, v2;
	[tilespmem:s8+$0xFFFFFF90] =	vst v5  }
0x197: {  	[tilespmem:s8+$0xFFFFFFB0] =	vst v10  }
0x198: {  	[tilespmem:s8+$0xFFFFFFC0] =	vst v11  }
0x199: {  	[tilespmem:s8+$0xFFFFFFD0] =	vst v3  }
0x19a: {  	[tilespmem:s8+$0xFFFFFFE0] =	vst v12  }
0x19b: {  	[tilespmem:s8+$0xFFFFFFF0] =	vst v13  }
0x19c: {  	[tilespmem:s8+$0x0] =	vst v6  }
0x19d: {  	[tilespmem:s8+$0x10] =	vst v14  }
0x19e: {  	[tilespmem:s8+$0x20] =	vst v15  }
0x19f: {  	[tilespmem:s8+$0x30] =	vst v7  }
0x1a0: {  	[tilespmem:s8+$0x40] =	vst v16  }
0x1a1: {  	[tilespmem:s8+$0x50] =	vst v17  }
0x1a2: {  	[tilespmem:s8+$0x60] =	vst v4  }
0x1a3: {  	[tilespmem:s8+$0x70] =	vst v18  }
0x1a4: {  	[tilespmem:s8+$0x80] =	vst v19  }
0x1a5: {  	[tilespmem:s8+$0x90] =	vst v8  }
0x1a6: {  	[tilespmem:s8+$0xA0] =	vst v20  }
0x1a7: {  	[tilespmem:s8+$0xB0] =	vst v21  }
.Ltmp6:
0x1a8: {  	[tilespmem:s8+$0xC0] =	vst v9;
	(pc) =	sbr.rel @p1 .LBB2_9-.Ltmp6, $4  }
0x1a9: {  	[tilespmem:s8+$0xD0] =	vst v22  }
0x1aa: {  	[tilespmem:s8+$0xE0] =	vst v23  }
0x1ab: {  	s11 =	sshra.s32 s9, $0x2;
	[tilespmem:s8+$0xF0] =	vst v2  }
0x1ac: {  	s9 =	sadd.s32 $0x40, s9;
	v2 =	vld [tilespmem:s11+$0x1780]  }
0x1ad: {  	v3 =	vld [tilespmem:s11+$0x1D50];
	_ =	sdelay $0x4  }
0x1ae: {  	v2 =	vshll.u32 v2, $0xC;
	v3 =	vshll.u32 v3, $0x1  }
0x1af: {  	s8 =	sadd.s32 $0x200, s8;
	v2 =	vadd.s32 v2, v3  }
0x1b0: {  	v3 =	vadd.s32 $0xFFFFEFFE, v2;
	[tilespmem:s8+$0xFFFFFFA0] =	vst v2  }
0x1b1: {  	v4 =	vadd.s32 $0xFFFFEFFF, v2;
	[tilespmem:s8+$0xFFFFFF00] =	vst v3  }
0x1b2: {  	v3 =	vadd.s32 $0xFFFFF000, v2;
	[tilespmem:s8+$0xFFFFFF10] =	vst v4  }
0x1b3: {  	v4 =	vadd.s32 $0xFFFFF001, v2;
	[tilespmem:s8+$0xFFFFFF20] =	vst v3  }
0x1b4: {  	v3 =	vadd.s32 $0xFFFFF002, v2;
	[tilespmem:s8+$0xFFFFFF30] =	vst v4  }
0x1b5: {  	v4 =	vadd.s32 $0xFFFFF003, v2;
	[tilespmem:s8+$0xFFFFFF40] =	vst v3  }
0x1b6: {  	v3 =	vadd.s32 $0xFFFFF004, v2;
	[tilespmem:s8+$0xFFFFFF50] =	vst v4  }
0x1b7: {  	v4 =	vadd.s32 $0xFFFFF005, v2;
	[tilespmem:s8+$0xFFFFFF60] =	vst v3  }
0x1b8: {  	v3 =	vadd.s32 $0xFFFFFFFE, v2;
	[tilespmem:s8+$0xFFFFFF70] =	vst v4  }
0x1b9: {  	v4 =	vadd.s32 $0xFFFFFFFF, v2;
	[tilespmem:s8+$0xFFFFFF80] =	vst v3  }
0x1ba: {  	v3 =	vor.u32 $0x1, v2;
	[tilespmem:s8+$0xFFFFFF90] =	vst v4  }
0x1bb: {  	v4 =	vadd.s32 $0x2, v2;
	[tilespmem:s8+$0xFFFFFFB0] =	vst v3  }
0x1bc: {  	v3 =	vadd.s32 $0x3, v2;
	[tilespmem:s8+$0xFFFFFFC0] =	vst v4  }
0x1bd: {  	v4 =	vadd.s32 $0x4, v2;
	[tilespmem:s8+$0xFFFFFFD0] =	vst v3  }
0x1be: {  	v3 =	vadd.s32 $0x5, v2;
	[tilespmem:s8+$0xFFFFFFE0] =	vst v4  }
0x1bf: {  	v4 =	vadd.s32 $0xFFE, v2;
	[tilespmem:s8+$0xFFFFFFF0] =	vst v3  }
0x1c0: {  	v3 =	vadd.s32 $0xFFF, v2;
	[tilespmem:s8+$0x0] =	vst v4  }
0x1c1: {  	v4 =	vadd.s32 $0x1000, v2;
	[tilespmem:s8+$0x10] =	vst v3  }
0x1c2: {  	v3 =	vadd.s32 $0x1001, v2;
	[tilespmem:s8+$0x20] =	vst v4  }
0x1c3: {  	v4 =	vadd.s32 $0x1002, v2;
	[tilespmem:s8+$0x30] =	vst v3  }
0x1c4: {  	v3 =	vadd.s32 $0x1003, v2;
	[tilespmem:s8+$0x40] =	vst v4  }
0x1c5: {  	v4 =	vadd.s32 $0x1004, v2;
	[tilespmem:s8+$0x50] =	vst v3  }
0x1c6: {  	v3 =	vadd.s32 $0x1005, v2;
	[tilespmem:s8+$0x60] =	vst v4  }
0x1c7: {  	v4 =	vadd.s32 $0x1FFE, v2;
	[tilespmem:s8+$0x70] =	vst v3  }
0x1c8: {  	v3 =	vadd.s32 $0x1FFF, v2;
	[tilespmem:s8+$0x80] =	vst v4  }
0x1c9: {  	v4 =	vadd.s32 $0x2000, v2;
	[tilespmem:s8+$0x90] =	vst v3  }
0x1ca: {  	v3 =	vadd.s32 $0x2001, v2;
	[tilespmem:s8+$0xA0] =	vst v4  }
0x1cb: {  	v4 =	vadd.s32 $0x2002, v2;
	[tilespmem:s8+$0xB0] =	vst v3  }
0x1cc: {  	v3 =	vadd.s32 $0x2003, v2;
	[tilespmem:s8+$0xC0] =	vst v4  }
0x1cd: {  	v4 =	vadd.s32 $0x2004, v2;
	[tilespmem:s8+$0xD0] =	vst v3  }
0x1ce: {  	v2 =	vadd.s32 $0x2005, v2;
	[tilespmem:s8+$0xE0] =	vst v4  }
0x1cf: {  	s12 =	simm.s32 $0x800;
	[tilespmem:s8+$0xF0] =	vst v2  }
0x1d0: {  	[tilespmem:s28], [sflag:$0x1] =	stream.indirect.gather [hbm4b:s7+s12], $0x1, s26, s12, $0xb8;
	[tilespmem:$0x19800] =	vst v63  }
0x1d1: {  	_ =	swait.ge [sflag:s29], $0x800  }
0x1d2: {  	[sflag:s29] =	ssyncset.done $0x0  }
0x1d3: {  	s9 =	simm.s32 $0x0;
	[sflag:s29] =	ssyncadd.s32 $0xFFFFF800  }
0x1d4: {  	v2 =	vld [tilespmem:s9+$0x1170]  }
0x1d5: {  	v3 =	vld [tilespmem:s9+$0xBA0];
	_ =	sdelay $0x3  }
0x1d6: {  	v4 =	vand.u32 $0x7FFFFFFF, v2  }
0x1d7: {  	v5 =	vand.u32 $0x7FFFFFFF, v3;
	v6 =	vmul.f32 v4, v0  }
0x1d8: {  	v7 =	vmul.f32 v5, v0  }
0x1d9: {  	v6 =	vfloor.f32 v6  }
0x1da: {  	v7 =	vfloor.f32 v7;
	v4 =	vsub.f32 v4, v6  }
0x1db: {  	v5 =	vsub.f32 v5, v7  }
0x1dc: {  	vm0 =	veq.f32 v4, $1.000000000e+00  }
0x1dd: {  	vm13 =	veq.f32 v5, $1.000000000e+00;
	v4 =	vsel vm0, $0x0, v4  }
0x1de: {  	s31 =	simm.s32 $0xDE80;
	v2 =	vand.u32 $0x80000000, v2;
	v5 =	vsel vm13, $0x0, v5;
	v4 =	vand.u32 $0x7FFFFFFF, v4  }
0x1df: {  	v9 =	vld [tilespmem:s31+$0x90];
	v3 =	vand.u32 $0x80000000, v3;
	v5 =	vand.u32 $0x7FFFFFFF, v5;
	v2 =	vor.u32 v2, v4  }
0x1e0: {  	v10 =	vld [tilespmem:s31+$0x30];
	v3 =	vor.u32 v3, v5;
	v5 =	vmul.f32 v2, v2  }
0x1e1: {  	v12 =	vld [tilespmem:s31+$0x40];
	v11 =	vmul.f32 v3, v3  }
0x1e2: {  	v13 =	vld [tilespmem:s31+$0xFFFFFFB0];
	v8 =	vmul.f32 v5, v2  }
0x1e3: {  	v17 =	vld [tilespmem:s31+$0xFFFFFF70];
	v14 =	vmul.f32 v11, v3;
	v15 =	vmul.f32 $4.000000000e+00, v11  }
0x1e4: {  	v21 =	vld [tilespmem:s31+$0xFFFFFFD0];
	v16 =	vadd.f32 v5, v5;
	v18 =	vmul.f32 $5.000000000e+00, v5;
	v19 =	vadd.f32 v11, v11  }
0x1e5: {  	v25 =	vld [tilespmem:s31+$0xFFFFFFF0];
	v22 =	vmul.f32 $4.000000000e+00, v5;
	v20 =	vsub.f32 $0.0e+00, v8;
	v24 =	vmul.f32 $3.000000000e+00, v8  }
0x1e6: {  	v27 =	vld [tilespmem:s31+$0xFFFFFF30];
	v23 =	vsub.f32 $0.0e+00, v14;
	v26 =	vmul.f32 $3.000000000e+00, v14;
	v5 =	vsub.f32 v8, v5  }
0x1e7: {  	v29 =	vld [tilespmem:s31+$0xFFFFFF50];
	v16 =	vadd.f32 v20, v16;
	v22 =	vsub.f32 v22, v24  }
0x1e8: {  	v30 =	vld [tilespmem:s31+$0x50];
	v18 =	vsub.f32 v24, v18;
	v15 =	vsub.f32 v15, v26;
	v8 =	vmul.f32 $5.000000000e-01, v5  }
0x1e9: {  	v20 =	vld [tilespmem:s31+$0xFFFFFF00];
	v19 =	vadd.f32 v23, v19;
	v23 =	vmul.f32 $5.000000000e+00, v11;
	v11 =	vsub.f32 v14, v11  }
0x1ea: {  	v24 =	vld [tilespmem:s31+$0xFFFFFF10];
	v5 =	vsub.f32 v16, v2;
	v18 =	vadd.f32 $2.000000000e+00, v18  }
0x1eb: {  	v32 =	vld [tilespmem:s31+$0x20];
	v17 =	vmul.f32 v8, v17;
	v2 =	vadd.f32 v22, v2;
	v25 =	vmul.f32 v25, v8  }
0x1ec: {  	v7 =	vld [tilespmem:s31+$0xB0];
	v15 =	vadd.f32 v15, v3;
	v3 =	vsub.f32 v19, v3;
	v11 =	vmul.f32 $5.000000000e-01, v11  }
0x1ed: {  	v4 =	vld [tilespmem:s31+$0xFFFFFF80];
	v28 =	vmul.f32 $5.000000000e-01, v5;
	v18 =	vmul.f32 $5.000000000e-01, v18  }
0x1ee: {  	v16 =	vld [tilespmem:s31+$0xFFFFFF20];
	v5 =	vmul.f32 $5.000000000e-01, v2;
	v31 =	vmul.f32 $5.000000000e-01, v3  }
0x1ef: {  	v22 =	vld [tilespmem:s31+$0xFFFFFF90];
	v2 =	vmul.f32 v28, v20;
	v19 =	vmul.f32 v28, v24  }
0x1f0: {  	v23 =	vsub.f32 v26, v23;
	v26 =	vld [tilespmem:s31+$0x0];
	v21 =	vmul.f32 v21, v5;
	v27 =	vmul.f32 v18, v27  }
0x1f1: {  	v20 =	vld [tilespmem:s31+$0x10];
	v13 =	vmul.f32 v18, v13;
	v12 =	vmul.f32 v12, v5  }
0x1f2: {  	v33 =	vld [tilespmem:s31+$0xC0];
	v23 =	vadd.f32 $2.000000000e+00, v23;
	v10 =	vmul.f32 v10, v18;
	v4 =	vmul.f32 v28, v4  }
0x1f3: {  	v24 =	vld [tilespmem:s31+$0xFFFFFF40];
	v9 =	vmul.f32 v9, v28;
	v16 =	vmul.f32 v18, v16;
	v2 =	vadd.f32 $0.0e+00, v2  }
0x1f4: {  	v6 =	vld [tilespmem:s31+$0xA0];
	v29 =	vmul.f32 v5, v29;
	v7 =	vmul.f32 v7, v18;
	v19 =	vadd.f32 $0.0e+00, v19  }
0x1f5: {  	v9 =	vadd.f32 $0.0e+00, v9;
	v3 =	vadd.f32 v2, v16;
	v2 =	vmul.f32 v28, v22;
	v16 =	vld [tilespmem:s31+$0x80]  }
0x1f6: {  	v4 =	vadd.f32 $0.0e+00, v4;
	v22 =	vmul.f32 v26, v28;
	v26 =	vld [tilespmem:s31+$0xFFFFFFA0];
	v20 =	vmul.f32 v20, v28  }
0x1f7: {  	v14 =	vmul.f32 v30, v5;
	v19 =	vadd.f32 v19, v27;
	v27 =	vld [tilespmem:s31+$0x70];
	v7 =	vadd.f32 v7, v9  }
0x1f8: {  	v30 =	vld [tilespmem:s31+$0xD0];
	v24 =	vmul.f32 v5, v24;
	v2 =	vadd.f32 $0.0e+00, v2;
	v20 =	vadd.f32 $0.0e+00, v20  }
0x1f9: {  	v22 =	vadd.f32 $0.0e+00, v22;
	v19 =	vadd.f32 v19, v29;
	v29 =	vmul.f32 $5.000000000e-01, v15;
	v15 =	vld [tilespmem:s31+$0x60]  }
0x1fa: {  	v6 =	vmul.f32 v6, v18;
	v3 =	vadd.f32 v3, v24;
	v10 =	vadd.f32 v10, v20;
	v20 =	vld [tilespmem:s31+$0xE0]  }
0x1fb: {  	v2 =	vadd.f32 v2, v13;
	v16 =	vmul.f32 v16, v28;
	v26 =	vmul.f32 v18, v26  }
0x1fc: {  	v17 =	vadd.f32 v19, v17;
	v13 =	vmul.f32 v27, v8;
	v18 =	vmul.f32 v32, v18  }
0x1fd: {  	s30 =	simm.s32 $0x10;
	v28 =	vld [tilespmem:s31+$0xF0];
	v27 =	vmul.f32 v33, v5;
	v2 =	vadd.f32 v2, v21;
	v21 =	vadd.f32 v4, v26  }
0x1fe: {  	v4 =	vmul.f32 v30, v5;
	v26 =	vld [tilespmem:s30+$0xBA0];
	v18 =	vadd.f32 v18, v22;
	v10 =	vadd.f32 v14, v10  }
0x1ff: {  	v14 =	vadd.f32 $0.0e+00, v16;
	v16 =	vmul.f32 v15, v8;
	v9 =	vmul.f32 v20, v8;
	v20 =	vld [tilespmem:s30+$0x1170]  }
0x200: {  	v15 =	vmul.f32 $5.000000000e-01, v23;
	v2 =	vadd.f32 v25, v2;
	v4 =	vadd.f32 v4, v7  }
0x201: {  	v7 =	vmul.f32 v17, v31;
	v12 =	vadd.f32 v12, v18;
	v10 =	vadd.f32 v13, v10  }
0x202: {  	v6 =	vadd.f32 v6, v14;
	v19 =	vmul.f32 v28, v8;
	v2 =	vmul.f32 v2, v15  }
0x203: {  	v17 =	vld [tilespmem:s31+$0xFFFFFF60];
	v12 =	vadd.f32 v16, v12;
	v7 =	vadd.f32 $0.0e+00, v7;
	v13 =	vand.u32 $0x7FFFFFFF, v26  }
0x204: {  	v10 =	vmul.f32 v10, v29;
	v14 =	vmul.f32 v13, v0;
	v18 =	vand.u32 $0x7FFFFFFF, v20  }
0x205: {  	v6 =	vadd.f32 v27, v6;
	v4 =	vadd.f32 v19, v4;
	v16 =	vmul.f32 v18, v0  }
0x206: {  	v7 =	vadd.f32 v7, v2;
	v2 =	vmul.f32 v12, v29;
	v14 =	vfloor.f32 v14  }
0x207: {  	v6 =	vadd.f32 v9, v6;
	v13 =	vsub.f32 v13, v14;
	v16 =	vfloor.f32 v16  }
0x208: {  	s8 =	simm.s32 $0xE080;
	v4 =	vmul.f32 v4, v11;
	v12 =	vmul.f32 v8, v17;
	v16 =	vsub.f32 v18, v16  }
0x209: {  	v54 =	vld [tilespmem:s8+$0xFFFFFFB0];
	v7 =	vadd.f32 v10, v7;
	v6 =	vmul.f32 v6, v11;
	vm14 =	veq.f32 v13, $1.000000000e+00  }
0x20a: {  	v17 =	vld [tilespmem:s9+$0x5D0];
	v14 =	vand.u32 $0x80000000, v26;
	v13 =	vsel vm14, $0x0, v13;
	vm15 =	veq.f32 v16, $1.000000000e+00  }
0x20b: {  	v35 =	vld [tilespmem:s8+$0xFFFFFF70];
	v12 =	vadd.f32 v3, v12;
	v10 =	vand.u32 $0x7FFFFFFF, v13;
	v13 =	vsel vm15, $0x0, v16  }
0x20c: {  	v37 =	vld [tilespmem:s8+$0xFFFFFFD0];
	v14 =	vor.u32 v14, v10;
	v16 =	vand.u32 $0x80000000, v20;
	v10 =	vand.u32 $0x7FFFFFFF, v13  }
0x20d: {  	v56 =	vld [tilespmem:s8+$0xFFFFFF00];
	v4 =	vadd.f32 v4, v7;
	v7 =	vor.u32 v16, v10;
	v16 =	vmul.f32 v14, v14  }
0x20e: {  	v57 =	vld [tilespmem:s8+$0xFFFFFF20];
	v12 =	vmul.f32 v12, v31;
	v10 =	vmul.f32 v7, v7  }
0x20f: {  	v58 =	vld [tilespmem:s8+$0xFFFFFF30];
	v3 =	vsub.f32 v17, v4;
	v17 =	vmul.f32 v16, v14;
	v4 =	vmul.f32 $4.000000000e+00, v16  }
0x210: {  	v59 =	vld [tilespmem:s8+$0xFFFFFF40];
	v29 =	vadd.f32 v16, v16;
	v9 =	vmul.f32 v10, v7;
	v13 =	vadd.f32 v10, v10  }
0x211: {  	v61 =	vld [tilespmem:s8+$0xFFFFFF50];
	v19 =	vmul.f32 $5.000000000e+00, v10;
	v31 =	vsub.f32 $0.0e+00, v17;
	v36 =	vmul.f32 $3.000000000e+00, v17  }
0x212: {  	v25 =	vld [tilespmem:s31+$0xFFFFFFE0];
	v30 =	vmul.f32 $4.000000000e+00, v10;
	v55 =	vsub.f32 $0.0e+00, v9;
	v10 =	vsub.f32 v9, v10  }
0x213: {  	v18 =	vld [tilespmem:s31+$0xFFFFFFC0];
	v34 =	vmul.f32 $3.000000000e+00, v9;
	v9 =	vadd.f32 $0.0e+00, v12;
	v11 =	vsub.f32 v4, v36  }
0x214: {  	v41 =	vld [tilespmem:s8+$0xFFFFFFA0];
	v29 =	vadd.f32 v31, v29;
	v12 =	vadd.f32 v55, v13  }
0x215: {  	v24 =	vld [tilespmem:s8+$0xFFFFFF80];
	v13 =	vsub.f32 v30, v34;
	v19 =	vsub.f32 v34, v19  }
0x216: {  	v30 =	vld [tilespmem:s8+$0xFFFFFFF0];
	v4 =	vmul.f32 $5.000000000e-01, v10;
	v10 =	vmul.f32 $5.000000000e+00, v16;
	v38 =	vadd.f32 v11, v14  }
0x217: {  	v8 =	vmul.f32 v25, v8;
	v31 =	vld [tilespmem:s8+$0xFFFFFF10];
	v12 =	vsub.f32 v12, v7;
	v19 =	vadd.f32 $2.000000000e+00, v19  }
0x218: {  	v23 =	vld [tilespmem:s8+$0x90];
	v18 =	vmul.f32 v18, v5;
	v5 =	vsub.f32 v36, v10;
	v7 =	vadd.f32 v13, v7  }
0x219: {  	v11 =	vsub.f32 v29, v14;
	v29 =	vld [tilespmem:s8+$0x10];
	v35 =	vmul.f32 v4, v35;
	v12 =	vmul.f32 $5.000000000e-01, v12  }
0x21a: {  	v26 =	vld [tilespmem:s8+$0x30];
	v39 =	vmul.f32 $5.000000000e-01, v19;
	v13 =	vadd.f32 $2.000000000e+00, v5;
	v5 =	vmul.f32 $5.000000000e-01, v7  }
0x21b: {  	v27 =	vld [tilespmem:s8+$0x40];
	v10 =	vmul.f32 v30, v4;
	v7 =	vmul.f32 v12, v56  }
0x21c: {  	v20 =	vld [tilespmem:s8+$0xA0];
	v14 =	vmul.f32 v12, v31;
	v31 =	vmul.f32 v39, v57  }
0x21d: {  	v18 =	vadd.f32 v21, v18;
	v19 =	vld [tilespmem:s8+$0xFFFFFF90];
	v60 =	vmul.f32 v37, v5;
	v36 =	vmul.f32 v39, v58  }
0x21e: {  	v30 =	vld [tilespmem:s8+$0x0];
	v32 =	vmul.f32 v39, v54;
	v29 =	vmul.f32 v29, v12  }
0x21f: {  	v28 =	vld [tilespmem:s8+$0xC0];
	v8 =	vadd.f32 v18, v8;
	v26 =	vmul.f32 v26, v39;
	v62 =	vmul.f32 v12, v24  }
0x220: {  	v42 =	vld [tilespmem:s8+$0x20];
	v37 =	vmul.f32 v5, v61;
	v43 =	vmul.f32 v23, v12;
	v21 =	vadd.f32 $0.0e+00, v7  }
0x221: {  	v22 =	vld [tilespmem:s8+$0xB0];
	v23 =	vsub.f32 v17, v16;
	v20 =	vmul.f32 v20, v39;
	v14 =	vadd.f32 $0.0e+00, v14  }
0x222: {  	v7 =	vmul.f32 $5.000000000e-01, v11;
	v11 =	vadd.f32 v21, v31;
	v21 =	vmul.f32 v12, v19;
	v31 =	vld [tilespmem:s8+$0x50]  }
0x223: {  	v29 =	vadd.f32 $0.0e+00, v29;
	v30 =	vmul.f32 v30, v12;
	v19 =	vmul.f32 v27, v5;
	v27 =	vld [tilespmem:s8+$0x80]  }
0x224: {  	v44 =	vld [tilespmem:s8+$0xD0];
	v16 =	vmul.f32 v28, v5;
	v33 =	vadd.f32 $0.0e+00, v62;
	v36 =	vadd.f32 v14, v36  }
0x225: {  	v17 =	vmul.f32 $5.000000000e-01, v38;
	v40 =	vadd.f32 $0.0e+00, v21;
	v21 =	vadd.f32 $0.0e+00, v30;
	v30 =	vld [tilespmem:s8+$0x70]  }
0x226: {  	v63 =	vld [tilespmem:s8+$0xE0];
	v18 =	vadd.f32 $0.0e+00, v43;
	v14 =	vmul.f32 v5, v59;
	v26 =	vadd.f32 v26, v29  }
0x227: {  	v28 =	vld [tilespmem:s8+$0xF0];
	v36 =	vadd.f32 v36, v37;
	v24 =	vmul.f32 v31, v5;
	v31 =	vmul.f32 v22, v39  }
0x228: {  	v25 =	vadd.f32 v40, v32;
	v22 =	vmul.f32 v27, v12;
	v12 =	vmul.f32 v39, v41  }
0x229: {  	v29 =	vmul.f32 v42, v39;
	v32 =	vmul.f32 v8, v15;
	v8 =	vadd.f32 v36, v35  }
0x22a: {  	v15 =	vld [tilespmem:s8+$0x60];
	v25 =	vadd.f32 v25, v60;
	v27 =	vmul.f32 v30, v4;
	v12 =	vadd.f32 v33, v12  }
0x22b: {  	s11 =	simm.s32 $0x80;
	v30 =	vmul.f32 v44, v5;
	v31 =	vadd.f32 v31, v18;
	v18 =	vmul.f32 v63, v4  }
.LBB2_11:
0x22c: {  	s12 =	sshra.s32 s11, $0x2;
	p1 =	sne.s32 s11, $0xC0;
	s11 =	sadd.s32 $0x40, s11;
	v21 =	vadd.f32 v29, v21;
	v28 =	vmul.f32 v28, v4;
	v9 =	vadd.f32 v9, v32  }
0x22d: {  	v23 =	vmul.f32 $5.000000000e-01, v23;
	v24 =	vadd.f32 v24, v26;
	v29 =	vld [tilespmem:s12+$0xBA0];
	v26 =	vadd.f32 v30, v31  }
0x22e: {  	v31 =	vmul.f32 v8, v7;
	v30 =	vld [tilespmem:s12+$0x1170];
	v19 =	vadd.f32 v19, v21;
	v21 =	vadd.f32 $0.0e+00, v22  }
0x22f: {  	v22 =	vadd.f32 v27, v24;
	v15 =	vmul.f32 v15, v4;
	v24 =	vadd.f32 v28, v26  }
0x230: {  	v8 =	vmul.f32 $5.000000000e-01, v13;
	v2 =	vadd.f32 v2, v9;
	v13 =	vadd.f32 v20, v21;
	v9 =	vld [tilespmem:s9+$0x0];
	s9 =	smov.u32 s30;
	s30 =	smov.u32 s12  }
0x231: {  	v10 =	vadd.f32 v10, v25;
	v15 =	vadd.f32 v15, v19;
	v19 =	vmul.f32 v24, v23  }
0x232: {  	v22 =	vmul.f32 v22, v17;
	v20 =	vand.u32 $0x7FFFFFFF, v29;
	v21 =	vand.u32 $0x80000000, v29;
	v24 =	vld [tilespmem:s8+$0xFFFFFF60]  }
0x233: {  	v6 =	vadd.f32 v6, v2;
	v25 =	vmul.f32 v20, v0;
	v26 =	vand.u32 $0x7FFFFFFF, v30  }
0x234: {  	v28 =	vadd.f32 $0.0e+00, v31;
	v10 =	vmul.f32 v10, v8;
	v27 =	vmul.f32 v26, v0  }
0x235: {  	v2 =	vmul.f32 v15, v17;
	v25 =	vfloor.f32 v25;
	v6 =	vsub.f32 v9, v6  }
0x236: {  	v10 =	vadd.f32 v28, v10;
	v9 =	vsub.f32 v20, v25;
	v15 =	vfloor.f32 v27  }
0x237: {  	v17 =	vsub.f32 v26, v15;
	v20 =	vmul.f32 v4, v24;
	v15 =	vld [tilespmem:s8+$0xFFFFFFE0];
	v6 =	vmul.f32 v6, v6  }
0x238: {  	v3 =	vmul.f32 v3, v3;
	v10 =	vadd.f32 v22, v10;
	vm0 =	veq.f32 v9, $1.000000000e+00;
	v24 =	vld [tilespmem:s8+$0xFFFFFFC0]  }
0x239: {  	s8 =	sadd.s32 $0x200, s8;
	v9 =	vsel vm0, $0x0, v9;
	vm0 =	veq.f32 v17, $1.000000000e+00;
	v22 =	vld [tilespmem:s9+$0x5D0];
	v1 =	vadd.f32 v6, v1  }
0x23a: {  	v25 =	vand.u32 $0x80000000, v30;
	v6 =	vand.u32 $0x7FFFFFFF, v9;
	v9 =	vsel vm0, $0x0, v17;
	v17 =	vld [tilespmem:s8+$0xC0]  }
0x23b: {  	v21 =	vor.u32 v21, v6;
	v6 =	vand.u32 $0x7FFFFFFF, v9;
	v27 =	vld [tilespmem:s8+$0xA0];
	v1 =	vadd.f32 v3, v1  }
0x23c: {  	v3 =	vadd.f32 v11, v14;
	v25 =	vor.u32 v25, v6;
	v26 =	vld [tilespmem:s8+$0xB0];
	v6 =	vadd.f32 v19, v10  }
0x23d: {  	v28 =	vmul.f32 v21, v21;
	v10 =	vadd.f32 v16, v13;
	v9 =	vmul.f32 v25, v25;
	v29 =	vld [tilespmem:s8+$0x90]  }
0x23e: {  	v11 =	vadd.f32 v3, v20;
	v16 =	vld [tilespmem:s8+$0xFFFFFF80];
	v3 =	vsub.f32 v22, v6  }
0x23f: {  	v20 =	vmul.f32 v28, v21;
	v13 =	vmul.f32 $4.000000000e+00, v28;
	v6 =	vadd.f32 v18, v10;
	v14 =	vld [tilespmem:s8+$0x30]  }
0x240: {  	v10 =	vmul.f32 v9, v25;
	v18 =	vadd.f32 v9, v9;
	v19 =	vmul.f32 $5.000000000e+00, v9;
	v22 =	vld [tilespmem:s8+$0x40]  }
0x241: {  	v30 =	vadd.f32 v28, v28;
	v31 =	vmul.f32 $4.000000000e+00, v9;
	v7 =	vmul.f32 v11, v7;
	v32 =	vld [tilespmem:s8+$0xFFFFFFB0]  }
0x242: {  	v11 =	vsub.f32 $0.0e+00, v20;
	v33 =	vsub.f32 $0.0e+00, v10;
	v34 =	vmul.f32 $3.000000000e+00, v10;
	v35 =	vld [tilespmem:s8+$0xFFFFFF70]  }
0x243: {  	v36 =	vmul.f32 $3.000000000e+00, v20;
	v10 =	vsub.f32 v10, v9;
	v9 =	vadd.f32 $0.0e+00, v7;
	v37 =	vld [tilespmem:s8+$0xFFFFFFD0]  }
0x244: {  	v6 =	vmul.f32 v6, v23;
	v7 =	vadd.f32 v33, v18;
	v18 =	vsub.f32 v31, v34;
	v31 =	vld [tilespmem:s8+$0xFFFFFFF0]  }
0x245: {  	v13 =	vsub.f32 v13, v36;
	v19 =	vsub.f32 v34, v19;
	v33 =	vmul.f32 $5.000000000e-01, v10;
	v23 =	vld [tilespmem:s8+$0xFFFFFF00]  }
0x246: {  	v11 =	vadd.f32 v11, v30;
	v10 =	vmul.f32 $5.000000000e+00, v28;
	v7 =	vsub.f32 v7, v25;
	v30 =	vld [tilespmem:s8+$0xFFFFFF10]  }
0x247: {  	v24 =	vmul.f32 v24, v5;
	v19 =	vadd.f32 $2.000000000e+00, v19;
	v34 =	vld [tilespmem:s8+$0xFFFFFF20];
	v35 =	vmul.f32 v33, v35  }
0x248: {  	v5 =	vsub.f32 v36, v10;
	v36 =	vmul.f32 $5.000000000e-01, v7;
	v7 =	vadd.f32 v18, v25;
	v18 =	vld [tilespmem:s8+$0xFFFFFF30]  }
0x249: {  	v25 =	vadd.f32 v13, v21;
	v38 =	vmul.f32 $5.000000000e-01, v19;
	v19 =	vld [tilespmem:s8+$0xFFFFFF90];
	v10 =	vmul.f32 v31, v33  }
0x24a: {  	v13 =	vadd.f32 $2.000000000e+00, v5;
	v5 =	vmul.f32 $5.000000000e-01, v7;
	v7 =	vmul.f32 v36, v23;
	v23 =	vld [tilespmem:s8+$0x0]  }
0x24b: {  	v12 =	vadd.f32 v12, v24;
	v11 =	vsub.f32 v11, v21;
	v21 =	vmul.f32 v36, v30;
	v30 =	vld [tilespmem:s8+$0x10]  }
0x24c: {  	v37 =	vmul.f32 v37, v5;
	v24 =	vadd.f32 $0.0e+00, v7;
	v31 =	vmul.f32 v38, v34;
	v34 =	vld [tilespmem:s8+$0xFFFFFF40]  }
0x24d: {  	v32 =	vmul.f32 v38, v32;
	v21 =	vadd.f32 $0.0e+00, v21;
	v18 =	vmul.f32 v38, v18;
	v39 =	vld [tilespmem:s8+$0xFFFFFF50]  }
0x24e: {  	v7 =	vmul.f32 $5.000000000e-01, v11;
	v11 =	vadd.f32 v24, v31;
	v24 =	vmul.f32 v36, v19;
	v31 =	vld [tilespmem:s8+$0x50]  }
0x24f: {  	v19 =	vmul.f32 v22, v5;
	v18 =	vadd.f32 v21, v18;
	v21 =	vmul.f32 v23, v36;
	v22 =	vld [tilespmem:s8+$0x80]  }
0x250: {  	v40 =	vadd.f32 $0.0e+00, v24;
	v41 =	vld [tilespmem:s8+$0xFFFFFFA0];
	v23 =	vmul.f32 v30, v36;
	v30 =	vmul.f32 v14, v38  }
0x251: {  	v16 =	vmul.f32 v36, v16;
	v14 =	vmul.f32 v5, v34;
	v21 =	vadd.f32 $0.0e+00, v21;
	v34 =	vld [tilespmem:s8+$0x70]  }
0x252: {  	v44 =	vmul.f32 v29, v36;
	v39 =	vmul.f32 v5, v39;
	v42 =	vadd.f32 $0.0e+00, v23;
	v43 =	vld [tilespmem:s8+$0x20]  }
0x253: {  	v23 =	vsub.f32 v20, v28;
	v24 =	vmul.f32 v31, v5;
	v31 =	vmul.f32 v26, v38  }
0x254: {  	v20 =	vmul.f32 v27, v38;
	v26 =	vadd.f32 v30, v42;
	v22 =	vmul.f32 v22, v36;
	v30 =	vld [tilespmem:s8+$0xD0]  }
0x255: {  	v15 =	vmul.f32 v15, v4;
	v4 =	vmovc v33;
	v18 =	vadd.f32 v18, v39;
	v36 =	vmul.f32 v38, v41;
	v39 =	vld [tilespmem:s8+$0xE0]  }
.Ltmp7:
0x256: {  	v33 =	vadd.f32 $0.0e+00, v16;
	v32 =	vadd.f32 v40, v32;
	v27 =	vmul.f32 v34, v4;
	v28 =	vld [tilespmem:s8+$0xF0];
	(pc) =	sbr.rel @p1 .LBB2_11-.Ltmp7, $4  }
0x257: {  	v16 =	vmul.f32 v17, v5;
	v34 =	vadd.f32 v12, v15;
	v29 =	vmul.f32 v43, v38  }
0x258: {  	v17 =	vmul.f32 $5.000000000e-01, v25;
	v25 =	vadd.f32 v32, v37;
	v37 =	vadd.f32 $0.0e+00, v44  }
0x259: {  	v12 =	vadd.f32 v33, v36;
	v32 =	vmul.f32 v34, v8;
	v15 =	vld [tilespmem:s8+$0x60];
	v30 =	vmul.f32 v30, v5  }
0x25a: {  	v31 =	vadd.f32 v31, v37;
	v8 =	vadd.f32 v18, v35;
	v18 =	vmul.f32 v39, v4  }
0x25b: {  	v33 =	vld [tilespmem:s8+$0xFFFFFF60]  }
0x25c: {  	v34 =	vld [tilespmem:s8+$0xFFFFFFC0];
	_ =	sdelay $0x1  }
0x25d: {  	v21 =	vadd.f32 v29, v21;
	v42 =	vld [tilespmem:s8+$0xFFFFFFE0]  }
0x25e: {  	v9 =	vadd.f32 v9, v32;
	v24 =	vadd.f32 v24, v26  }
0x25f: {  	v43 =	vmul.f32 v28, v4;
	v11 =	vadd.f32 v11, v14;
	v47 =	vadd.f32 $0.0e+00, v22  }
0x260: {  	v52 =	vadd.f32 v10, v25;
	v45 =	vmul.f32 v4, v33;
	v5 =	vmul.f32 v34, v5  }
0x261: {  	v23 =	vmul.f32 $5.000000000e-01, v23;
	v44 =	vadd.f32 v30, v31;
	v46 =	vadd.f32 v19, v21  }
0x262: {  	v48 =	vmul.f32 v42, v4;
	v11 =	vadd.f32 v11, v45;
	v5 =	vadd.f32 v12, v5  }
0x263: {  	v13 =	vmul.f32 $5.000000000e-01, v13;
	v49 =	vadd.f32 v27, v24;
	v19 =	vadd.f32 v20, v47  }
0x264: {  	v50 =	vld [tilespmem:s9+$0x0];
	v15 =	vmul.f32 v15, v4;
	v11 =	vmul.f32 v11, v7;
	v4 =	vadd.f32 v5, v48  }
0x265: {  	v51 =	vmul.f32 v8, v7;
	v2 =	vadd.f32 v2, v9;
	v54 =	vadd.f32 v16, v19  }
0x266: {  	v53 =	vadd.f32 v15, v46;
	v11 =	vadd.f32 $0.0e+00, v11;
	v4 =	vmul.f32 v4, v13  }
0x267: {  	v55 =	vmul.f32 v52, v13;
	v2 =	vadd.f32 v6, v2;
	v57 =	vadd.f32 v18, v54  }
0x268: {  	v56 =	vmul.f32 v53, v17;
	v5 =	vadd.f32 $0.0e+00, v51;
	v4 =	vadd.f32 v11, v4  }
0x269: {  	v60 =	vld [tilespmem:s30+$0x0];
	v58 =	vadd.f32 v43, v44;
	v59 =	vmul.f32 v49, v17;
	v2 =	vsub.f32 v50, v2  }
0x26a: {  	v61 =	vmul.f32 v57, v23;
	v5 =	vadd.f32 v5, v55;
	v4 =	vadd.f32 v56, v4  }
0x26b: {  	v62 =	vld [tilespmem:s30+$0x5D0];
	v2 =	vmul.f32 v2, v2  }
0x26c: {  	v63 =	vmul.f32 v58, v23;
	v5 =	vadd.f32 v59, v5;
	v4 =	vadd.f32 v61, v4  }
0x26d: {  	v1 =	vadd.f32 v2, v1  }
0x26e: {  	v2 =	vmul.f32 v3, v3;
	v3 =	vadd.f32 v63, v5;
	v4 =	vsub.f32 v60, v4;
	_ =	sdelay $0x1  }
.Ltmp8:
0x26f: {  	v1 =	vadd.f32 v2, v1;
	v2 =	vsub.f32 v62, v3;
	v3 =	vmul.f32 v4, v4;
	(pc) =	sbr.rel .LBB2_13-.Ltmp8, $3  }
0x270: {  	_ = 	snop  }
0x271: {  	v2 =	vmul.f32 v2, v2;
	v1 =	vadd.f32 v3, v1;
	_ =	sdelay $0x1  }
0x272: {  	v1 =	vadd.f32 v2, v1  }
.LBB2_14:
0x273: {  	_ =	sfence.sel $0x180000  }
0x274: {  	[bflag:$0x0] =	sbarrier.arrive $0xFFFF  }
0x275: {  	_ =	strace $0x90000047  }
0x276: {  	s0 =	stileid.u32;
	[bflag:$0x2] =	sbarrier.arrive $0xFFFF  }
0x277: {  	p0 =	sne.s32 s0, $0x0;
	s0 =	rddreg [dreg:$0x8]  }
0x278: {  	s0 =	sadd.s32 @!p0 $0x100000, s0  }
0x279: {  	[sflag:s0] =	ssyncadd.tile.s32 @!p0 $0x1;
	_ =	shalt  }
.Lfunc_end2:
_tile_overlayer_lowered:
.L_overlay_start_2:
0x27a: {  	(tag) =	ssettag $0x2  }
0x27b: {  	s0 =	rddreg [dreg:$0x0];
	s2 =	stileid.u32  }
0x27c: {  	s1 =	rddreg [dreg:$0x1];
	p0 =	sne.s32 s2, $0x0  }
0x27d: {  	s3 =	rddreg [dreg:$0x2];
	[bflag:$0x3] =	sbarrier.arrive $0xFFFF;
	s2 =	simm.s32 @!p0 $0x1C02  }
0x27e: {  	[timem:s3], [sflag:s2] =	dma.local @!p0 [hbm:s0], s1  }
0x27f: {  	s0 =	simm.s32 @!p0 $0x2  }
0x280: {  	_ =	swait.ge @!p0 [sflag:s0], s1  }
0x281: {  	s1 =	ssub.s32 @!p0 $0x0, s1;
	[sflag:s0] =	ssyncset.done @!p0 $0x0  }
0x282: {  	[sflag:s0] =	ssyncadd.s32 @!p0 s1  }
0x283: {  	[bflag:$0x3] =	sbarrier.arrive $0xFFFF  }
0x284: {  	_ =	shalt  }

</sc_bundles>
